<compile_context>
chip_gen: v7x
topology: tpu7x:2x2x1
jax: 0.10.2.dev20260603
libtpu: 0.0.44.dev20260713+nightly
codegen_flags: <defaults>
</compile_context>

<pallas_src>
import functools

import jax
import jax.numpy as jnp
from jax import lax
from jax.experimental import pallas as pl
from jax.experimental.pallas import tpu as pltpu
from jax.experimental.pallas import tpu_sc as plsc

NUM_USERS = 100000
NUM_ITEMS = 100000
D = 128
B = 16384

NC, NS, L = 2, 16, 16
NW = NC * NS
BPW = B // NW
CHUNK = 64
NCHUNK = BPW // CHUNK


def _mf_body(uidx_hbm, iidx_hbm, uemb_hbm, iemb_hbm, ubias_hbm, ibias_hbm,
             ob_hbm, out_hbm,
             uidx_v, iidx_v, ub_v, ib_v, ob_v, out_v, u_rows, i_rows, tp_v,
             u_sem, i_sem, b_sem):
    wid = lax.axis_index("s") * NC + lax.axis_index("c")
    base = wid * BPW

    def mk(c, p):
        sl = pl.ds(c * CHUNK, CHUNK)
        cu = pltpu.make_async_copy(uemb_hbm.at[uidx_v.at[sl]], u_rows.at[p], u_sem.at[p])
        ci = pltpu.make_async_copy(iemb_hbm.at[iidx_v.at[sl]], i_rows.at[p], i_sem.at[p])
        return cu, ci

    c0u = pltpu.make_async_copy(uidx_hbm.at[pl.ds(base, CHUNK)],
                                uidx_v.at[pl.ds(0, CHUNK)], u_sem.at[0])
    c0i = pltpu.make_async_copy(iidx_hbm.at[pl.ds(base, CHUNK)],
                                iidx_v.at[pl.ds(0, CHUNK)], i_sem.at[0])
    c0u.start()
    c0i.start()
    c0u.wait()
    c0i.wait()

    cu0, ci0 = mk(0, 0)
    cu0.start()
    ci0.start()

    cru = pltpu.make_async_copy(uidx_hbm.at[pl.ds(base + CHUNK, BPW - CHUNK)],
                                uidx_v.at[pl.ds(CHUNK, BPW - CHUNK)], u_sem.at[1])
    cri = pltpu.make_async_copy(iidx_hbm.at[pl.ds(base + CHUNK, BPW - CHUNK)],
                                iidx_v.at[pl.ds(CHUNK, BPW - CHUNK)], i_sem.at[1])
    cru.start()
    cri.start()
    pltpu.sync_copy(ob_hbm, ob_v)
    cru.wait()
    cri.wait()

    bias_copies = []
    for c in range(NCHUNK):
        sl = pl.ds(c * CHUNK, CHUNK)
        bias_copies.append(pltpu.async_copy(ubias_hbm.at[uidx_v.at[sl]], ub_v.at[sl], b_sem))
        bias_copies.append(pltpu.async_copy(ibias_hbm.at[iidx_v.at[sl]], ib_v.at[sl], b_sem))
    for bc in bias_copies:
        bc.wait()
    obv = ob_v[...]
    lane = lax.iota(jnp.int32, L)

    def cbody(c, _):
        p = lax.rem(c, 2)

        @pl.when(c + 1 < NCHUNK)
        def _fire_next():
            cu, ci = mk(c + 1, lax.rem(c + 1, 2))
            cu.start()
            ci.start()

        cu, ci = mk(c, p)
        cu.wait()
        ci.wait()

        def gbody(g, _):
            NR = 4
            sl0 = pl.ds(0, L)
            for rr in range(0, L, NR):
                rs = [g * L + rr + j for j in range(NR)]
                accs = [u_rows[p, r, sl0] * i_rows[p, r, sl0] for r in rs]
                for k in range(1, D // L):
                    sl = pl.ds(k * L, L)
                    for j, r in enumerate(rs):
                        accs[j] = accs[j] + u_rows[p, r, sl] * i_rows[p, r, sl]
                for j in range(NR):
                    tp_v[rr + j, sl0] = accs[j]
            cols = [plsc.load_gather(tp_v, [lane, jnp.full((L,), l, jnp.int32)])
                    for l in range(L)]
            while len(cols) > 1:
                cols = [cols[i] + cols[i + 1] for i in range(0, len(cols), 2)]
            sl16 = pl.ds(c * CHUNK + g * L, L)
            out_v[sl16] = cols[0] + ub_v[sl16] + ib_v[sl16] + obv
            return _

        lax.fori_loop(0, CHUNK // L, gbody, 0)
        return _

    lax.fori_loop(0, NCHUNK, cbody, 0)

    pltpu.sync_copy(out_v, out_hbm.at[pl.ds(base, BPW)])


@jax.jit
def kernel(userIdx, itemIdx, uEmbd, iEmbd, uBias, iBias, overAllBias):
    mesh = plsc.VectorSubcoreMesh(core_axis_name="c", subcore_axis_name="s")
    mf = functools.partial(
        pl.kernel,
        out_type=jax.ShapeDtypeStruct((B,), jnp.float32),
        mesh=mesh,
        compiler_params=pltpu.CompilerParams(needs_layout_passes=False),
        scratch_types=[
            pltpu.VMEM((BPW,), jnp.int32),
            pltpu.VMEM((BPW,), jnp.int32),
            pltpu.VMEM((BPW,), jnp.float32),
            pltpu.VMEM((BPW,), jnp.float32),
            pltpu.VMEM((L,), jnp.float32),
            pltpu.VMEM((BPW,), jnp.float32),
            pltpu.VMEM((2, CHUNK, D), jnp.float32),
            pltpu.VMEM((2, CHUNK, D), jnp.float32),
            pltpu.VMEM((L, L + 1), jnp.float32),
            pltpu.SemaphoreType.DMA((2,)),
            pltpu.SemaphoreType.DMA((2,)),
            pltpu.SemaphoreType.DMA,
        ],
    )(_mf_body)
    ob16 = jnp.broadcast_to(overAllBias.astype(jnp.float32), (L,))
    return mf(userIdx.astype(jnp.int32), itemIdx.astype(jnp.int32),
              uEmbd, iEmbd,
              uBias.reshape(NUM_USERS), iBias.reshape(NUM_ITEMS), ob16)

# --- scband reference (transcript-rebuilt; emitter-appended) ---
"""Pipeline reference for scband-mf-65910568124530 (READ-ONLY COPY).

The authoritative reference and input builder live on the scoring server;
editing this copy changes nothing except your own understanding.
"""

import jax, jax.numpy as jnp
import numpy as np

NUM_USERS = 100000
NUM_ITEMS = 100000
EMBED_DIM = 128
BATCH = 16384


def setup_inputs(seed: int = 0) -> dict:
    key = jax.random.key(seed)
    k1, k2, k3, k4, k5, k6 = jax.random.split(key, 6)
    userIdx = jax.random.randint(k1, (BATCH,), 0, NUM_USERS, dtype=jnp.int64 if jax.config.jax_enable_x64 else jnp.int32)
    itemIdx = jax.random.randint(k2, (BATCH,), 0, NUM_ITEMS, dtype=jnp.int64 if jax.config.jax_enable_x64 else jnp.int32)
    uEmbd = jax.random.normal(k3, (NUM_USERS, EMBED_DIM), dtype=jnp.float32) * 0.05
    iEmbd = jax.random.normal(k4, (NUM_ITEMS, EMBED_DIM), dtype=jnp.float32) * 0.05
    uBias = jax.random.normal(k5, (NUM_USERS, 1), dtype=jnp.float32) * 0.05
    iBias = jax.random.normal(k6, (NUM_ITEMS, 1), dtype=jnp.float32) * 0.05
    overAllBias = jnp.zeros((1,), dtype=jnp.float32)
    return {
        "userIdx": userIdx,
        "itemIdx": itemIdx,
        "uEmbd": uEmbd,
        "iEmbd": iEmbd,
        "uBias": uBias,
        "iBias": iBias,
        "overAllBias": overAllBias,
    }


def reference(userIdx, itemIdx, uEmbd, iEmbd, uBias, iBias, overAllBias):
    uembd = jnp.take(uEmbd, userIdx, axis=0)      # [B, D]
    iembd = jnp.take(iEmbd, itemIdx, axis=0)      # [B, D]
    ubias = jnp.take(uBias, userIdx, axis=0)      # [B, 1]
    ibias = jnp.take(iBias, itemIdx, axis=0)      # [B, 1]
    biases = ubias + ibias + overAllBias          # [B, 1]
    prediction = jnp.sum(uembd * iembd, axis=1) + biases.reshape(-1)
    return prediction

if __name__ == "__main__":
    import jax
    _d = setup_inputs()
    print(jax.jit(kernel)(*tuple(_d.values())))

</pallas_src>

<mosaic_0001>
#map = affine_map<(d0, d1) -> (0)>
#map1 = affine_map<(d0, d1) -> (0, 0)>
module attributes {stable_mosaic.version = 14 : i64} {
  func.func @_mf_body(%arg0: i32, %arg1: i32, %arg2: memref<16384xi32, #tpu.memory_space<hbm>>, %arg3: memref<16384xi32, #tpu.memory_space<hbm>>, %arg4: memref<100000x128xf32, #tpu.memory_space<hbm>>, %arg5: memref<100000x128xf32, #tpu.memory_space<hbm>>, %arg6: memref<100000xf32, #tpu.memory_space<hbm>>, %arg7: memref<100000xf32, #tpu.memory_space<hbm>>, %arg8: memref<16xf32, #tpu.memory_space<hbm>>, %arg9: memref<16384xf32, #tpu.memory_space<hbm>>, %arg10: memref<512xi32, #tpu.memory_space<vmem>>, %arg11: memref<512xi32, #tpu.memory_space<vmem>>, %arg12: memref<512xf32, #tpu.memory_space<vmem>>, %arg13: memref<512xf32, #tpu.memory_space<vmem>>, %arg14: memref<16xf32, #tpu.memory_space<vmem>>, %arg15: memref<512xf32, #tpu.memory_space<vmem>>, %arg16: memref<2x64x128xf32, #tpu.memory_space<vmem>>, %arg17: memref<2x64x128xf32, #tpu.memory_space<vmem>>, %arg18: memref<16x17xf32, #tpu.memory_space<vmem>>, %arg19: memref<2x!tpu.dma_semaphore, #tpu.memory_space<semaphore_mem>>, %arg20: memref<2x!tpu.dma_semaphore, #tpu.memory_space<semaphore_mem>>, %arg21: memref<!tpu.dma_semaphore, #tpu.memory_space<semaphore_mem>>) attributes {dimension_semantics = [#tpu.dimension_semantics<core_parallel>, #tpu.dimension_semantics<subcore_parallel>], iteration_bounds = array<i64: 2, 16>, scalar_prefetch = 0 : i64, scratch_operands = 12 : i64, tpu.core_type = #tpu.core_type<sc_vector_subcore>, window_params = [{transform_indices = #map}, {transform_indices = #map}, {transform_indices = #map1}, {transform_indices = #map1}, {transform_indices = #map}, {transform_indices = #map}, {transform_indices = #map}, {transform_indices = #map}]} {
    %mul3A = arith.constant 2 : i32
    %mul3A_0 = arith.muli %arg1, %mul3A : i32
    %add3A = arith.addi %mul3A_0, %arg0 : i32
    %mul3A_1 = arith.constant 512 : i32
    %mul3A_2 = arith.muli %add3A, %mul3A_1 : i32
    %dma_start3A = arith.constant 0 : i32
    %dma_start3A_3 = arith.constant 0 : i32
    %dma_start3A_4 = tpu.memref_slice %arg10[%dma_start3A_3] : memref<512xi32, #tpu.memory_space<vmem>> -> memref<64xi32, #tpu.memory_space<vmem>>
    %dma_start3A_5 = tpu.memref_slice %arg2[%mul3A_2] : memref<16384xi32, #tpu.memory_space<hbm>> -> memref<64xi32, #tpu.memory_space<hbm>>
    %dma_start3A_6 = tpu.memref_slice %arg19[%dma_start3A] : memref<2x!tpu.dma_semaphore, #tpu.memory_space<semaphore_mem>> -> memref<1x!tpu.dma_semaphore, #tpu.memory_space<semaphore_mem>>
    %dma_start3A_7 = tpu.memref_squeeze %dma_start3A_6 : memref<1x!tpu.dma_semaphore, #tpu.memory_space<semaphore_mem>> -> memref<!tpu.dma_semaphore, #tpu.memory_space<semaphore_mem>>
    %dma_start3A_8 = arith.constant 0 : i32
    %dma_start3A_9 = tpu.memref_slice %arg10[%dma_start3A_8] : memref<512xi32, #tpu.memory_space<vmem>> -> memref<64xi32, #tpu.memory_space<vmem>>
    %dma_start3A_10 = tpu.memref_slice %arg2[%mul3A_2] : memref<16384xi32, #tpu.memory_space<hbm>> -> memref<64xi32, #tpu.memory_space<hbm>>
    tpu.enqueue_dma source(%dma_start3A_10 : memref<64xi32, #tpu.memory_space<hbm>>) target(%dma_start3A_9 : memref<64xi32, #tpu.memory_space<vmem>>) target_semaphore(%dma_start3A_7 : memref<!tpu.dma_semaphore, #tpu.memory_space<semaphore_mem>>)
    %dma_start3A_11 = arith.constant 0 : i32
    %dma_start3A_12 = arith.constant 0 : i32
    %dma_start3A_13 = tpu.memref_slice %arg11[%dma_start3A_12] : memref<512xi32, #tpu.memory_space<vmem>> -> memref<64xi32, #tpu.memory_space<vmem>>
    %dma_start3A_14 = tpu.memref_slice %arg3[%mul3A_2] : memref<16384xi32, #tpu.memory_space<hbm>> -> memref<64xi32, #tpu.memory_space<hbm>>
    %dma_start3A_15 = tpu.memref_slice %arg20[%dma_start3A_11] : memref<2x!tpu.dma_semaphore, #tpu.memory_space<semaphore_mem>> -> memref<1x!tpu.dma_semaphore, #tpu.memory_space<semaphore_mem>>
    %dma_start3A_16 = tpu.memref_squeeze %dma_start3A_15 : memref<1x!tpu.dma_semaphore, #tpu.memory_space<semaphore_mem>> -> memref<!tpu.dma_semaphore, #tpu.memory_space<semaphore_mem>>
    %dma_start3A_17 = arith.constant 0 : i32
    %dma_start3A_18 = tpu.memref_slice %arg11[%dma_start3A_17] : memref<512xi32, #tpu.memory_space<vmem>> -> memref<64xi32, #tpu.memory_space<vmem>>
    %dma_start3A_19 = tpu.memref_slice %arg3[%mul3A_2] : memref<16384xi32, #tpu.memory_space<hbm>> -> memref<64xi32, #tpu.memory_space<hbm>>
    tpu.enqueue_dma source(%dma_start3A_19 : memref<64xi32, #tpu.memory_space<hbm>>) target(%dma_start3A_18 : memref<64xi32, #tpu.memory_space<vmem>>) target_semaphore(%dma_start3A_16 : memref<!tpu.dma_semaphore, #tpu.memory_space<semaphore_mem>>)
    %dma_wait3A = arith.constant 0 : i32
    %dma_wait3A_20 = arith.constant 0 : i32
    %dma_wait3A_21 = tpu.memref_slice %arg10[%dma_wait3A_20] : memref<512xi32, #tpu.memory_space<vmem>> -> memref<64xi32, #tpu.memory_space<vmem>>
    %dma_wait3A_22 = tpu.memref_slice %arg2[%mul3A_2] : memref<16384xi32, #tpu.memory_space<hbm>> -> memref<64xi32, #tpu.memory_space<hbm>>
    %dma_wait3A_23 = tpu.memref_slice %arg19[%dma_wait3A] : memref<2x!tpu.dma_semaphore, #tpu.memory_space<semaphore_mem>> -> memref<1x!tpu.dma_semaphore, #tpu.memory_space<semaphore_mem>>
    %dma_wait3A_24 = tpu.memref_squeeze %dma_wait3A_23 : memref<1x!tpu.dma_semaphore, #tpu.memory_space<semaphore_mem>> -> memref<!tpu.dma_semaphore, #tpu.memory_space<semaphore_mem>>
    %dma_wait3A_25 = arith.constant 0 : i32
    %dma_wait3A_26 = tpu.memref_slice %arg10[%dma_wait3A_25] : memref<512xi32, #tpu.memory_space<vmem>> -> memref<64xi32, #tpu.memory_space<vmem>>
    %dma_wait3A_27 = tpu.memref_slice %arg2[%mul3A_2] : memref<16384xi32, #tpu.memory_space<hbm>> -> memref<64xi32, #tpu.memory_space<hbm>>
    tpu.wait_dma2 semaphore(%dma_wait3A_24 : memref<!tpu.dma_semaphore, #tpu.memory_space<semaphore_mem>>) src(%dma_wait3A_27 : memref<64xi32, #tpu.memory_space<hbm>>) dst(%dma_wait3A_26 : memref<64xi32, #tpu.memory_space<vmem>>)
    %dma_wait3A_28 = arith.constant 0 : i32
    %dma_wait3A_29 = arith.constant 0 : i32
    %dma_wait3A_30 = tpu.memref_slice %arg11[%dma_wait3A_29] : memref<512xi32, #tpu.memory_space<vmem>> -> memref<64xi32, #tpu.memory_space<vmem>>
    %dma_wait3A_31 = tpu.memref_slice %arg3[%mul3A_2] : memref<16384xi32, #tpu.memory_space<hbm>> -> memref<64xi32, #tpu.memory_space<hbm>>
    %dma_wait3A_32 = tpu.memref_slice %arg20[%dma_wait3A_28] : memref<2x!tpu.dma_semaphore, #tpu.memory_space<semaphore_mem>> -> memref<1x!tpu.dma_semaphore, #tpu.memory_space<semaphore_mem>>
    %dma_wait3A_33 = tpu.memref_squeeze %dma_wait3A_32 : memref<1x!tpu.dma_semaphore, #tpu.memory_space<semaphore_mem>> -> memref<!tpu.dma_semaphore, #tpu.memory_space<semaphore_mem>>
    %dma_wait3A_34 = arith.constant 0 : i32
    %dma_wait3A_35 = tpu.memref_slice %arg11[%dma_wait3A_34] : memref<512xi32, #tpu.memory_space<vmem>> -> memref<64xi32, #tpu.memory_space<vmem>>
    %dma_wait3A_36 = tpu.memref_slice %arg3[%mul3A_2] : memref<16384xi32, #tpu.memory_space<hbm>> -> memref<64xi32, #tpu.memory_space<hbm>>
    tpu.wait_dma2 semaphore(%dma_wait3A_33 : memref<!tpu.dma_semaphore, #tpu.memory_space<semaphore_mem>>) src(%dma_wait3A_36 : memref<64xi32, #tpu.memory_space<hbm>>) dst(%dma_wait3A_35 : memref<64xi32, #tpu.memory_space<vmem>>)
    %dma_start3A_37 = arith.constant 0 : i32
    %dma_start3A_38 = arith.constant 0 : i32
    %dma_start3A_39 = arith.constant 0 : i32
    %dma_start3A_40 = arith.constant 0 : i32
    %dma_start3A_41 = tpu.memref_slice %arg16[%dma_start3A_37, %dma_start3A_39, %dma_start3A_40] : memref<2x64x128xf32, #tpu.memory_space<vmem>> -> memref<1x64x128xf32, #tpu.memory_space<vmem>>
    %dma_start3A_42 = tpu.memref_squeeze %dma_start3A_41 : memref<1x64x128xf32, #tpu.memory_space<vmem>> -> memref<64x128xf32, #tpu.memory_space<vmem>>
    %dma_start3A_43 = arith.constant 0 : i32
    %dma_start3A_44 = tpu.memref_slice %arg10[%dma_start3A_43] : memref<512xi32, #tpu.memory_space<vmem>> -> memref<64xi32, #tpu.memory_space<vmem>>
    %dma_start3A_45 = arith.constant 0 : i32
    %dma_start3A_46 = arith.constant 0 : i32
    %dma_start3A_47 = tpu.memref_slice %arg4[%dma_start3A_45, %dma_start3A_46] : memref<100000x128xf32, #tpu.memory_space<hbm>> -> memref<100000x128xf32, #tpu.memory_space<hbm>>
    %dma_start3A_48 = tpu.memref_slice %arg19[%dma_start3A_38] : memref<2x!tpu.dma_semaphore, #tpu.memory_space<semaphore_mem>> -> memref<1x!tpu.dma_semaphore, #tpu.memory_space<semaphore_mem>>
    %dma_start3A_49 = tpu.memref_squeeze %dma_start3A_48 : memref<1x!tpu.dma_semaphore, #tpu.memory_space<semaphore_mem>> -> memref<!tpu.dma_semaphore, #tpu.memory_space<semaphore_mem>>
    tpu.enqueue_indirect_dma source(%dma_start3A_47 : memref<100000x128xf32, #tpu.memory_space<hbm>>) target(%dma_start3A_42 : memref<64x128xf32, #tpu.memory_space<vmem>>) offsets(%dma_start3A_44 : memref<64xi32, #tpu.memory_space<vmem>>) semaphore(%dma_start3A_49 : memref<!tpu.dma_semaphore, #tpu.memory_space<semaphore_mem>>)
    %dma_start3A_50 = arith.constant 0 : i32
    %dma_start3A_51 = arith.constant 0 : i32
    %dma_start3A_52 = arith.constant 0 : i32
    %dma_start3A_53 = arith.constant 0 : i32
    %dma_start3A_54 = tpu.memref_slice %arg17[%dma_start3A_50, %dma_start3A_52, %dma_start3A_53] : memref<2x64x128xf32, #tpu.memory_space<vmem>> -> memref<1x64x128xf32, #tpu.memory_space<vmem>>
    %dma_start3A_55 = tpu.memref_squeeze %dma_start3A_54 : memref<1x64x128xf32, #tpu.memory_space<vmem>> -> memref<64x128xf32, #tpu.memory_space<vmem>>
    %dma_start3A_56 = arith.constant 0 : i32
    %dma_start3A_57 = tpu.memref_slice %arg11[%dma_start3A_56] : memref<512xi32, #tpu.memory_space<vmem>> -> memref<64xi32, #tpu.memory_space<vmem>>
    %dma_start3A_58 = arith.constant 0 : i32
    %dma_start3A_59 = arith.constant 0 : i32
    %dma_start3A_60 = tpu.memref_slice %arg5[%dma_start3A_58, %dma_start3A_59] : memref<100000x128xf32, #tpu.memory_space<hbm>> -> memref<100000x128xf32, #tpu.memory_space<hbm>>
    %dma_start3A_61 = tpu.memref_slice %arg20[%dma_start3A_51] : memref<2x!tpu.dma_semaphore, #tpu.memory_space<semaphore_mem>> -> memref<1x!tpu.dma_semaphore, #tpu.memory_space<semaphore_mem>>
    %dma_start3A_62 = tpu.memref_squeeze %dma_start3A_61 : memref<1x!tpu.dma_semaphore, #tpu.memory_space<semaphore_mem>> -> memref<!tpu.dma_semaphore, #tpu.memory_space<semaphore_mem>>
    tpu.enqueue_indirect_dma source(%dma_start3A_60 : memref<100000x128xf32, #tpu.memory_space<hbm>>) target(%dma_start3A_55 : memref<64x128xf32, #tpu.memory_space<vmem>>) offsets(%dma_start3A_57 : memref<64xi32, #tpu.memory_space<vmem>>) semaphore(%dma_start3A_62 : memref<!tpu.dma_semaphore, #tpu.memory_space<semaphore_mem>>)
    %add3A_63 = arith.constant 64 : i32
    %add3A_64 = arith.addi %mul3A_2, %add3A_63 : i32
    %add3A_65 = arith.constant 64 : i32
    %add3A_66 = arith.addi %mul3A_2, %add3A_65 : i32
    %dma_start3A_67 = arith.constant 1 : i32
    %dma_start3A_68 = arith.constant 64 : i32
    %dma_start3A_69 = tpu.memref_slice %arg10[%dma_start3A_68] : memref<512xi32, #tpu.memory_space<vmem>> -> memref<448xi32, #tpu.memory_space<vmem>>
    %dma_start3A_70 = tpu.memref_slice %arg2[%add3A_64] : memref<16384xi32, #tpu.memory_space<hbm>> -> memref<448xi32, #tpu.memory_space<hbm>>
    %dma_start3A_71 = tpu.memref_slice %arg19[%dma_start3A_67] : memref<2x!tpu.dma_semaphore, #tpu.memory_space<semaphore_mem>> -> memref<1x!tpu.dma_semaphore, #tpu.memory_space<semaphore_mem>>
    %dma_start3A_72 = tpu.memref_squeeze %dma_start3A_71 : memref<1x!tpu.dma_semaphore, #tpu.memory_space<semaphore_mem>> -> memref<!tpu.dma_semaphore, #tpu.memory_space<semaphore_mem>>
    %dma_start3A_73 = arith.constant 64 : i32
    %dma_start3A_74 = tpu.memref_slice %arg10[%dma_start3A_73] : memref<512xi32, #tpu.memory_space<vmem>> -> memref<448xi32, #tpu.memory_space<vmem>>
    %dma_start3A_75 = tpu.memref_slice %arg2[%add3A_64] : memref<16384xi32, #tpu.memory_space<hbm>> -> memref<448xi32, #tpu.memory_space<hbm>>
    tpu.enqueue_dma source(%dma_start3A_75 : memref<448xi32, #tpu.memory_space<hbm>>) target(%dma_start3A_74 : memref<448xi32, #tpu.memory_space<vmem>>) target_semaphore(%dma_start3A_72 : memref<!tpu.dma_semaphore, #tpu.memory_space<semaphore_mem>>)
    %dma_start3A_76 = arith.constant 1 : i32
    %dma_start3A_77 = arith.constant 64 : i32
    %dma_start3A_78 = tpu.memref_slice %arg11[%dma_start3A_77] : memref<512xi32, #tpu.memory_space<vmem>> -> memref<448xi32, #tpu.memory_space<vmem>>
    %dma_start3A_79 = tpu.memref_slice %arg3[%add3A_66] : memref<16384xi32, #tpu.memory_space<hbm>> -> memref<448xi32, #tpu.memory_space<hbm>>
    %dma_start3A_80 = tpu.memref_slice %arg20[%dma_start3A_76] : memref<2x!tpu.dma_semaphore, #tpu.memory_space<semaphore_mem>> -> memref<1x!tpu.dma_semaphore, #tpu.memory_space<semaphore_mem>>
    %dma_start3A_81 = tpu.memref_squeeze %dma_start3A_80 : memref<1x!tpu.dma_semaphore, #tpu.memory_space<semaphore_mem>> -> memref<!tpu.dma_semaphore, #tpu.memory_space<semaphore_mem>>
    %dma_start3A_82 = arith.constant 64 : i32
    %dma_start3A_83 = tpu.memref_slice %arg11[%dma_start3A_82] : memref<512xi32, #tpu.memory_space<vmem>> -> memref<448xi32, #tpu.memory_space<vmem>>
    %dma_start3A_84 = tpu.memref_slice %arg3[%add3A_66] : memref<16384xi32, #tpu.memory_space<hbm>> -> memref<448xi32, #tpu.memory_space<hbm>>
    tpu.enqueue_dma source(%dma_start3A_84 : memref<448xi32, #tpu.memory_space<hbm>>) target(%dma_start3A_83 : memref<448xi32, #tpu.memory_space<vmem>>) target_semaphore(%dma_start3A_81 : memref<!tpu.dma_semaphore, #tpu.memory_space<semaphore_mem>>)
    "tpu.region"() ({
      %run_scoped3A = tpu.sem_alloc : memref<!tpu.dma_semaphore, #tpu.memory_space<semaphore_mem>>
      tpu.enqueue_dma source(%arg8 : memref<16xf32, #tpu.memory_space<hbm>>) target(%arg14 : memref<16xf32, #tpu.memory_space<vmem>>) target_semaphore(%run_scoped3A : memref<!tpu.dma_semaphore, #tpu.memory_space<semaphore_mem>>)
      tpu.wait_dma2 semaphore(%run_scoped3A : memref<!tpu.dma_semaphore, #tpu.memory_space<semaphore_mem>>) src(%arg8 : memref<16xf32, #tpu.memory_space<hbm>>) dst(%arg14 : memref<16xf32, #tpu.memory_space<vmem>>)
      tpu.yield
    }) : () -> ()
    %dma_wait3A_85 = arith.constant 1 : i32
    %dma_wait3A_86 = arith.constant 64 : i32
    %dma_wait3A_87 = tpu.memref_slice %arg10[%dma_wait3A_86] : memref<512xi32, #tpu.memory_space<vmem>> -> memref<448xi32, #tpu.memory_space<vmem>>
    %dma_wait3A_88 = tpu.memref_slice %arg2[%add3A_64] : memref<16384xi32, #tpu.memory_space<hbm>> -> memref<448xi32, #tpu.memory_space<hbm>>
    %dma_wait3A_89 = tpu.memref_slice %arg19[%dma_wait3A_85] : memref<2x!tpu.dma_semaphore, #tpu.memory_space<semaphore_mem>> -> memref<1x!tpu.dma_semaphore, #tpu.memory_space<semaphore_mem>>
    %dma_wait3A_90 = tpu.memref_squeeze %dma_wait3A_89 : memref<1x!tpu.dma_semaphore, #tpu.memory_space<semaphore_mem>> -> memref<!tpu.dma_semaphore, #tpu.memory_space<semaphore_mem>>
    %dma_wait3A_91 = arith.constant 64 : i32
    %dma_wait3A_92 = tpu.memref_slice %arg10[%dma_wait3A_91] : memref<512xi32, #tpu.memory_space<vmem>> -> memref<448xi32, #tpu.memory_space<vmem>>
    %dma_wait3A_93 = tpu.memref_slice %arg2[%add3A_64] : memref<16384xi32, #tpu.memory_space<hbm>> -> memref<448xi32, #tpu.memory_space<hbm>>
    tpu.wait_dma2 semaphore(%dma_wait3A_90 : memref<!tpu.dma_semaphore, #tpu.memory_space<semaphore_mem>>) src(%dma_wait3A_93 : memref<448xi32, #tpu.memory_space<hbm>>) dst(%dma_wait3A_92 : memref<448xi32, #tpu.memory_space<vmem>>)
    %dma_wait3A_94 = arith.constant 1 : i32
    %dma_wait3A_95 = arith.constant 64 : i32
    %dma_wait3A_96 = tpu.memref_slice %arg11[%dma_wait3A_95] : memref<512xi32, #tpu.memory_space<vmem>> -> memref<448xi32, #tpu.memory_space<vmem>>
    %dma_wait3A_97 = tpu.memref_slice %arg3[%add3A_66] : memref<16384xi32, #tpu.memory_space<hbm>> -> memref<448xi32, #tpu.memory_space<hbm>>
    %dma_wait3A_98 = tpu.memref_slice %arg20[%dma_wait3A_94] : memref<2x!tpu.dma_semaphore, #tpu.memory_space<semaphore_mem>> -> memref<1x!tpu.dma_semaphore, #tpu.memory_space<semaphore_mem>>
    %dma_wait3A_99 = tpu.memref_squeeze %dma_wait3A_98 : memref<1x!tpu.dma_semaphore, #tpu.memory_space<semaphore_mem>> -> memref<!tpu.dma_semaphore, #tpu.memory_space<semaphore_mem>>
    %dma_wait3A_100 = arith.constant 64 : i32
    %dma_wait3A_101 = tpu.memref_slice %arg11[%dma_wait3A_100] : memref<512xi32, #tpu.memory_space<vmem>> -> memref<448xi32, #tpu.memory_space<vmem>>
    %dma_wait3A_102 = tpu.memref_slice %arg3[%add3A_66] : memref<16384xi32, #tpu.memory_space<hbm>> -> memref<448xi32, #tpu.memory_space<hbm>>
    tpu.wait_dma2 semaphore(%dma_wait3A_99 : memref<!tpu.dma_semaphore, #tpu.memory_space<semaphore_mem>>) src(%dma_wait3A_102 : memref<448xi32, #tpu.memory_space<hbm>>) dst(%dma_wait3A_101 : memref<448xi32, #tpu.memory_space<vmem>>)
    %dma_start3A_103 = arith.constant 0 : i32
    %dma_start3A_104 = tpu.memref_slice %arg12[%dma_start3A_103] : memref<512xf32, #tpu.memory_space<vmem>> -> memref<64xf32, #tpu.memory_space<vmem>>
    %dma_start3A_105 = arith.constant 0 : i32
    %dma_start3A_106 = tpu.memref_slice %arg10[%dma_start3A_105] : memref<512xi32, #tpu.memory_space<vmem>> -> memref<64xi32, #tpu.memory_space<vmem>>
    %dma_start3A_107 = arith.constant 0 : i32
    %dma_start3A_108 = tpu.memref_slice %arg6[%dma_start3A_107] : memref<100000xf32, #tpu.memory_space<hbm>> -> memref<100000xf32, #tpu.memory_space<hbm>>
    tpu.enqueue_indirect_dma source(%dma_start3A_108 : memref<100000xf32, #tpu.memory_space<hbm>>) target(%dma_start3A_104 : memref<64xf32, #tpu.memory_space<vmem>>) offsets(%dma_start3A_106 : memref<64xi32, #tpu.memory_space<vmem>>) semaphore(%arg21 : memref<!tpu.dma_semaphore, #tpu.memory_space<semaphore_mem>>)
    %dma_start3A_109 = arith.constant 0 : i32
    %dma_start3A_110 = tpu.memref_slice %arg13[%dma_start3A_109] : memref<512xf32, #tpu.memory_space<vmem>> -> memref<64xf32, #tpu.memory_space<vmem>>
    %dma_start3A_111 = arith.constant 0 : i32
    %dma_start3A_112 = tpu.memref_slice %arg11[%dma_start3A_111] : memref<512xi32, #tpu.memory_space<vmem>> -> memref<64xi32, #tpu.memory_space<vmem>>
    %dma_start3A_113 = arith.constant 0 : i32
    %dma_start3A_114 = tpu.memref_slice %arg7[%dma_start3A_113] : memref<100000xf32, #tpu.memory_space<hbm>> -> memref<100000xf32, #tpu.memory_space<hbm>>
    tpu.enqueue_indirect_dma source(%dma_start3A_114 : memref<100000xf32, #tpu.memory_space<hbm>>) target(%dma_start3A_110 : memref<64xf32, #tpu.memory_space<vmem>>) offsets(%dma_start3A_112 : memref<64xi32, #tpu.memory_space<vmem>>) semaphore(%arg21 : memref<!tpu.dma_semaphore, #tpu.memory_space<semaphore_mem>>)
    %dma_start3A_115 = arith.constant 64 : i32
    %dma_start3A_116 = tpu.memref_slice %arg12[%dma_start3A_115] : memref<512xf32, #tpu.memory_space<vmem>> -> memref<64xf32, #tpu.memory_space<vmem>>
    %dma_start3A_117 = arith.constant 64 : i32
    %dma_start3A_118 = tpu.memref_slice %arg10[%dma_start3A_117] : memref<512xi32, #tpu.memory_space<vmem>> -> memref<64xi32, #tpu.memory_space<vmem>>
    %dma_start3A_119 = arith.constant 0 : i32
    %dma_start3A_120 = tpu.memref_slice %arg6[%dma_start3A_119] : memref<100000xf32, #tpu.memory_space<hbm>> -> memref<100000xf32, #tpu.memory_space<hbm>>
    tpu.enqueue_indirect_dma source(%dma_start3A_120 : memref<100000xf32, #tpu.memory_space<hbm>>) target(%dma_start3A_116 : memref<64xf32, #tpu.memory_space<vmem>>) offsets(%dma_start3A_118 : memref<64xi32, #tpu.memory_space<vmem>>) semaphore(%arg21 : memref<!tpu.dma_semaphore, #tpu.memory_space<semaphore_mem>>)
    %dma_start3A_121 = arith.constant 64 : i32
    %dma_start3A_122 = tpu.memref_slice %arg13[%dma_start3A_121] : memref<512xf32, #tpu.memory_space<vmem>> -> memref<64xf32, #tpu.memory_space<vmem>>
    %dma_start3A_123 = arith.constant 64 : i32
    %dma_start3A_124 = tpu.memref_slice %arg11[%dma_start3A_123] : memref<512xi32, #tpu.memory_space<vmem>> -> memref<64xi32, #tpu.memory_space<vmem>>
    %dma_start3A_125 = arith.constant 0 : i32
    %dma_start3A_126 = tpu.memref_slice %arg7[%dma_start3A_125] : memref<100000xf32, #tpu.memory_space<hbm>> -> memref<100000xf32, #tpu.memory_space<hbm>>
    tpu.enqueue_indirect_dma source(%dma_start3A_126 : memref<100000xf32, #tpu.memory_space<hbm>>) target(%dma_start3A_122 : memref<64xf32, #tpu.memory_space<vmem>>) offsets(%dma_start3A_124 : memref<64xi32, #tpu.memory_space<vmem>>) semaphore(%arg21 : memref<!tpu.dma_semaphore, #tpu.memory_space<semaphore_mem>>)
    %dma_start3A_127 = arith.constant 128 : i32
    %dma_start3A_128 = tpu.memref_slice %arg12[%dma_start3A_127] : memref<512xf32, #tpu.memory_space<vmem>> -> memref<64xf32, #tpu.memory_space<vmem>>
    %dma_start3A_129 = arith.constant 128 : i32
    %dma_start3A_130 = tpu.memref_slice %arg10[%dma_start3A_129] : memref<512xi32, #tpu.memory_space<vmem>> -> memref<64xi32, #tpu.memory_space<vmem>>
    %dma_start3A_131 = arith.constant 0 : i32
    %dma_start3A_132 = tpu.memref_slice %arg6[%dma_start3A_131] : memref<100000xf32, #tpu.memory_space<hbm>> -> memref<100000xf32, #tpu.memory_space<hbm>>
    tpu.enqueue_indirect_dma source(%dma_start3A_132 : memref<100000xf32, #tpu.memory_space<hbm>>) target(%dma_start3A_128 : memref<64xf32, #tpu.memory_space<vmem>>) offsets(%dma_start3A_130 : memref<64xi32, #tpu.memory_space<vmem>>) semaphore(%arg21 : memref<!tpu.dma_semaphore, #tpu.memory_space<semaphore_mem>>)
    %dma_start3A_133 = arith.constant 128 : i32
    %dma_start3A_134 = tpu.memref_slice %arg13[%dma_start3A_133] : memref<512xf32, #tpu.memory_space<vmem>> -> memref<64xf32, #tpu.memory_space<vmem>>
    %dma_start3A_135 = arith.constant 128 : i32
    %dma_start3A_136 = tpu.memref_slice %arg11[%dma_start3A_135] : memref<512xi32, #tpu.memory_space<vmem>> -> memref<64xi32, #tpu.memory_space<vmem>>
    %dma_start3A_137 = arith.constant 0 : i32
    %dma_start3A_138 = tpu.memref_slice %arg7[%dma_start3A_137] : memref<100000xf32, #tpu.memory_space<hbm>> -> memref<100000xf32, #tpu.memory_space<hbm>>
    tpu.enqueue_indirect_dma source(%dma_start3A_138 : memref<100000xf32, #tpu.memory_space<hbm>>) target(%dma_start3A_134 : memref<64xf32, #tpu.memory_space<vmem>>) offsets(%dma_start3A_136 : memref<64xi32, #tpu.memory_space<vmem>>) semaphore(%arg21 : memref<!tpu.dma_semaphore, #tpu.memory_space<semaphore_mem>>)
    %dma_start3A_139 = arith.constant 192 : i32
    %dma_start3A_140 = tpu.memref_slice %arg12[%dma_start3A_139] : memref<512xf32, #tpu.memory_space<vmem>> -> memref<64xf32, #tpu.memory_space<vmem>>
    %dma_start3A_141 = arith.constant 192 : i32
    %dma_start3A_142 = tpu.memref_slice %arg10[%dma_start3A_141] : memref<512xi32, #tpu.memory_space<vmem>> -> memref<64xi32, #tpu.memory_space<vmem>>
    %dma_start3A_143 = arith.constant 0 : i32
    %dma_start3A_144 = tpu.memref_slice %arg6[%dma_start3A_143] : memref<100000xf32, #tpu.memory_space<hbm>> -> memref<100000xf32, #tpu.memory_space<hbm>>
    tpu.enqueue_indirect_dma source(%dma_start3A_144 : memref<100000xf32, #tpu.memory_space<hbm>>) target(%dma_start3A_140 : memref<64xf32, #tpu.memory_space<vmem>>) offsets(%dma_start3A_142 : memref<64xi32, #tpu.memory_space<vmem>>) semaphore(%arg21 : memref<!tpu.dma_semaphore, #tpu.memory_space<semaphore_mem>>)
    %dma_start3A_145 = arith.constant 192 : i32
    %dma_start3A_146 = tpu.memref_slice %arg13[%dma_start3A_145] : memref<512xf32, #tpu.memory_space<vmem>> -> memref<64xf32, #tpu.memory_space<vmem>>
    %dma_start3A_147 = arith.constant 192 : i32
    %dma_start3A_148 = tpu.memref_slice %arg11[%dma_start3A_147] : memref<512xi32, #tpu.memory_space<vmem>> -> memref<64xi32, #tpu.memory_space<vmem>>
    %dma_start3A_149 = arith.constant 0 : i32
    %dma_start3A_150 = tpu.memref_slice %arg7[%dma_start3A_149] : memref<100000xf32, #tpu.memory_space<hbm>> -> memref<100000xf32, #tpu.memory_space<hbm>>
    tpu.enqueue_indirect_dma source(%dma_start3A_150 : memref<100000xf32, #tpu.memory_space<hbm>>) target(%dma_start3A_146 : memref<64xf32, #tpu.memory_space<vmem>>) offsets(%dma_start3A_148 : memref<64xi32, #tpu.memory_space<vmem>>) semaphore(%arg21 : memref<!tpu.dma_semaphore, #tpu.memory_space<semaphore_mem>>)
    %dma_start3A_151 = arith.constant 256 : i32
    %dma_start3A_152 = tpu.memref_slice %arg12[%dma_start3A_151] : memref<512xf32, #tpu.memory_space<vmem>> -> memref<64xf32, #tpu.memory_space<vmem>>
    %dma_start3A_153 = arith.constant 256 : i32
    %dma_start3A_154 = tpu.memref_slice %arg10[%dma_start3A_153] : memref<512xi32, #tpu.memory_space<vmem>> -> memref<64xi32, #tpu.memory_space<vmem>>
    %dma_start3A_155 = arith.constant 0 : i32
    %dma_start3A_156 = tpu.memref_slice %arg6[%dma_start3A_155] : memref<100000xf32, #tpu.memory_space<hbm>> -> memref<100000xf32, #tpu.memory_space<hbm>>
    tpu.enqueue_indirect_dma source(%dma_start3A_156 : memref<100000xf32, #tpu.memory_space<hbm>>) target(%dma_start3A_152 : memref<64xf32, #tpu.memory_space<vmem>>) offsets(%dma_start3A_154 : memref<64xi32, #tpu.memory_space<vmem>>) semaphore(%arg21 : memref<!tpu.dma_semaphore, #tpu.memory_space<semaphore_mem>>)
    %dma_start3A_157 = arith.constant 256 : i32
    %dma_start3A_158 = tpu.memref_slice %arg13[%dma_start3A_157] : memref<512xf32, #tpu.memory_space<vmem>> -> memref<64xf32, #tpu.memory_space<vmem>>
    %dma_start3A_159 = arith.constant 256 : i32
    %dma_start3A_160 = tpu.memref_slice %arg11[%dma_start3A_159] : memref<512xi32, #tpu.memory_space<vmem>> -> memref<64xi32, #tpu.memory_space<vmem>>
    %dma_start3A_161 = arith.constant 0 : i32
    %dma_start3A_162 = tpu.memref_slice %arg7[%dma_start3A_161] : memref<100000xf32, #tpu.memory_space<hbm>> -> memref<100000xf32, #tpu.memory_space<hbm>>
    tpu.enqueue_indirect_dma source(%dma_start3A_162 : memref<100000xf32, #tpu.memory_space<hbm>>) target(%dma_start3A_158 : memref<64xf32, #tpu.memory_space<vmem>>) offsets(%dma_start3A_160 : memref<64xi32, #tpu.memory_space<vmem>>) semaphore(%arg21 : memref<!tpu.dma_semaphore, #tpu.memory_space<semaphore_mem>>)
    %dma_start3A_163 = arith.constant 320 : i32
    %dma_start3A_164 = tpu.memref_slice %arg12[%dma_start3A_163] : memref<512xf32, #tpu.memory_space<vmem>> -> memref<64xf32, #tpu.memory_space<vmem>>
    %dma_start3A_165 = arith.constant 320 : i32
    %dma_start3A_166 = tpu.memref_slice %arg10[%dma_start3A_165] : memref<512xi32, #tpu.memory_space<vmem>> -> memref<64xi32, #tpu.memory_space<vmem>>
    %dma_start3A_167 = arith.constant 0 : i32
    %dma_start3A_168 = tpu.memref_slice %arg6[%dma_start3A_167] : memref<100000xf32, #tpu.memory_space<hbm>> -> memref<100000xf32, #tpu.memory_space<hbm>>
    tpu.enqueue_indirect_dma source(%dma_start3A_168 : memref<100000xf32, #tpu.memory_space<hbm>>) target(%dma_start3A_164 : memref<64xf32, #tpu.memory_space<vmem>>) offsets(%dma_start3A_166 : memref<64xi32, #tpu.memory_space<vmem>>) semaphore(%arg21 : memref<!tpu.dma_semaphore, #tpu.memory_space<semaphore_mem>>)
    %dma_start3A_169 = arith.constant 320 : i32
    %dma_start3A_170 = tpu.memref_slice %arg13[%dma_start3A_169] : memref<512xf32, #tpu.memory_space<vmem>> -> memref<64xf32, #tpu.memory_space<vmem>>
    %dma_start3A_171 = arith.constant 320 : i32
    %dma_start3A_172 = tpu.memref_slice %arg11[%dma_start3A_171] : memref<512xi32, #tpu.memory_space<vmem>> -> memref<64xi32, #tpu.memory_space<vmem>>
    %dma_start3A_173 = arith.constant 0 : i32
    %dma_start3A_174 = tpu.memref_slice %arg7[%dma_start3A_173] : memref<100000xf32, #tpu.memory_space<hbm>> -> memref<100000xf32, #tpu.memory_space<hbm>>
    tpu.enqueue_indirect_dma source(%dma_start3A_174 : memref<100000xf32, #tpu.memory_space<hbm>>) target(%dma_start3A_170 : memref<64xf32, #tpu.memory_space<vmem>>) offsets(%dma_start3A_172 : memref<64xi32, #tpu.memory_space<vmem>>) semaphore(%arg21 : memref<!tpu.dma_semaphore, #tpu.memory_space<semaphore_mem>>)
    %dma_start3A_175 = arith.constant 384 : i32
    %dma_start3A_176 = tpu.memref_slice %arg12[%dma_start3A_175] : memref<512xf32, #tpu.memory_space<vmem>> -> memref<64xf32, #tpu.memory_space<vmem>>
    %dma_start3A_177 = arith.constant 384 : i32
    %dma_start3A_178 = tpu.memref_slice %arg10[%dma_start3A_177] : memref<512xi32, #tpu.memory_space<vmem>> -> memref<64xi32, #tpu.memory_space<vmem>>
    %dma_start3A_179 = arith.constant 0 : i32
    %dma_start3A_180 = tpu.memref_slice %arg6[%dma_start3A_179] : memref<100000xf32, #tpu.memory_space<hbm>> -> memref<100000xf32, #tpu.memory_space<hbm>>
    tpu.enqueue_indirect_dma source(%dma_start3A_180 : memref<100000xf32, #tpu.memory_space<hbm>>) target(%dma_start3A_176 : memref<64xf32, #tpu.memory_space<vmem>>) offsets(%dma_start3A_178 : memref<64xi32, #tpu.memory_space<vmem>>) semaphore(%arg21 : memref<!tpu.dma_semaphore, #tpu.memory_space<semaphore_mem>>)
    %dma_start3A_181 = arith.constant 384 : i32
    %dma_start3A_182 = tpu.memref_slice %arg13[%dma_start3A_181] : memref<512xf32, #tpu.memory_space<vmem>> -> memref<64xf32, #tpu.memory_space<vmem>>
    %dma_start3A_183 = arith.constant 384 : i32
    %dma_start3A_184 = tpu.memref_slice %arg11[%dma_start3A_183] : memref<512xi32, #tpu.memory_space<vmem>> -> memref<64xi32, #tpu.memory_space<vmem>>
    %dma_start3A_185 = arith.constant 0 : i32
    %dma_start3A_186 = tpu.memref_slice %arg7[%dma_start3A_185] : memref<100000xf32, #tpu.memory_space<hbm>> -> memref<100000xf32, #tpu.memory_space<hbm>>
    tpu.enqueue_indirect_dma source(%dma_start3A_186 : memref<100000xf32, #tpu.memory_space<hbm>>) target(%dma_start3A_182 : memref<64xf32, #tpu.memory_space<vmem>>) offsets(%dma_start3A_184 : memref<64xi32, #tpu.memory_space<vmem>>) semaphore(%arg21 : memref<!tpu.dma_semaphore, #tpu.memory_space<semaphore_mem>>)
    %dma_start3A_187 = arith.constant 448 : i32
    %dma_start3A_188 = tpu.memref_slice %arg12[%dma_start3A_187] : memref<512xf32, #tpu.memory_space<vmem>> -> memref<64xf32, #tpu.memory_space<vmem>>
    %dma_start3A_189 = arith.constant 448 : i32
    %dma_start3A_190 = tpu.memref_slice %arg10[%dma_start3A_189] : memref<512xi32, #tpu.memory_space<vmem>> -> memref<64xi32, #tpu.memory_space<vmem>>
    %dma_start3A_191 = arith.constant 0 : i32
    %dma_start3A_192 = tpu.memref_slice %arg6[%dma_start3A_191] : memref<100000xf32, #tpu.memory_space<hbm>> -> memref<100000xf32, #tpu.memory_space<hbm>>
    tpu.enqueue_indirect_dma source(%dma_start3A_192 : memref<100000xf32, #tpu.memory_space<hbm>>) target(%dma_start3A_188 : memref<64xf32, #tpu.memory_space<vmem>>) offsets(%dma_start3A_190 : memref<64xi32, #tpu.memory_space<vmem>>) semaphore(%arg21 : memref<!tpu.dma_semaphore, #tpu.memory_space<semaphore_mem>>)
    %dma_start3A_193 = arith.constant 448 : i32
    %dma_start3A_194 = tpu.memref_slice %arg13[%dma_start3A_193] : memref<512xf32, #tpu.memory_space<vmem>> -> memref<64xf32, #tpu.memory_space<vmem>>
    %dma_start3A_195 = arith.constant 448 : i32
    %dma_start3A_196 = tpu.memref_slice %arg11[%dma_start3A_195] : memref<512xi32, #tpu.memory_space<vmem>> -> memref<64xi32, #tpu.memory_space<vmem>>
    %dma_start3A_197 = arith.constant 0 : i32
    %dma_start3A_198 = tpu.memref_slice %arg7[%dma_start3A_197] : memref<100000xf32, #tpu.memory_space<hbm>> -> memref<100000xf32, #tpu.memory_space<hbm>>
    tpu.enqueue_indirect_dma source(%dma_start3A_198 : memref<100000xf32, #tpu.memory_space<hbm>>) target(%dma_start3A_194 : memref<64xf32, #tpu.memory_space<vmem>>) offsets(%dma_start3A_196 : memref<64xi32, #tpu.memory_space<vmem>>) semaphore(%arg21 : memref<!tpu.dma_semaphore, #tpu.memory_space<semaphore_mem>>)
    %dma_wait3A_199 = arith.constant 0 : i32
    %dma_wait3A_200 = tpu.memref_slice %arg12[%dma_wait3A_199] : memref<512xf32, #tpu.memory_space<vmem>> -> memref<64xf32, #tpu.memory_space<vmem>>
    %dma_wait3A_201 = arith.constant 0 : i32
    %dma_wait3A_202 = tpu.memref_slice %arg10[%dma_wait3A_201] : memref<512xi32, #tpu.memory_space<vmem>> -> memref<64xi32, #tpu.memory_space<vmem>>
    %dma_wait3A_203 = arith.constant 0 : i32
    %dma_wait3A_204 = tpu.memref_slice %arg6[%dma_wait3A_203] : memref<100000xf32, #tpu.memory_space<hbm>> -> memref<100000xf32, #tpu.memory_space<hbm>>
    tpu.wait_indirect_dma semaphore(%arg21 : memref<!tpu.dma_semaphore, #tpu.memory_space<semaphore_mem>>) src(%dma_wait3A_204 : memref<100000xf32, #tpu.memory_space<hbm>>) dst(%dma_wait3A_200 : memref<64xf32, #tpu.memory_space<vmem>>)
    %dma_wait3A_205 = arith.constant 0 : i32
    %dma_wait3A_206 = tpu.memref_slice %arg13[%dma_wait3A_205] : memref<512xf32, #tpu.memory_space<vmem>> -> memref<64xf32, #tpu.memory_space<vmem>>
    %dma_wait3A_207 = arith.constant 0 : i32
    %dma_wait3A_208 = tpu.memref_slice %arg11[%dma_wait3A_207] : memref<512xi32, #tpu.memory_space<vmem>> -> memref<64xi32, #tpu.memory_space<vmem>>
    %dma_wait3A_209 = arith.constant 0 : i32
    %dma_wait3A_210 = tpu.memref_slice %arg7[%dma_wait3A_209] : memref<100000xf32, #tpu.memory_space<hbm>> -> memref<100000xf32, #tpu.memory_space<hbm>>
    tpu.wait_indirect_dma semaphore(%arg21 : memref<!tpu.dma_semaphore, #tpu.memory_space<semaphore_mem>>) src(%dma_wait3A_210 : memref<100000xf32, #tpu.memory_space<hbm>>) dst(%dma_wait3A_206 : memref<64xf32, #tpu.memory_space<vmem>>)
    %dma_wait3A_211 = arith.constant 64 : i32
    %dma_wait3A_212 = tpu.memref_slice %arg12[%dma_wait3A_211] : memref<512xf32, #tpu.memory_space<vmem>> -> memref<64xf32, #tpu.memory_space<vmem>>
    %dma_wait3A_213 = arith.constant 64 : i32
    %dma_wait3A_214 = tpu.memref_slice %arg10[%dma_wait3A_213] : memref<512xi32, #tpu.memory_space<vmem>> -> memref<64xi32, #tpu.memory_space<vmem>>
    %dma_wait3A_215 = arith.constant 0 : i32
    %dma_wait3A_216 = tpu.memref_slice %arg6[%dma_wait3A_215] : memref<100000xf32, #tpu.memory_space<hbm>> -> memref<100000xf32, #tpu.memory_space<hbm>>
    tpu.wait_indirect_dma semaphore(%arg21 : memref<!tpu.dma_semaphore, #tpu.memory_space<semaphore_mem>>) src(%dma_wait3A_216 : memref<100000xf32, #tpu.memory_space<hbm>>) dst(%dma_wait3A_212 : memref<64xf32, #tpu.memory_space<vmem>>)
    %dma_wait3A_217 = arith.constant 64 : i32
    %dma_wait3A_218 = tpu.memref_slice %arg13[%dma_wait3A_217] : memref<512xf32, #tpu.memory_space<vmem>> -> memref<64xf32, #tpu.memory_space<vmem>>
    %dma_wait3A_219 = arith.constant 64 : i32
    %dma_wait3A_220 = tpu.memref_slice %arg11[%dma_wait3A_219] : memref<512xi32, #tpu.memory_space<vmem>> -> memref<64xi32, #tpu.memory_space<vmem>>
    %dma_wait3A_221 = arith.constant 0 : i32
    %dma_wait3A_222 = tpu.memref_slice %arg7[%dma_wait3A_221] : memref<100000xf32, #tpu.memory_space<hbm>> -> memref<100000xf32, #tpu.memory_space<hbm>>
    tpu.wait_indirect_dma semaphore(%arg21 : memref<!tpu.dma_semaphore, #tpu.memory_space<semaphore_mem>>) src(%dma_wait3A_222 : memref<100000xf32, #tpu.memory_space<hbm>>) dst(%dma_wait3A_218 : memref<64xf32, #tpu.memory_space<vmem>>)
    %dma_wait3A_223 = arith.constant 128 : i32
    %dma_wait3A_224 = tpu.memref_slice %arg12[%dma_wait3A_223] : memref<512xf32, #tpu.memory_space<vmem>> -> memref<64xf32, #tpu.memory_space<vmem>>
    %dma_wait3A_225 = arith.constant 128 : i32
    %dma_wait3A_226 = tpu.memref_slice %arg10[%dma_wait3A_225] : memref<512xi32, #tpu.memory_space<vmem>> -> memref<64xi32, #tpu.memory_space<vmem>>
    %dma_wait3A_227 = arith.constant 0 : i32
    %dma_wait3A_228 = tpu.memref_slice %arg6[%dma_wait3A_227] : memref<100000xf32, #tpu.memory_space<hbm>> -> memref<100000xf32, #tpu.memory_space<hbm>>
    tpu.wait_indirect_dma semaphore(%arg21 : memref<!tpu.dma_semaphore, #tpu.memory_space<semaphore_mem>>) src(%dma_wait3A_228 : memref<100000xf32, #tpu.memory_space<hbm>>) dst(%dma_wait3A_224 : memref<64xf32, #tpu.memory_space<vmem>>)
    %dma_wait3A_229 = arith.constant 128 : i32
    %dma_wait3A_230 = tpu.memref_slice %arg13[%dma_wait3A_229] : memref<512xf32, #tpu.memory_space<vmem>> -> memref<64xf32, #tpu.memory_space<vmem>>
    %dma_wait3A_231 = arith.constant 128 : i32
    %dma_wait3A_232 = tpu.memref_slice %arg11[%dma_wait3A_231] : memref<512xi32, #tpu.memory_space<vmem>> -> memref<64xi32, #tpu.memory_space<vmem>>
    %dma_wait3A_233 = arith.constant 0 : i32
    %dma_wait3A_234 = tpu.memref_slice %arg7[%dma_wait3A_233] : memref<100000xf32, #tpu.memory_space<hbm>> -> memref<100000xf32, #tpu.memory_space<hbm>>
    tpu.wait_indirect_dma semaphore(%arg21 : memref<!tpu.dma_semaphore, #tpu.memory_space<semaphore_mem>>) src(%dma_wait3A_234 : memref<100000xf32, #tpu.memory_space<hbm>>) dst(%dma_wait3A_230 : memref<64xf32, #tpu.memory_space<vmem>>)
    %dma_wait3A_235 = arith.constant 192 : i32
    %dma_wait3A_236 = tpu.memref_slice %arg12[%dma_wait3A_235] : memref<512xf32, #tpu.memory_space<vmem>> -> memref<64xf32, #tpu.memory_space<vmem>>
    %dma_wait3A_237 = arith.constant 192 : i32
    %dma_wait3A_238 = tpu.memref_slice %arg10[%dma_wait3A_237] : memref<512xi32, #tpu.memory_space<vmem>> -> memref<64xi32, #tpu.memory_space<vmem>>
    %dma_wait3A_239 = arith.constant 0 : i32
    %dma_wait3A_240 = tpu.memref_slice %arg6[%dma_wait3A_239] : memref<100000xf32, #tpu.memory_space<hbm>> -> memref<100000xf32, #tpu.memory_space<hbm>>
    tpu.wait_indirect_dma semaphore(%arg21 : memref<!tpu.dma_semaphore, #tpu.memory_space<semaphore_mem>>) src(%dma_wait3A_240 : memref<100000xf32, #tpu.memory_space<hbm>>) dst(%dma_wait3A_236 : memref<64xf32, #tpu.memory_space<vmem>>)
    %dma_wait3A_241 = arith.constant 192 : i32
    %dma_wait3A_242 = tpu.memref_slice %arg13[%dma_wait3A_241] : memref<512xf32, #tpu.memory_space<vmem>> -> memref<64xf32, #tpu.memory_space<vmem>>
    %dma_wait3A_243 = arith.constant 192 : i32
    %dma_wait3A_244 = tpu.memref_slice %arg11[%dma_wait3A_243] : memref<512xi32, #tpu.memory_space<vmem>> -> memref<64xi32, #tpu.memory_space<vmem>>
    %dma_wait3A_245 = arith.constant 0 : i32
    %dma_wait3A_246 = tpu.memref_slice %arg7[%dma_wait3A_245] : memref<100000xf32, #tpu.memory_space<hbm>> -> memref<100000xf32, #tpu.memory_space<hbm>>
    tpu.wait_indirect_dma semaphore(%arg21 : memref<!tpu.dma_semaphore, #tpu.memory_space<semaphore_mem>>) src(%dma_wait3A_246 : memref<100000xf32, #tpu.memory_space<hbm>>) dst(%dma_wait3A_242 : memref<64xf32, #tpu.memory_space<vmem>>)
    %dma_wait3A_247 = arith.constant 256 : i32
    %dma_wait3A_248 = tpu.memref_slice %arg12[%dma_wait3A_247] : memref<512xf32, #tpu.memory_space<vmem>> -> memref<64xf32, #tpu.memory_space<vmem>>
    %dma_wait3A_249 = arith.constant 256 : i32
    %dma_wait3A_250 = tpu.memref_slice %arg10[%dma_wait3A_249] : memref<512xi32, #tpu.memory_space<vmem>> -> memref<64xi32, #tpu.memory_space<vmem>>
    %dma_wait3A_251 = arith.constant 0 : i32
    %dma_wait3A_252 = tpu.memref_slice %arg6[%dma_wait3A_251] : memref<100000xf32, #tpu.memory_space<hbm>> -> memref<100000xf32, #tpu.memory_space<hbm>>
    tpu.wait_indirect_dma semaphore(%arg21 : memref<!tpu.dma_semaphore, #tpu.memory_space<semaphore_mem>>) src(%dma_wait3A_252 : memref<100000xf32, #tpu.memory_space<hbm>>) dst(%dma_wait3A_248 : memref<64xf32, #tpu.memory_space<vmem>>)
    %dma_wait3A_253 = arith.constant 256 : i32
    %dma_wait3A_254 = tpu.memref_slice %arg13[%dma_wait3A_253] : memref<512xf32, #tpu.memory_space<vmem>> -> memref<64xf32, #tpu.memory_space<vmem>>
    %dma_wait3A_255 = arith.constant 256 : i32
    %dma_wait3A_256 = tpu.memref_slice %arg11[%dma_wait3A_255] : memref<512xi32, #tpu.memory_space<vmem>> -> memref<64xi32, #tpu.memory_space<vmem>>
    %dma_wait3A_257 = arith.constant 0 : i32
    %dma_wait3A_258 = tpu.memref_slice %arg7[%dma_wait3A_257] : memref<100000xf32, #tpu.memory_space<hbm>> -> memref<100000xf32, #tpu.memory_space<hbm>>
    tpu.wait_indirect_dma semaphore(%arg21 : memref<!tpu.dma_semaphore, #tpu.memory_space<semaphore_mem>>) src(%dma_wait3A_258 : memref<100000xf32, #tpu.memory_space<hbm>>) dst(%dma_wait3A_254 : memref<64xf32, #tpu.memory_space<vmem>>)
    %dma_wait3A_259 = arith.constant 320 : i32
    %dma_wait3A_260 = tpu.memref_slice %arg12[%dma_wait3A_259] : memref<512xf32, #tpu.memory_space<vmem>> -> memref<64xf32, #tpu.memory_space<vmem>>
    %dma_wait3A_261 = arith.constant 320 : i32
    %dma_wait3A_262 = tpu.memref_slice %arg10[%dma_wait3A_261] : memref<512xi32, #tpu.memory_space<vmem>> -> memref<64xi32, #tpu.memory_space<vmem>>
    %dma_wait3A_263 = arith.constant 0 : i32
    %dma_wait3A_264 = tpu.memref_slice %arg6[%dma_wait3A_263] : memref<100000xf32, #tpu.memory_space<hbm>> -> memref<100000xf32, #tpu.memory_space<hbm>>
    tpu.wait_indirect_dma semaphore(%arg21 : memref<!tpu.dma_semaphore, #tpu.memory_space<semaphore_mem>>) src(%dma_wait3A_264 : memref<100000xf32, #tpu.memory_space<hbm>>) dst(%dma_wait3A_260 : memref<64xf32, #tpu.memory_space<vmem>>)
    %dma_wait3A_265 = arith.constant 320 : i32
    %dma_wait3A_266 = tpu.memref_slice %arg13[%dma_wait3A_265] : memref<512xf32, #tpu.memory_space<vmem>> -> memref<64xf32, #tpu.memory_space<vmem>>
    %dma_wait3A_267 = arith.constant 320 : i32
    %dma_wait3A_268 = tpu.memref_slice %arg11[%dma_wait3A_267] : memref<512xi32, #tpu.memory_space<vmem>> -> memref<64xi32, #tpu.memory_space<vmem>>
    %dma_wait3A_269 = arith.constant 0 : i32
    %dma_wait3A_270 = tpu.memref_slice %arg7[%dma_wait3A_269] : memref<100000xf32, #tpu.memory_space<hbm>> -> memref<100000xf32, #tpu.memory_space<hbm>>
    tpu.wait_indirect_dma semaphore(%arg21 : memref<!tpu.dma_semaphore, #tpu.memory_space<semaphore_mem>>) src(%dma_wait3A_270 : memref<100000xf32, #tpu.memory_space<hbm>>) dst(%dma_wait3A_266 : memref<64xf32, #tpu.memory_space<vmem>>)
    %dma_wait3A_271 = arith.constant 384 : i32
    %dma_wait3A_272 = tpu.memref_slice %arg12[%dma_wait3A_271] : memref<512xf32, #tpu.memory_space<vmem>> -> memref<64xf32, #tpu.memory_space<vmem>>
    %dma_wait3A_273 = arith.constant 384 : i32
    %dma_wait3A_274 = tpu.memref_slice %arg10[%dma_wait3A_273] : memref<512xi32, #tpu.memory_space<vmem>> -> memref<64xi32, #tpu.memory_space<vmem>>
    %dma_wait3A_275 = arith.constant 0 : i32
    %dma_wait3A_276 = tpu.memref_slice %arg6[%dma_wait3A_275] : memref<100000xf32, #tpu.memory_space<hbm>> -> memref<100000xf32, #tpu.memory_space<hbm>>
    tpu.wait_indirect_dma semaphore(%arg21 : memref<!tpu.dma_semaphore, #tpu.memory_space<semaphore_mem>>) src(%dma_wait3A_276 : memref<100000xf32, #tpu.memory_space<hbm>>) dst(%dma_wait3A_272 : memref<64xf32, #tpu.memory_space<vmem>>)
    %dma_wait3A_277 = arith.constant 384 : i32
    %dma_wait3A_278 = tpu.memref_slice %arg13[%dma_wait3A_277] : memref<512xf32, #tpu.memory_space<vmem>> -> memref<64xf32, #tpu.memory_space<vmem>>
    %dma_wait3A_279 = arith.constant 384 : i32
    %dma_wait3A_280 = tpu.memref_slice %arg11[%dma_wait3A_279] : memref<512xi32, #tpu.memory_space<vmem>> -> memref<64xi32, #tpu.memory_space<vmem>>
    %dma_wait3A_281 = arith.constant 0 : i32
    %dma_wait3A_282 = tpu.memref_slice %arg7[%dma_wait3A_281] : memref<100000xf32, #tpu.memory_space<hbm>> -> memref<100000xf32, #tpu.memory_space<hbm>>
    tpu.wait_indirect_dma semaphore(%arg21 : memref<!tpu.dma_semaphore, #tpu.memory_space<semaphore_mem>>) src(%dma_wait3A_282 : memref<100000xf32, #tpu.memory_space<hbm>>) dst(%dma_wait3A_278 : memref<64xf32, #tpu.memory_space<vmem>>)
    %dma_wait3A_283 = arith.constant 448 : i32
    %dma_wait3A_284 = tpu.memref_slice %arg12[%dma_wait3A_283] : memref<512xf32, #tpu.memory_space<vmem>> -> memref<64xf32, #tpu.memory_space<vmem>>
    %dma_wait3A_285 = arith.constant 448 : i32
    %dma_wait3A_286 = tpu.memref_slice %arg10[%dma_wait3A_285] : memref<512xi32, #tpu.memory_space<vmem>> -> memref<64xi32, #tpu.memory_space<vmem>>
    %dma_wait3A_287 = arith.constant 0 : i32
    %dma_wait3A_288 = tpu.memref_slice %arg6[%dma_wait3A_287] : memref<100000xf32, #tpu.memory_space<hbm>> -> memref<100000xf32, #tpu.memory_space<hbm>>
    tpu.wait_indirect_dma semaphore(%arg21 : memref<!tpu.dma_semaphore, #tpu.memory_space<semaphore_mem>>) src(%dma_wait3A_288 : memref<100000xf32, #tpu.memory_space<hbm>>) dst(%dma_wait3A_284 : memref<64xf32, #tpu.memory_space<vmem>>)
    %dma_wait3A_289 = arith.constant 448 : i32
    %dma_wait3A_290 = tpu.memref_slice %arg13[%dma_wait3A_289] : memref<512xf32, #tpu.memory_space<vmem>> -> memref<64xf32, #tpu.memory_space<vmem>>
    %dma_wait3A_291 = arith.constant 448 : i32
    %dma_wait3A_292 = tpu.memref_slice %arg11[%dma_wait3A_291] : memref<512xi32, #tpu.memory_space<vmem>> -> memref<64xi32, #tpu.memory_space<vmem>>
    %dma_wait3A_293 = arith.constant 0 : i32
    %dma_wait3A_294 = tpu.memref_slice %arg7[%dma_wait3A_293] : memref<100000xf32, #tpu.memory_space<hbm>> -> memref<100000xf32, #tpu.memory_space<hbm>>
    tpu.wait_indirect_dma semaphore(%arg21 : memref<!tpu.dma_semaphore, #tpu.memory_space<semaphore_mem>>) src(%dma_wait3A_294 : memref<100000xf32, #tpu.memory_space<hbm>>) dst(%dma_wait3A_290 : memref<64xf32, #tpu.memory_space<vmem>>)
    %get3A = arith.constant 0 : index
    %get3A_295 = tpu.vector_load %arg14[%get3A] {strides = array<i32>} : memref<16xf32, #tpu.memory_space<vmem>>, vector<16xf32>,
    %iota3A = tpu.iota {dimensions = array<i32: 0>} : vector<16xi32>
    %scan3A = arith.constant 0 : i32
    %scan3A_296 = arith.constant 0 : i32
    %scan3A_297 = arith.constant 8 : i32
    %scan3A_298 = arith.addi %scan3A_296, %scan3A_297 : i32
    %scan3A_299 = arith.constant 1 : i32
    scf.for %scan3A_301 = %scan3A_296 to %scan3A_298 step %scan3A_299  : i32 {
      %rem3A = arith.constant 2 : i32
      %rem3A_302 = arith.remsi %scan3A_301, %rem3A : i32
      %add3A_303 = arith.constant 1 : i32
      %add3A_304 = arith.addi %scan3A_301, %add3A_303 : i32
      %lt3A = arith.constant 8 : i32
      %lt3A_305 = arith.cmpi slt, %add3A_304, %lt3A : i32
      %convert_element_type3A = arith.extui %lt3A_305 : i1 to i32
      %cond3A = arith.constant 0 : i32
      %cond3A_306 = arith.cmpi ne, %convert_element_type3A, %cond3A : i32
      scf.if %cond3A_306 {
        %add3A_335 = arith.constant 1 : i32
        %add3A_336 = arith.addi %scan3A_301, %add3A_335 : i32
        %add3A_337 = arith.constant 1 : i32
        %add3A_338 = arith.addi %scan3A_301, %add3A_337 : i32
        %rem3A_339 = arith.constant 2 : i32
        %rem3A_340 = arith.remsi %add3A_338, %rem3A_339 : i32
        %mul3A_341 = arith.constant 64 : i32
        %mul3A_342 = arith.muli %add3A_336, %mul3A_341 : i32
        %dma_start3A_343 = arith.constant 0 : i32
        %dma_start3A_344 = arith.constant 0 : i32
        %dma_start3A_345 = tpu.memref_slice %arg16[%rem3A_340, %dma_start3A_343, %dma_start3A_344] : memref<2x64x128xf32, #tpu.memory_space<vmem>> -> memref<1x64x128xf32, #tpu.memory_space<vmem>>
        %dma_start3A_346 = tpu.memref_squeeze %dma_start3A_345 : memref<1x64x128xf32, #tpu.memory_space<vmem>> -> memref<64x128xf32, #tpu.memory_space<vmem>>
        %dma_start3A_347 = tpu.memref_slice %arg10[%mul3A_342] : memref<512xi32, #tpu.memory_space<vmem>> -> memref<64xi32, #tpu.memory_space<vmem>>
        %dma_start3A_348 = arith.constant 0 : i32
        %dma_start3A_349 = arith.constant 0 : i32
        %dma_start3A_350 = tpu.memref_slice %arg4[%dma_start3A_348, %dma_start3A_349] : memref<100000x128xf32, #tpu.memory_space<hbm>> -> memref<100000x128xf32, #tpu.memory_space<hbm>>
        %dma_start3A_351 = tpu.memref_slice %arg19[%rem3A_340] : memref<2x!tpu.dma_semaphore, #tpu.memory_space<semaphore_mem>> -> memref<1x!tpu.dma_semaphore, #tpu.memory_space<semaphore_mem>>
        %dma_start3A_352 = tpu.memref_squeeze %dma_start3A_351 : memref<1x!tpu.dma_semaphore, #tpu.memory_space<semaphore_mem>> -> memref<!tpu.dma_semaphore, #tpu.memory_space<semaphore_mem>>
        tpu.enqueue_indirect_dma source(%dma_start3A_350 : memref<100000x128xf32, #tpu.memory_space<hbm>>) target(%dma_start3A_346 : memref<64x128xf32, #tpu.memory_space<vmem>>) offsets(%dma_start3A_347 : memref<64xi32, #tpu.memory_space<vmem>>) semaphore(%dma_start3A_352 : memref<!tpu.dma_semaphore, #tpu.memory_space<semaphore_mem>>)
        %dma_start3A_353 = arith.constant 0 : i32
        %dma_start3A_354 = arith.constant 0 : i32
        %dma_start3A_355 = tpu.memref_slice %arg17[%rem3A_340, %dma_start3A_353, %dma_start3A_354] : memref<2x64x128xf32, #tpu.memory_space<vmem>> -> memref<1x64x128xf32, #tpu.memory_space<vmem>>
        %dma_start3A_356 = tpu.memref_squeeze %dma_start3A_355 : memref<1x64x128xf32, #tpu.memory_space<vmem>> -> memref<64x128xf32, #tpu.memory_space<vmem>>
        %dma_start3A_357 = tpu.memref_slice %arg11[%mul3A_342] : memref<512xi32, #tpu.memory_space<vmem>> -> memref<64xi32, #tpu.memory_space<vmem>>
        %dma_start3A_358 = arith.constant 0 : i32
        %dma_start3A_359 = arith.constant 0 : i32
        %dma_start3A_360 = tpu.memref_slice %arg5[%dma_start3A_358, %dma_start3A_359] : memref<100000x128xf32, #tpu.memory_space<hbm>> -> memref<100000x128xf32, #tpu.memory_space<hbm>>
        %dma_start3A_361 = tpu.memref_slice %arg20[%rem3A_340] : memref<2x!tpu.dma_semaphore, #tpu.memory_space<semaphore_mem>> -> memref<1x!tpu.dma_semaphore, #tpu.memory_space<semaphore_mem>>
        %dma_start3A_362 = tpu.memref_squeeze %dma_start3A_361 : memref<1x!tpu.dma_semaphore, #tpu.memory_space<semaphore_mem>> -> memref<!tpu.dma_semaphore, #tpu.memory_space<semaphore_mem>>
        tpu.enqueue_indirect_dma source(%dma_start3A_360 : memref<100000x128xf32, #tpu.memory_space<hbm>>) target(%dma_start3A_356 : memref<64x128xf32, #tpu.memory_space<vmem>>) offsets(%dma_start3A_357 : memref<64xi32, #tpu.memory_space<vmem>>) semaphore(%dma_start3A_362 : memref<!tpu.dma_semaphore, #tpu.memory_space<semaphore_mem>>)
      } else {
      }
      %mul3A_307 = arith.constant 64 : i32
      %mul3A_308 = arith.muli %scan3A_301, %mul3A_307 : i32
      %dma_wait3A_309 = arith.constant 0 : i32
      %dma_wait3A_310 = arith.constant 0 : i32
      %dma_wait3A_311 = tpu.memref_slice %arg16[%rem3A_302, %dma_wait3A_309, %dma_wait3A_310] : memref<2x64x128xf32, #tpu.memory_space<vmem>> -> memref<1x64x128xf32, #tpu.memory_space<vmem>>
      %dma_wait3A_312 = tpu.memref_squeeze %dma_wait3A_311 : memref<1x64x128xf32, #tpu.memory_space<vmem>> -> memref<64x128xf32, #tpu.memory_space<vmem>>
      %dma_wait3A_313 = tpu.memref_slice %arg10[%mul3A_308] : memref<512xi32, #tpu.memory_space<vmem>> -> memref<64xi32, #tpu.memory_space<vmem>>
      %dma_wait3A_314 = arith.constant 0 : i32
      %dma_wait3A_315 = arith.constant 0 : i32
      %dma_wait3A_316 = tpu.memref_slice %arg4[%dma_wait3A_314, %dma_wait3A_315] : memref<100000x128xf32, #tpu.memory_space<hbm>> -> memref<100000x128xf32, #tpu.memory_space<hbm>>
      %dma_wait3A_317 = tpu.memref_slice %arg19[%rem3A_302] : memref<2x!tpu.dma_semaphore, #tpu.memory_space<semaphore_mem>> -> memref<1x!tpu.dma_semaphore, #tpu.memory_space<semaphore_mem>>
      %dma_wait3A_318 = tpu.memref_squeeze %dma_wait3A_317 : memref<1x!tpu.dma_semaphore, #tpu.memory_space<semaphore_mem>> -> memref<!tpu.dma_semaphore, #tpu.memory_space<semaphore_mem>>
      tpu.wait_indirect_dma semaphore(%dma_wait3A_318 : memref<!tpu.dma_semaphore, #tpu.memory_space<semaphore_mem>>) src(%dma_wait3A_316 : memref<100000x128xf32, #tpu.memory_space<hbm>>) dst(%dma_wait3A_312 : memref<64x128xf32, #tpu.memory_space<vmem>>)
      %dma_wait3A_319 = arith.constant 0 : i32
      %dma_wait3A_320 = arith.constant 0 : i32
      %dma_wait3A_321 = tpu.memref_slice %arg17[%rem3A_302, %dma_wait3A_319, %dma_wait3A_320] : memref<2x64x128xf32, #tpu.memory_space<vmem>> -> memref<1x64x128xf32, #tpu.memory_space<vmem>>
      %dma_wait3A_322 = tpu.memref_squeeze %dma_wait3A_321 : memref<1x64x128xf32, #tpu.memory_space<vmem>> -> memref<64x128xf32, #tpu.memory_space<vmem>>
      %dma_wait3A_323 = tpu.memref_slice %arg11[%mul3A_308] : memref<512xi32, #tpu.memory_space<vmem>> -> memref<64xi32, #tpu.memory_space<vmem>>
      %dma_wait3A_324 = arith.constant 0 : i32
      %dma_wait3A_325 = arith.constant 0 : i32
      %dma_wait3A_326 = tpu.memref_slice %arg5[%dma_wait3A_324, %dma_wait3A_325] : memref<100000x128xf32, #tpu.memory_space<hbm>> -> memref<100000x128xf32, #tpu.memory_space<hbm>>
      %dma_wait3A_327 = tpu.memref_slice %arg20[%rem3A_302] : memref<2x!tpu.dma_semaphore, #tpu.memory_space<semaphore_mem>> -> memref<1x!tpu.dma_semaphore, #tpu.memory_space<semaphore_mem>>
      %dma_wait3A_328 = tpu.memref_squeeze %dma_wait3A_327 : memref<1x!tpu.dma_semaphore, #tpu.memory_space<semaphore_mem>> -> memref<!tpu.dma_semaphore, #tpu.memory_space<semaphore_mem>>
      tpu.wait_indirect_dma semaphore(%dma_wait3A_328 : memref<!tpu.dma_semaphore, #tpu.memory_space<semaphore_mem>>) src(%dma_wait3A_326 : memref<100000x128xf32, #tpu.memory_space<hbm>>) dst(%dma_wait3A_322 : memref<64x128xf32, #tpu.memory_space<vmem>>)
      %scan3A_329 = arith.constant 0 : i32
      %scan3A_330 = arith.constant 0 : i32
      %scan3A_331 = arith.constant 4 : i32
      %scan3A_332 = arith.addi %scan3A_330, %scan3A_331 : i32
      %scan3A_333 = arith.constant 1 : i32
      scf.for %scan3A_335 = %scan3A_330 to %scan3A_332 step %scan3A_333  : i32 {
        %mul3A_336 = arith.constant 16 : i32
        %mul3A_337 = arith.muli %scan3A_335, %mul3A_336 : i32
        %add3A_338 = arith.constant 0 : i32
        %add3A_339 = arith.addi %mul3A_337, %add3A_338 : i32
        %add3A_340 = arith.constant 0 : i32
        %add3A_341 = arith.addi %add3A_339, %add3A_340 : i32
        %mul3A_342 = arith.constant 16 : i32
        %mul3A_343 = arith.muli %scan3A_335, %mul3A_342 : i32
        %add3A_344 = arith.constant 0 : i32
        %add3A_345 = arith.addi %mul3A_343, %add3A_344 : i32
        %add3A_346 = arith.constant 1 : i32
        %add3A_347 = arith.addi %add3A_345, %add3A_346 : i32
        %mul3A_348 = arith.constant 16 : i32
        %mul3A_349 = arith.muli %scan3A_335, %mul3A_348 : i32
        %add3A_350 = arith.constant 0 : i32
        %add3A_351 = arith.addi %mul3A_349, %add3A_350 : i32
        %add3A_352 = arith.constant 2 : i32
        %add3A_353 = arith.addi %add3A_351, %add3A_352 : i32
        %mul3A_354 = arith.constant 16 : i32
        %mul3A_355 = arith.muli %scan3A_335, %mul3A_354 : i32
        %add3A_356 = arith.constant 0 : i32
        %add3A_357 = arith.addi %mul3A_355, %add3A_356 : i32
        %add3A_358 = arith.constant 3 : i32
        %add3A_359 = arith.addi %add3A_357, %add3A_358 : i32
        %get3A_360 = arith.index_cast %rem3A_302 : i32 to index
        %get3A_361 = arith.index_cast %add3A_341 : i32 to index
        %get3A_362 = arith.constant 0 : index
        %get3A_363 = tpu.vector_load %arg16[%get3A_360, %get3A_361, %get3A_362] {strides = array<i32>} : memref<2x64x128xf32, #tpu.memory_space<vmem>>, vector<16xf32>,
        %get3A_364 = arith.index_cast %rem3A_302 : i32 to index
        %get3A_365 = arith.index_cast %add3A_341 : i32 to index
        %get3A_366 = arith.constant 0 : index
        %get3A_367 = tpu.vector_load %arg17[%get3A_364, %get3A_365, %get3A_366] {strides = array<i32>} : memref<2x64x128xf32, #tpu.memory_space<vmem>>, vector<16xf32>,
        %mul3A_368 = arith.mulf %get3A_363, %get3A_367 : vector<16xf32>
        %get3A_369 = arith.index_cast %rem3A_302 : i32 to index
        %get3A_370 = arith.index_cast %add3A_347 : i32 to index
        %get3A_371 = arith.constant 0 : index
        %get3A_372 = tpu.vector_load %arg16[%get3A_369, %get3A_370, %get3A_371] {strides = array<i32>} : memref<2x64x128xf32, #tpu.memory_space<vmem>>, vector<16xf32>,
        %get3A_373 = arith.index_cast %rem3A_302 : i32 to index
        %get3A_374 = arith.index_cast %add3A_347 : i32 to index
        %get3A_375 = arith.constant 0 : index
        %get3A_376 = tpu.vector_load %arg17[%get3A_373, %get3A_374, %get3A_375] {strides = array<i32>} : memref<2x64x128xf32, #tpu.memory_space<vmem>>, vector<16xf32>,
        %mul3A_377 = arith.mulf %get3A_372, %get3A_376 : vector<16xf32>
        %get3A_378 = arith.index_cast %rem3A_302 : i32 to index
        %get3A_379 = arith.index_cast %add3A_353 : i32 to index
        %get3A_380 = arith.constant 0 : index
        %get3A_381 = tpu.vector_load %arg16[%get3A_378, %get3A_379, %get3A_380] {strides = array<i32>} : memref<2x64x128xf32, #tpu.memory_space<vmem>>, vector<16xf32>,
        %get3A_382 = arith.index_cast %rem3A_302 : i32 to index
        %get3A_383 = arith.index_cast %add3A_353 : i32 to index
        %get3A_384 = arith.constant 0 : index
        %get3A_385 = tpu.vector_load %arg17[%get3A_382, %get3A_383, %get3A_384] {strides = array<i32>} : memref<2x64x128xf32, #tpu.memory_space<vmem>>, vector<16xf32>,
        %mul3A_386 = arith.mulf %get3A_381, %get3A_385 : vector<16xf32>
        %get3A_387 = arith.index_cast %rem3A_302 : i32 to index
        %get3A_388 = arith.index_cast %add3A_359 : i32 to index
        %get3A_389 = arith.constant 0 : index
        %get3A_390 = tpu.vector_load %arg16[%get3A_387, %get3A_388, %get3A_389] {strides = array<i32>} : memref<2x64x128xf32, #tpu.memory_space<vmem>>, vector<16xf32>,
        %get3A_391 = arith.index_cast %rem3A_302 : i32 to index
        %get3A_392 = arith.index_cast %add3A_359 : i32 to index
        %get3A_393 = arith.constant 0 : index
        %get3A_394 = tpu.vector_load %arg17[%get3A_391, %get3A_392, %get3A_393] {strides = array<i32>} : memref<2x64x128xf32, #tpu.memory_space<vmem>>, vector<16xf32>,
        %mul3A_395 = arith.mulf %get3A_390, %get3A_394 : vector<16xf32>
        %get3A_396 = arith.index_cast %rem3A_302 : i32 to index
        %get3A_397 = arith.index_cast %add3A_341 : i32 to index
        %get3A_398 = arith.constant 16 : index
        %get3A_399 = tpu.vector_load %arg16[%get3A_396, %get3A_397, %get3A_398] {strides = array<i32>} : memref<2x64x128xf32, #tpu.memory_space<vmem>>, vector<16xf32>,
        %get3A_400 = arith.index_cast %rem3A_302 : i32 to index
        %get3A_401 = arith.index_cast %add3A_341 : i32 to index
        %get3A_402 = arith.constant 16 : index
        %get3A_403 = tpu.vector_load %arg17[%get3A_400, %get3A_401, %get3A_402] {strides = array<i32>} : memref<2x64x128xf32, #tpu.memory_space<vmem>>, vector<16xf32>,
        %mul3A_404 = arith.mulf %get3A_399, %get3A_403 : vector<16xf32>
        %add3A_405 = arith.addf %mul3A_368, %mul3A_404 : vector<16xf32>
        %get3A_406 = arith.index_cast %rem3A_302 : i32 to index
        %get3A_407 = arith.index_cast %add3A_347 : i32 to index
        %get3A_408 = arith.constant 16 : index
        %get3A_409 = tpu.vector_load %arg16[%get3A_406, %get3A_407, %get3A_408] {strides = array<i32>} : memref<2x64x128xf32, #tpu.memory_space<vmem>>, vector<16xf32>,
        %get3A_410 = arith.index_cast %rem3A_302 : i32 to index
        %get3A_411 = arith.index_cast %add3A_347 : i32 to index
        %get3A_412 = arith.constant 16 : index
        %get3A_413 = tpu.vector_load %arg17[%get3A_410, %get3A_411, %get3A_412] {strides = array<i32>} : memref<2x64x128xf32, #tpu.memory_space<vmem>>, vector<16xf32>,
        %mul3A_414 = arith.mulf %get3A_409, %get3A_413 : vector<16xf32>
        %add3A_415 = arith.addf %mul3A_377, %mul3A_414 : vector<16xf32>
        %get3A_416 = arith.index_cast %rem3A_302 : i32 to index
        %get3A_417 = arith.index_cast %add3A_353 : i32 to index
        %get3A_418 = arith.constant 16 : index
        %get3A_419 = tpu.vector_load %arg16[%get3A_416, %get3A_417, %get3A_418] {strides = array<i32>} : memref<2x64x128xf32, #tpu.memory_space<vmem>>, vector<16xf32>,
        %get3A_420 = arith.index_cast %rem3A_302 : i32 to index
        %get3A_421 = arith.index_cast %add3A_353 : i32 to index
        %get3A_422 = arith.constant 16 : index
        %get3A_423 = tpu.vector_load %arg17[%get3A_420, %get3A_421, %get3A_422] {strides = array<i32>} : memref<2x64x128xf32, #tpu.memory_space<vmem>>, vector<16xf32>,
        %mul3A_424 = arith.mulf %get3A_419, %get3A_423 : vector<16xf32>
        %add3A_425 = arith.addf %mul3A_386, %mul3A_424 : vector<16xf32>
        %get3A_426 = arith.index_cast %rem3A_302 : i32 to index
        %get3A_427 = arith.index_cast %add3A_359 : i32 to index
        %get3A_428 = arith.constant 16 : index
        %get3A_429 = tpu.vector_load %arg16[%get3A_426, %get3A_427, %get3A_428] {strides = array<i32>} : memref<2x64x128xf32, #tpu.memory_space<vmem>>, vector<16xf32>,
        %get3A_430 = arith.index_cast %rem3A_302 : i32 to index
        %get3A_431 = arith.index_cast %add3A_359 : i32 to index
        %get3A_432 = arith.constant 16 : index
        %get3A_433 = tpu.vector_load %arg17[%get3A_430, %get3A_431, %get3A_432] {strides = array<i32>} : memref<2x64x128xf32, #tpu.memory_space<vmem>>, vector<16xf32>,
        %mul3A_434 = arith.mulf %get3A_429, %get3A_433 : vector<16xf32>
        %add3A_435 = arith.addf %mul3A_395, %mul3A_434 : vector<16xf32>
        %get3A_436 = arith.index_cast %rem3A_302 : i32 to index
        %get3A_437 = arith.index_cast %add3A_341 : i32 to index
        %get3A_438 = arith.constant 32 : index
        %get3A_439 = tpu.vector_load %arg16[%get3A_436, %get3A_437, %get3A_438] {strides = array<i32>} : memref<2x64x128xf32, #tpu.memory_space<vmem>>, vector<16xf32>,
        %get3A_440 = arith.index_cast %rem3A_302 : i32 to index
        %get3A_441 = arith.index_cast %add3A_341 : i32 to index
        %get3A_442 = arith.constant 32 : index
        %get3A_443 = tpu.vector_load %arg17[%get3A_440, %get3A_441, %get3A_442] {strides = array<i32>} : memref<2x64x128xf32, #tpu.memory_space<vmem>>, vector<16xf32>,
        %mul3A_444 = arith.mulf %get3A_439, %get3A_443 : vector<16xf32>
        %add3A_445 = arith.addf %add3A_405, %mul3A_444 : vector<16xf32>
        %get3A_446 = arith.index_cast %rem3A_302 : i32 to index
        %get3A_447 = arith.index_cast %add3A_347 : i32 to index
        %get3A_448 = arith.constant 32 : index
        %get3A_449 = tpu.vector_load %arg16[%get3A_446, %get3A_447, %get3A_448] {strides = array<i32>} : memref<2x64x128xf32, #tpu.memory_space<vmem>>, vector<16xf32>,
        %get3A_450 = arith.index_cast %rem3A_302 : i32 to index
        %get3A_451 = arith.index_cast %add3A_347 : i32 to index
        %get3A_452 = arith.constant 32 : index
        %get3A_453 = tpu.vector_load %arg17[%get3A_450, %get3A_451, %get3A_452] {strides = array<i32>} : memref<2x64x128xf32, #tpu.memory_space<vmem>>, vector<16xf32>,
        %mul3A_454 = arith.mulf %get3A_449, %get3A_453 : vector<16xf32>
        %add3A_455 = arith.addf %add3A_415, %mul3A_454 : vector<16xf32>
        %get3A_456 = arith.index_cast %rem3A_302 : i32 to index
        %get3A_457 = arith.index_cast %add3A_353 : i32 to index
        %get3A_458 = arith.constant 32 : index
        %get3A_459 = tpu.vector_load %arg16[%get3A_456, %get3A_457, %get3A_458] {strides = array<i32>} : memref<2x64x128xf32, #tpu.memory_space<vmem>>, vector<16xf32>,
        %get3A_460 = arith.index_cast %rem3A_302 : i32 to index
        %get3A_461 = arith.index_cast %add3A_353 : i32 to index
        %get3A_462 = arith.constant 32 : index
        %get3A_463 = tpu.vector_load %arg17[%get3A_460, %get3A_461, %get3A_462] {strides = array<i32>} : memref<2x64x128xf32, #tpu.memory_space<vmem>>, vector<16xf32>,
        %mul3A_464 = arith.mulf %get3A_459, %get3A_463 : vector<16xf32>
        %add3A_465 = arith.addf %add3A_425, %mul3A_464 : vector<16xf32>
        %get3A_466 = arith.index_cast %rem3A_302 : i32 to index
        %get3A_467 = arith.index_cast %add3A_359 : i32 to index
        %get3A_468 = arith.constant 32 : index
        %get3A_469 = tpu.vector_load %arg16[%get3A_466, %get3A_467, %get3A_468] {strides = array<i32>} : memref<2x64x128xf32, #tpu.memory_space<vmem>>, vector<16xf32>,
        %get3A_470 = arith.index_cast %rem3A_302 : i32 to index
        %get3A_471 = arith.index_cast %add3A_359 : i32 to index
        %get3A_472 = arith.constant 32 : index
        %get3A_473 = tpu.vector_load %arg17[%get3A_470, %get3A_471, %get3A_472] {strides = array<i32>} : memref<2x64x128xf32, #tpu.memory_space<vmem>>, vector<16xf32>,
        %mul3A_474 = arith.mulf %get3A_469, %get3A_473 : vector<16xf32>
        %add3A_475 = arith.addf %add3A_435, %mul3A_474 : vector<16xf32>
        %get3A_476 = arith.index_cast %rem3A_302 : i32 to index
        %get3A_477 = arith.index_cast %add3A_341 : i32 to index
        %get3A_478 = arith.constant 48 : index
        %get3A_479 = tpu.vector_load %arg16[%get3A_476, %get3A_477, %get3A_478] {strides = array<i32>} : memref<2x64x128xf32, #tpu.memory_space<vmem>>, vector<16xf32>,
        %get3A_480 = arith.index_cast %rem3A_302 : i32 to index
        %get3A_481 = arith.index_cast %add3A_341 : i32 to index
        %get3A_482 = arith.constant 48 : index
        %get3A_483 = tpu.vector_load %arg17[%get3A_480, %get3A_481, %get3A_482] {strides = array<i32>} : memref<2x64x128xf32, #tpu.memory_space<vmem>>, vector<16xf32>,
        %mul3A_484 = arith.mulf %get3A_479, %get3A_483 : vector<16xf32>
        %add3A_485 = arith.addf %add3A_445, %mul3A_484 : vector<16xf32>
        %get3A_486 = arith.index_cast %rem3A_302 : i32 to index
        %get3A_487 = arith.index_cast %add3A_347 : i32 to index
        %get3A_488 = arith.constant 48 : index
        %get3A_489 = tpu.vector_load %arg16[%get3A_486, %get3A_487, %get3A_488] {strides = array<i32>} : memref<2x64x128xf32, #tpu.memory_space<vmem>>, vector<16xf32>,
        %get3A_490 = arith.index_cast %rem3A_302 : i32 to index
        %get3A_491 = arith.index_cast %add3A_347 : i32 to index
        %get3A_492 = arith.constant 48 : index
        %get3A_493 = tpu.vector_load %arg17[%get3A_490, %get3A_491, %get3A_492] {strides = array<i32>} : memref<2x64x128xf32, #tpu.memory_space<vmem>>, vector<16xf32>,
        %mul3A_494 = arith.mulf %get3A_489, %get3A_493 : vector<16xf32>
        %add3A_495 = arith.addf %add3A_455, %mul3A_494 : vector<16xf32>
        %get3A_496 = arith.index_cast %rem3A_302 : i32 to index
        %get3A_497 = arith.index_cast %add3A_353 : i32 to index
        %get3A_498 = arith.constant 48 : index
        %get3A_499 = tpu.vector_load %arg16[%get3A_496, %get3A_497, %get3A_498] {strides = array<i32>} : memref<2x64x128xf32, #tpu.memory_space<vmem>>, vector<16xf32>,
        %get3A_500 = arith.index_cast %rem3A_302 : i32 to index
        %get3A_501 = arith.index_cast %add3A_353 : i32 to index
        %get3A_502 = arith.constant 48 : index
        %get3A_503 = tpu.vector_load %arg17[%get3A_500, %get3A_501, %get3A_502] {strides = array<i32>} : memref<2x64x128xf32, #tpu.memory_space<vmem>>, vector<16xf32>,
        %mul3A_504 = arith.mulf %get3A_499, %get3A_503 : vector<16xf32>
        %add3A_505 = arith.addf %add3A_465, %mul3A_504 : vector<16xf32>
        %get3A_506 = arith.index_cast %rem3A_302 : i32 to index
        %get3A_507 = arith.index_cast %add3A_359 : i32 to index
        %get3A_508 = arith.constant 48 : index
        %get3A_509 = tpu.vector_load %arg16[%get3A_506, %get3A_507, %get3A_508] {strides = array<i32>} : memref<2x64x128xf32, #tpu.memory_space<vmem>>, vector<16xf32>,
        %get3A_510 = arith.index_cast %rem3A_302 : i32 to index
        %get3A_511 = arith.index_cast %add3A_359 : i32 to index
        %get3A_512 = arith.constant 48 : index
        %get3A_513 = tpu.vector_load %arg17[%get3A_510, %get3A_511, %get3A_512] {strides = array<i32>} : memref<2x64x128xf32, #tpu.memory_space<vmem>>, vector<16xf32>,
        %mul3A_514 = arith.mulf %get3A_509, %get3A_513 : vector<16xf32>
        %add3A_515 = arith.addf %add3A_475, %mul3A_514 : vector<16xf32>
        %get3A_516 = arith.index_cast %rem3A_302 : i32 to index
        %get3A_517 = arith.index_cast %add3A_341 : i32 to index
        %get3A_518 = arith.constant 64 : index
        %get3A_519 = tpu.vector_load %arg16[%get3A_516, %get3A_517, %get3A_518] {strides = array<i32>} : memref<2x64x128xf32, #tpu.memory_space<vmem>>, vector<16xf32>,
        %get3A_520 = arith.index_cast %rem3A_302 : i32 to index
        %get3A_521 = arith.index_cast %add3A_341 : i32 to index
        %get3A_522 = arith.constant 64 : index
        %get3A_523 = tpu.vector_load %arg17[%get3A_520, %get3A_521, %get3A_522] {strides = array<i32>} : memref<2x64x128xf32, #tpu.memory_space<vmem>>, vector<16xf32>,
        %mul3A_524 = arith.mulf %get3A_519, %get3A_523 : vector<16xf32>
        %add3A_525 = arith.addf %add3A_485, %mul3A_524 : vector<16xf32>
        %get3A_526 = arith.index_cast %rem3A_302 : i32 to index
        %get3A_527 = arith.index_cast %add3A_347 : i32 to index
        %get3A_528 = arith.constant 64 : index
        %get3A_529 = tpu.vector_load %arg16[%get3A_526, %get3A_527, %get3A_528] {strides = array<i32>} : memref<2x64x128xf32, #tpu.memory_space<vmem>>, vector<16xf32>,
        %get3A_530 = arith.index_cast %rem3A_302 : i32 to index
        %get3A_531 = arith.index_cast %add3A_347 : i32 to index
        %get3A_532 = arith.constant 64 : index
        %get3A_533 = tpu.vector_load %arg17[%get3A_530, %get3A_531, %get3A_532] {strides = array<i32>} : memref<2x64x128xf32, #tpu.memory_space<vmem>>, vector<16xf32>,
        %mul3A_534 = arith.mulf %get3A_529, %get3A_533 : vector<16xf32>
        %add3A_535 = arith.addf %add3A_495, %mul3A_534 : vector<16xf32>
        %get3A_536 = arith.index_cast %rem3A_302 : i32 to index
        %get3A_537 = arith.index_cast %add3A_353 : i32 to index
        %get3A_538 = arith.constant 64 : index
        %get3A_539 = tpu.vector_load %arg16[%get3A_536, %get3A_537, %get3A_538] {strides = array<i32>} : memref<2x64x128xf32, #tpu.memory_space<vmem>>, vector<16xf32>,
        %get3A_540 = arith.index_cast %rem3A_302 : i32 to index
        %get3A_541 = arith.index_cast %add3A_353 : i32 to index
        %get3A_542 = arith.constant 64 : index
        %get3A_543 = tpu.vector_load %arg17[%get3A_540, %get3A_541, %get3A_542] {strides = array<i32>} : memref<2x64x128xf32, #tpu.memory_space<vmem>>, vector<16xf32>,
        %mul3A_544 = arith.mulf %get3A_539, %get3A_543 : vector<16xf32>
        %add3A_545 = arith.addf %add3A_505, %mul3A_544 : vector<16xf32>
        %get3A_546 = arith.index_cast %rem3A_302 : i32 to index
        %get3A_547 = arith.index_cast %add3A_359 : i32 to index
        %get3A_548 = arith.constant 64 : index
        %get3A_549 = tpu.vector_load %arg16[%get3A_546, %get3A_547, %get3A_548] {strides = array<i32>} : memref<2x64x128xf32, #tpu.memory_space<vmem>>, vector<16xf32>,
        %get3A_550 = arith.index_cast %rem3A_302 : i32 to index
        %get3A_551 = arith.index_cast %add3A_359 : i32 to index
        %get3A_552 = arith.constant 64 : index
        %get3A_553 = tpu.vector_load %arg17[%get3A_550, %get3A_551, %get3A_552] {strides = array<i32>} : memref<2x64x128xf32, #tpu.memory_space<vmem>>, vector<16xf32>,
        %mul3A_554 = arith.mulf %get3A_549, %get3A_553 : vector<16xf32>
        %add3A_555 = arith.addf %add3A_515, %mul3A_554 : vector<16xf32>
        %get3A_556 = arith.index_cast %rem3A_302 : i32 to index
        %get3A_557 = arith.index_cast %add3A_341 : i32 to index
        %get3A_558 = arith.constant 80 : index
        %get3A_559 = tpu.vector_load %arg16[%get3A_556, %get3A_557, %get3A_558] {strides = array<i32>} : memref<2x64x128xf32, #tpu.memory_space<vmem>>, vector<16xf32>,
        %get3A_560 = arith.index_cast %rem3A_302 : i32 to index
        %get3A_561 = arith.index_cast %add3A_341 : i32 to index
        %get3A_562 = arith.constant 80 : index
        %get3A_563 = tpu.vector_load %arg17[%get3A_560, %get3A_561, %get3A_562] {strides = array<i32>} : memref<2x64x128xf32, #tpu.memory_space<vmem>>, vector<16xf32>,
        %mul3A_564 = arith.mulf %get3A_559, %get3A_563 : vector<16xf32>
        %add3A_565 = arith.addf %add3A_525, %mul3A_564 : vector<16xf32>
        %get3A_566 = arith.index_cast %rem3A_302 : i32 to index
        %get3A_567 = arith.index_cast %add3A_347 : i32 to index
        %get3A_568 = arith.constant 80 : index
        %get3A_569 = tpu.vector_load %arg16[%get3A_566, %get3A_567, %get3A_568] {strides = array<i32>} : memref<2x64x128xf32, #tpu.memory_space<vmem>>, vector<16xf32>,
        %get3A_570 = arith.index_cast %rem3A_302 : i32 to index
        %get3A_571 = arith.index_cast %add3A_347 : i32 to index
        %get3A_572 = arith.constant 80 : index
        %get3A_573 = tpu.vector_load %arg17[%get3A_570, %get3A_571, %get3A_572] {strides = array<i32>} : memref<2x64x128xf32, #tpu.memory_space<vmem>>, vector<16xf32>,
        %mul3A_574 = arith.mulf %get3A_569, %get3A_573 : vector<16xf32>
        %add3A_575 = arith.addf %add3A_535, %mul3A_574 : vector<16xf32>
        %get3A_576 = arith.index_cast %rem3A_302 : i32 to index
        %get3A_577 = arith.index_cast %add3A_353 : i32 to index
        %get3A_578 = arith.constant 80 : index
        %get3A_579 = tpu.vector_load %arg16[%get3A_576, %get3A_577, %get3A_578] {strides = array<i32>} : memref<2x64x128xf32, #tpu.memory_space<vmem>>, vector<16xf32>,
        %get3A_580 = arith.index_cast %rem3A_302 : i32 to index
        %get3A_581 = arith.index_cast %add3A_353 : i32 to index
        %get3A_582 = arith.constant 80 : index
        %get3A_583 = tpu.vector_load %arg17[%get3A_580, %get3A_581, %get3A_582] {strides = array<i32>} : memref<2x64x128xf32, #tpu.memory_space<vmem>>, vector<16xf32>,
        %mul3A_584 = arith.mulf %get3A_579, %get3A_583 : vector<16xf32>
        %add3A_585 = arith.addf %add3A_545, %mul3A_584 : vector<16xf32>
        %get3A_586 = arith.index_cast %rem3A_302 : i32 to index
        %get3A_587 = arith.index_cast %add3A_359 : i32 to index
        %get3A_588 = arith.constant 80 : index
        %get3A_589 = tpu.vector_load %arg16[%get3A_586, %get3A_587, %get3A_588] {strides = array<i32>} : memref<2x64x128xf32, #tpu.memory_space<vmem>>, vector<16xf32>,
        %get3A_590 = arith.index_cast %rem3A_302 : i32 to index
        %get3A_591 = arith.index_cast %add3A_359 : i32 to index
        %get3A_592 = arith.constant 80 : index
        %get3A_593 = tpu.vector_load %arg17[%get3A_590, %get3A_591, %get3A_592] {strides = array<i32>} : memref<2x64x128xf32, #tpu.memory_space<vmem>>, vector<16xf32>,
        %mul3A_594 = arith.mulf %get3A_589, %get3A_593 : vector<16xf32>
        %add3A_595 = arith.addf %add3A_555, %mul3A_594 : vector<16xf32>
        %get3A_596 = arith.index_cast %rem3A_302 : i32 to index
        %get3A_597 = arith.index_cast %add3A_341 : i32 to index
        %get3A_598 = arith.constant 96 : index
        %get3A_599 = tpu.vector_load %arg16[%get3A_596, %get3A_597, %get3A_598] {strides = array<i32>} : memref<2x64x128xf32, #tpu.memory_space<vmem>>, vector<16xf32>,
        %get3A_600 = arith.index_cast %rem3A_302 : i32 to index
        %get3A_601 = arith.index_cast %add3A_341 : i32 to index
        %get3A_602 = arith.constant 96 : index
        %get3A_603 = tpu.vector_load %arg17[%get3A_600, %get3A_601, %get3A_602] {strides = array<i32>} : memref<2x64x128xf32, #tpu.memory_space<vmem>>, vector<16xf32>,
        %mul3A_604 = arith.mulf %get3A_599, %get3A_603 : vector<16xf32>
        %add3A_605 = arith.addf %add3A_565, %mul3A_604 : vector<16xf32>
        %get3A_606 = arith.index_cast %rem3A_302 : i32 to index
        %get3A_607 = arith.index_cast %add3A_347 : i32 to index
        %get3A_608 = arith.constant 96 : index
        %get3A_609 = tpu.vector_load %arg16[%get3A_606, %get3A_607, %get3A_608] {strides = array<i32>} : memref<2x64x128xf32, #tpu.memory_space<vmem>>, vector<16xf32>,
        %get3A_610 = arith.index_cast %rem3A_302 : i32 to index
        %get3A_611 = arith.index_cast %add3A_347 : i32 to index
        %get3A_612 = arith.constant 96 : index
        %get3A_613 = tpu.vector_load %arg17[%get3A_610, %get3A_611, %get3A_612] {strides = array<i32>} : memref<2x64x128xf32, #tpu.memory_space<vmem>>, vector<16xf32>,
        %mul3A_614 = arith.mulf %get3A_609, %get3A_613 : vector<16xf32>
        %add3A_615 = arith.addf %add3A_575, %mul3A_614 : vector<16xf32>
        %get3A_616 = arith.index_cast %rem3A_302 : i32 to index
        %get3A_617 = arith.index_cast %add3A_353 : i32 to index
        %get3A_618 = arith.constant 96 : index
        %get3A_619 = tpu.vector_load %arg16[%get3A_616, %get3A_617, %get3A_618] {strides = array<i32>} : memref<2x64x128xf32, #tpu.memory_space<vmem>>, vector<16xf32>,
        %get3A_620 = arith.index_cast %rem3A_302 : i32 to index
        %get3A_621 = arith.index_cast %add3A_353 : i32 to index
        %get3A_622 = arith.constant 96 : index
        %get3A_623 = tpu.vector_load %arg17[%get3A_620, %get3A_621, %get3A_622] {strides = array<i32>} : memref<2x64x128xf32, #tpu.memory_space<vmem>>, vector<16xf32>,
        %mul3A_624 = arith.mulf %get3A_619, %get3A_623 : vector<16xf32>
        %add3A_625 = arith.addf %add3A_585, %mul3A_624 : vector<16xf32>
        %get3A_626 = arith.index_cast %rem3A_302 : i32 to index
        %get3A_627 = arith.index_cast %add3A_359 : i32 to index
        %get3A_628 = arith.constant 96 : index
        %get3A_629 = tpu.vector_load %arg16[%get3A_626, %get3A_627, %get3A_628] {strides = array<i32>} : memref<2x64x128xf32, #tpu.memory_space<vmem>>, vector<16xf32>,
        %get3A_630 = arith.index_cast %rem3A_302 : i32 to index
        %get3A_631 = arith.index_cast %add3A_359 : i32 to index
        %get3A_632 = arith.constant 96 : index
        %get3A_633 = tpu.vector_load %arg17[%get3A_630, %get3A_631, %get3A_632] {strides = array<i32>} : memref<2x64x128xf32, #tpu.memory_space<vmem>>, vector<16xf32>,
        %mul3A_634 = arith.mulf %get3A_629, %get3A_633 : vector<16xf32>
        %add3A_635 = arith.addf %add3A_595, %mul3A_634 : vector<16xf32>
        %get3A_636 = arith.index_cast %rem3A_302 : i32 to index
        %get3A_637 = arith.index_cast %add3A_341 : i32 to index
        %get3A_638 = arith.constant 112 : index
        %get3A_639 = tpu.vector_load %arg16[%get3A_636, %get3A_637, %get3A_638] {strides = array<i32>} : memref<2x64x128xf32, #tpu.memory_space<vmem>>, vector<16xf32>,
        %get3A_640 = arith.index_cast %rem3A_302 : i32 to index
        %get3A_641 = arith.index_cast %add3A_341 : i32 to index
        %get3A_642 = arith.constant 112 : index
        %get3A_643 = tpu.vector_load %arg17[%get3A_640, %get3A_641, %get3A_642] {strides = array<i32>} : memref<2x64x128xf32, #tpu.memory_space<vmem>>, vector<16xf32>,
        %mul3A_644 = arith.mulf %get3A_639, %get3A_643 : vector<16xf32>
        %add3A_645 = arith.addf %add3A_605, %mul3A_644 : vector<16xf32>
        %get3A_646 = arith.index_cast %rem3A_302 : i32 to index
        %get3A_647 = arith.index_cast %add3A_347 : i32 to index
        %get3A_648 = arith.constant 112 : index
        %get3A_649 = tpu.vector_load %arg16[%get3A_646, %get3A_647, %get3A_648] {strides = array<i32>} : memref<2x64x128xf32, #tpu.memory_space<vmem>>, vector<16xf32>,
        %get3A_650 = arith.index_cast %rem3A_302 : i32 to index
        %get3A_651 = arith.index_cast %add3A_347 : i32 to index
        %get3A_652 = arith.constant 112 : index
        %get3A_653 = tpu.vector_load %arg17[%get3A_650, %get3A_651, %get3A_652] {strides = array<i32>} : memref<2x64x128xf32, #tpu.memory_space<vmem>>, vector<16xf32>,
        %mul3A_654 = arith.mulf %get3A_649, %get3A_653 : vector<16xf32>
        %add3A_655 = arith.addf %add3A_615, %mul3A_654 : vector<16xf32>
        %get3A_656 = arith.index_cast %rem3A_302 : i32 to index
        %get3A_657 = arith.index_cast %add3A_353 : i32 to index
        %get3A_658 = arith.constant 112 : index
        %get3A_659 = tpu.vector_load %arg16[%get3A_656, %get3A_657, %get3A_658] {strides = array<i32>} : memref<2x64x128xf32, #tpu.memory_space<vmem>>, vector<16xf32>,
        %get3A_660 = arith.index_cast %rem3A_302 : i32 to index
        %get3A_661 = arith.index_cast %add3A_353 : i32 to index
        %get3A_662 = arith.constant 112 : index
        %get3A_663 = tpu.vector_load %arg17[%get3A_660, %get3A_661, %get3A_662] {strides = array<i32>} : memref<2x64x128xf32, #tpu.memory_space<vmem>>, vector<16xf32>,
        %mul3A_664 = arith.mulf %get3A_659, %get3A_663 : vector<16xf32>
        %add3A_665 = arith.addf %add3A_625, %mul3A_664 : vector<16xf32>
        %get3A_666 = arith.index_cast %rem3A_302 : i32 to index
        %get3A_667 = arith.index_cast %add3A_359 : i32 to index
        %get3A_668 = arith.constant 112 : index
        %get3A_669 = tpu.vector_load %arg16[%get3A_666, %get3A_667, %get3A_668] {strides = array<i32>} : memref<2x64x128xf32, #tpu.memory_space<vmem>>, vector<16xf32>,
        %get3A_670 = arith.index_cast %rem3A_302 : i32 to index
        %get3A_671 = arith.index_cast %add3A_359 : i32 to index
        %get3A_672 = arith.constant 112 : index
        %get3A_673 = tpu.vector_load %arg17[%get3A_670, %get3A_671, %get3A_672] {strides = array<i32>} : memref<2x64x128xf32, #tpu.memory_space<vmem>>, vector<16xf32>,
        %mul3A_674 = arith.mulf %get3A_669, %get3A_673 : vector<16xf32>
        %add3A_675 = arith.addf %add3A_635, %mul3A_674 : vector<16xf32>
        %swap3A = arith.constant 0 : i32
        %swap3A_676 = arith.index_cast %swap3A : i32 to index
        %swap3A_677 = arith.constant 0 : index
        %swap3A_678 = tpu.vector_load %arg18[%swap3A_676, %swap3A_677] {strides = array<i32>} : memref<16x17xf32, #tpu.memory_space<vmem>>, vector<16xf32>,
        tpu.vector_store %arg18[%swap3A_676, %swap3A_677], %add3A_645 {strides = array<i32>} : memref<16x17xf32, #tpu.memory_space<vmem>>, vector<16xf32>,
        %swap3A_679 = arith.constant 1 : i32
        %swap3A_680 = arith.index_cast %swap3A_679 : i32 to index
        %swap3A_681 = arith.constant 0 : index
        %swap3A_682 = tpu.vector_load %arg18[%swap3A_680, %swap3A_681] {strides = array<i32>} : memref<16x17xf32, #tpu.memory_space<vmem>>, vector<16xf32>,
        tpu.vector_store %arg18[%swap3A_680, %swap3A_681], %add3A_655 {strides = array<i32>} : memref<16x17xf32, #tpu.memory_space<vmem>>, vector<16xf32>,
        %swap3A_683 = arith.constant 2 : i32
        %swap3A_684 = arith.index_cast %swap3A_683 : i32 to index
        %swap3A_685 = arith.constant 0 : index
        %swap3A_686 = tpu.vector_load %arg18[%swap3A_684, %swap3A_685] {strides = array<i32>} : memref<16x17xf32, #tpu.memory_space<vmem>>, vector<16xf32>,
        tpu.vector_store %arg18[%swap3A_684, %swap3A_685], %add3A_665 {strides = array<i32>} : memref<16x17xf32, #tpu.memory_space<vmem>>, vector<16xf32>,
        %swap3A_687 = arith.constant 3 : i32
        %swap3A_688 = arith.index_cast %swap3A_687 : i32 to index
        %swap3A_689 = arith.constant 0 : index
        %swap3A_690 = tpu.vector_load %arg18[%swap3A_688, %swap3A_689] {strides = array<i32>} : memref<16x17xf32, #tpu.memory_space<vmem>>, vector<16xf32>,
        tpu.vector_store %arg18[%swap3A_688, %swap3A_689], %add3A_675 {strides = array<i32>} : memref<16x17xf32, #tpu.memory_space<vmem>>, vector<16xf32>,
        %mul3A_691 = arith.constant 16 : i32
        %mul3A_692 = arith.muli %scan3A_335, %mul3A_691 : i32
        %add3A_693 = arith.constant 4 : i32
        %add3A_694 = arith.addi %mul3A_692, %add3A_693 : i32
        %add3A_695 = arith.constant 0 : i32
        %add3A_696 = arith.addi %add3A_694, %add3A_695 : i32
        %mul3A_697 = arith.constant 16 : i32
        %mul3A_698 = arith.muli %scan3A_335, %mul3A_697 : i32
        %add3A_699 = arith.constant 4 : i32
        %add3A_700 = arith.addi %mul3A_698, %add3A_699 : i32
        %add3A_701 = arith.constant 1 : i32
        %add3A_702 = arith.addi %add3A_700, %add3A_701 : i32
        %mul3A_703 = arith.constant 16 : i32
        %mul3A_704 = arith.muli %scan3A_335, %mul3A_703 : i32
        %add3A_705 = arith.constant 4 : i32
        %add3A_706 = arith.addi %mul3A_704, %add3A_705 : i32
        %add3A_707 = arith.constant 2 : i32
        %add3A_708 = arith.addi %add3A_706, %add3A_707 : i32
        %mul3A_709 = arith.constant 16 : i32
        %mul3A_710 = arith.muli %scan3A_335, %mul3A_709 : i32
        %add3A_711 = arith.constant 4 : i32
        %add3A_712 = arith.addi %mul3A_710, %add3A_711 : i32
        %add3A_713 = arith.constant 3 : i32
        %add3A_714 = arith.addi %add3A_712, %add3A_713 : i32
        %get3A_715 = arith.index_cast %rem3A_302 : i32 to index
        %get3A_716 = arith.index_cast %add3A_696 : i32 to index
        %get3A_717 = arith.constant 0 : index
        %get3A_718 = tpu.vector_load %arg16[%get3A_715, %get3A_716, %get3A_717] {strides = array<i32>} : memref<2x64x128xf32, #tpu.memory_space<vmem>>, vector<16xf32>,
        %get3A_719 = arith.index_cast %rem3A_302 : i32 to index
        %get3A_720 = arith.index_cast %add3A_696 : i32 to index
        %get3A_721 = arith.constant 0 : index
        %get3A_722 = tpu.vector_load %arg17[%get3A_719, %get3A_720, %get3A_721] {strides = array<i32>} : memref<2x64x128xf32, #tpu.memory_space<vmem>>, vector<16xf32>,
        %mul3A_723 = arith.mulf %get3A_718, %get3A_722 : vector<16xf32>
        %get3A_724 = arith.index_cast %rem3A_302 : i32 to index
        %get3A_725 = arith.index_cast %add3A_702 : i32 to index
        %get3A_726 = arith.constant 0 : index
        %get3A_727 = tpu.vector_load %arg16[%get3A_724, %get3A_725, %get3A_726] {strides = array<i32>} : memref<2x64x128xf32, #tpu.memory_space<vmem>>, vector<16xf32>,
        %get3A_728 = arith.index_cast %rem3A_302 : i32 to index
        %get3A_729 = arith.index_cast %add3A_702 : i32 to index
        %get3A_730 = arith.constant 0 : index
        %get3A_731 = tpu.vector_load %arg17[%get3A_728, %get3A_729, %get3A_730] {strides = array<i32>} : memref<2x64x128xf32, #tpu.memory_space<vmem>>, vector<16xf32>,
        %mul3A_732 = arith.mulf %get3A_727, %get3A_731 : vector<16xf32>
        %get3A_733 = arith.index_cast %rem3A_302 : i32 to index
        %get3A_734 = arith.index_cast %add3A_708 : i32 to index
        %get3A_735 = arith.constant 0 : index
        %get3A_736 = tpu.vector_load %arg16[%get3A_733, %get3A_734, %get3A_735] {strides = array<i32>} : memref<2x64x128xf32, #tpu.memory_space<vmem>>, vector<16xf32>,
        %get3A_737 = arith.index_cast %rem3A_302 : i32 to index
        %get3A_738 = arith.index_cast %add3A_708 : i32 to index
        %get3A_739 = arith.constant 0 : index
        %get3A_740 = tpu.vector_load %arg17[%get3A_737, %get3A_738, %get3A_739] {strides = array<i32>} : memref<2x64x128xf32, #tpu.memory_space<vmem>>, vector<16xf32>,
        %mul3A_741 = arith.mulf %get3A_736, %get3A_740 : vector<16xf32>
        %get3A_742 = arith.index_cast %rem3A_302 : i32 to index
        %get3A_743 = arith.index_cast %add3A_714 : i32 to index
        %get3A_744 = arith.constant 0 : index
        %get3A_745 = tpu.vector_load %arg16[%get3A_742, %get3A_743, %get3A_744] {strides = array<i32>} : memref<2x64x128xf32, #tpu.memory_space<vmem>>, vector<16xf32>,
        %get3A_746 = arith.index_cast %rem3A_302 : i32 to index
        %get3A_747 = arith.index_cast %add3A_714 : i32 to index
        %get3A_748 = arith.constant 0 : index
        %get3A_749 = tpu.vector_load %arg17[%get3A_746, %get3A_747, %get3A_748] {strides = array<i32>} : memref<2x64x128xf32, #tpu.memory_space<vmem>>, vector<16xf32>,
        %mul3A_750 = arith.mulf %get3A_745, %get3A_749 : vector<16xf32>
        %get3A_751 = arith.index_cast %rem3A_302 : i32 to index
        %get3A_752 = arith.index_cast %add3A_696 : i32 to index
        %get3A_753 = arith.constant 16 : index
        %get3A_754 = tpu.vector_load %arg16[%get3A_751, %get3A_752, %get3A_753] {strides = array<i32>} : memref<2x64x128xf32, #tpu.memory_space<vmem>>, vector<16xf32>,
        %get3A_755 = arith.index_cast %rem3A_302 : i32 to index
        %get3A_756 = arith.index_cast %add3A_696 : i32 to index
        %get3A_757 = arith.constant 16 : index
        %get3A_758 = tpu.vector_load %arg17[%get3A_755, %get3A_756, %get3A_757] {strides = array<i32>} : memref<2x64x128xf32, #tpu.memory_space<vmem>>, vector<16xf32>,
        %mul3A_759 = arith.mulf %get3A_754, %get3A_758 : vector<16xf32>
        %add3A_760 = arith.addf %mul3A_723, %mul3A_759 : vector<16xf32>
        %get3A_761 = arith.index_cast %rem3A_302 : i32 to index
        %get3A_762 = arith.index_cast %add3A_702 : i32 to index
        %get3A_763 = arith.constant 16 : index
        %get3A_764 = tpu.vector_load %arg16[%get3A_761, %get3A_762, %get3A_763] {strides = array<i32>} : memref<2x64x128xf32, #tpu.memory_space<vmem>>, vector<16xf32>,
        %get3A_765 = arith.index_cast %rem3A_302 : i32 to index
        %get3A_766 = arith.index_cast %add3A_702 : i32 to index
        %get3A_767 = arith.constant 16 : index
        %get3A_768 = tpu.vector_load %arg17[%get3A_765, %get3A_766, %get3A_767] {strides = array<i32>} : memref<2x64x128xf32, #tpu.memory_space<vmem>>, vector<16xf32>,
        %mul3A_769 = arith.mulf %get3A_764, %get3A_768 : vector<16xf32>
        %add3A_770 = arith.addf %mul3A_732, %mul3A_769 : vector<16xf32>
        %get3A_771 = arith.index_cast %rem3A_302 : i32 to index
        %get3A_772 = arith.index_cast %add3A_708 : i32 to index
        %get3A_773 = arith.constant 16 : index
        %get3A_774 = tpu.vector_load %arg16[%get3A_771, %get3A_772, %get3A_773] {strides = array<i32>} : memref<2x64x128xf32, #tpu.memory_space<vmem>>, vector<16xf32>,
        %get3A_775 = arith.index_cast %rem3A_302 : i32 to index
        %get3A_776 = arith.index_cast %add3A_708 : i32 to index
        %get3A_777 = arith.constant 16 : index
        %get3A_778 = tpu.vector_load %arg17[%get3A_775, %get3A_776, %get3A_777] {strides = array<i32>} : memref<2x64x128xf32, #tpu.memory_space<vmem>>, vector<16xf32>,
        %mul3A_779 = arith.mulf %get3A_774, %get3A_778 : vector<16xf32>
        %add3A_780 = arith.addf %mul3A_741, %mul3A_779 : vector<16xf32>
        %get3A_781 = arith.index_cast %rem3A_302 : i32 to index
        %get3A_782 = arith.index_cast %add3A_714 : i32 to index
        %get3A_783 = arith.constant 16 : index
        %get3A_784 = tpu.vector_load %arg16[%get3A_781, %get3A_782, %get3A_783] {strides = array<i32>} : memref<2x64x128xf32, #tpu.memory_space<vmem>>, vector<16xf32>,
        %get3A_785 = arith.index_cast %rem3A_302 : i32 to index
        %get3A_786 = arith.index_cast %add3A_714 : i32 to index
        %get3A_787 = arith.constant 16 : index
        %get3A_788 = tpu.vector_load %arg17[%get3A_785, %get3A_786, %get3A_787] {strides = array<i32>} : memref<2x64x128xf32, #tpu.memory_space<vmem>>, vector<16xf32>,
        %mul3A_789 = arith.mulf %get3A_784, %get3A_788 : vector<16xf32>
        %add3A_790 = arith.addf %mul3A_750, %mul3A_789 : vector<16xf32>
        %get3A_791 = arith.index_cast %rem3A_302 : i32 to index
        %get3A_792 = arith.index_cast %add3A_696 : i32 to index
        %get3A_793 = arith.constant 32 : index
        %get3A_794 = tpu.vector_load %arg16[%get3A_791, %get3A_792, %get3A_793] {strides = array<i32>} : memref<2x64x128xf32, #tpu.memory_space<vmem>>, vector<16xf32>,
        %get3A_795 = arith.index_cast %rem3A_302 : i32 to index
        %get3A_796 = arith.index_cast %add3A_696 : i32 to index
        %get3A_797 = arith.constant 32 : index
        %get3A_798 = tpu.vector_load %arg17[%get3A_795, %get3A_796, %get3A_797] {strides = array<i32>} : memref<2x64x128xf32, #tpu.memory_space<vmem>>, vector<16xf32>,
        %mul3A_799 = arith.mulf %get3A_794, %get3A_798 : vector<16xf32>
        %add3A_800 = arith.addf %add3A_760, %mul3A_799 : vector<16xf32>
        %get3A_801 = arith.index_cast %rem3A_302 : i32 to index
        %get3A_802 = arith.index_cast %add3A_702 : i32 to index
        %get3A_803 = arith.constant 32 : index
        %get3A_804 = tpu.vector_load %arg16[%get3A_801, %get3A_802, %get3A_803] {strides = array<i32>} : memref<2x64x128xf32, #tpu.memory_space<vmem>>, vector<16xf32>,
        %get3A_805 = arith.index_cast %rem3A_302 : i32 to index
        %get3A_806 = arith.index_cast %add3A_702 : i32 to index
        %get3A_807 = arith.constant 32 : index
        %get3A_808 = tpu.vector_load %arg17[%get3A_805, %get3A_806, %get3A_807] {strides = array<i32>} : memref<2x64x128xf32, #tpu.memory_space<vmem>>, vector<16xf32>,
        %mul3A_809 = arith.mulf %get3A_804, %get3A_808 : vector<16xf32>
        %add3A_810 = arith.addf %add3A_770, %mul3A_809 : vector<16xf32>
        %get3A_811 = arith.index_cast %rem3A_302 : i32 to index
        %get3A_812 = arith.index_cast %add3A_708 : i32 to index
        %get3A_813 = arith.constant 32 : index
        %get3A_814 = tpu.vector_load %arg16[%get3A_811, %get3A_812, %get3A_813] {strides = array<i32>} : memref<2x64x128xf32, #tpu.memory_space<vmem>>, vector<16xf32>,
        %get3A_815 = arith.index_cast %rem3A_302 : i32 to index
        %get3A_816 = arith.index_cast %add3A_708 : i32 to index
        %get3A_817 = arith.constant 32 : index
        %get3A_818 = tpu.vector_load %arg17[%get3A_815, %get3A_816, %get3A_817] {strides = array<i32>} : memref<2x64x128xf32, #tpu.memory_space<vmem>>, vector<16xf32>,
        %mul3A_819 = arith.mulf %get3A_814, %get3A_818 : vector<16xf32>
        %add3A_820 = arith.addf %add3A_780, %mul3A_819 : vector<16xf32>
        %get3A_821 = arith.index_cast %rem3A_302 : i32 to index
        %get3A_822 = arith.index_cast %add3A_714 : i32 to index
        %get3A_823 = arith.constant 32 : index
        %get3A_824 = tpu.vector_load %arg16[%get3A_821, %get3A_822, %get3A_823] {strides = array<i32>} : memref<2x64x128xf32, #tpu.memory_space<vmem>>, vector<16xf32>,
        %get3A_825 = arith.index_cast %rem3A_302 : i32 to index
        %get3A_826 = arith.index_cast %add3A_714 : i32 to index
        %get3A_827 = arith.constant 32 : index
        %get3A_828 = tpu.vector_load %arg17[%get3A_825, %get3A_826, %get3A_827] {strides = array<i32>} : memref<2x64x128xf32, #tpu.memory_space<vmem>>, vector<16xf32>,
        %mul3A_829 = arith.mulf %get3A_824, %get3A_828 : vector<16xf32>
        %add3A_830 = arith.addf %add3A_790, %mul3A_829 : vector<16xf32>
        %get3A_831 = arith.index_cast %rem3A_302 : i32 to index
        %get3A_832 = arith.index_cast %add3A_696 : i32 to index
        %get3A_833 = arith.constant 48 : index
        %get3A_834 = tpu.vector_load %arg16[%get3A_831, %get3A_832, %get3A_833] {strides = array<i32>} : memref<2x64x128xf32, #tpu.memory_space<vmem>>, vector<16xf32>,
        %get3A_835 = arith.index_cast %rem3A_302 : i32 to index
        %get3A_836 = arith.index_cast %add3A_696 : i32 to index
        %get3A_837 = arith.constant 48 : index
        %get3A_838 = tpu.vector_load %arg17[%get3A_835, %get3A_836, %get3A_837] {strides = array<i32>} : memref<2x64x128xf32, #tpu.memory_space<vmem>>, vector<16xf32>,
        %mul3A_839 = arith.mulf %get3A_834, %get3A_838 : vector<16xf32>
        %add3A_840 = arith.addf %add3A_800, %mul3A_839 : vector<16xf32>
        %get3A_841 = arith.index_cast %rem3A_302 : i32 to index
        %get3A_842 = arith.index_cast %add3A_702 : i32 to index
        %get3A_843 = arith.constant 48 : index
        %get3A_844 = tpu.vector_load %arg16[%get3A_841, %get3A_842, %get3A_843] {strides = array<i32>} : memref<2x64x128xf32, #tpu.memory_space<vmem>>, vector<16xf32>,
        %get3A_845 = arith.index_cast %rem3A_302 : i32 to index
        %get3A_846 = arith.index_cast %add3A_702 : i32 to index
        %get3A_847 = arith.constant 48 : index
        %get3A_848 = tpu.vector_load %arg17[%get3A_845, %get3A_846, %get3A_847] {strides = array<i32>} : memref<2x64x128xf32, #tpu.memory_space<vmem>>, vector<16xf32>,
        %mul3A_849 = arith.mulf %get3A_844, %get3A_848 : vector<16xf32>
        %add3A_850 = arith.addf %add3A_810, %mul3A_849 : vector<16xf32>
        %get3A_851 = arith.index_cast %rem3A_302 : i32 to index
        %get3A_852 = arith.index_cast %add3A_708 : i32 to index
        %get3A_853 = arith.constant 48 : index
        %get3A_854 = tpu.vector_load %arg16[%get3A_851, %get3A_852, %get3A_853] {strides = array<i32>} : memref<2x64x128xf32, #tpu.memory_space<vmem>>, vector<16xf32>,
        %get3A_855 = arith.index_cast %rem3A_302 : i32 to index
        %get3A_856 = arith.index_cast %add3A_708 : i32 to index
        %get3A_857 = arith.constant 48 : index
        %get3A_858 = tpu.vector_load %arg17[%get3A_855, %get3A_856, %get3A_857] {strides = array<i32>} : memref<2x64x128xf32, #tpu.memory_space<vmem>>, vector<16xf32>,
        %mul3A_859 = arith.mulf %get3A_854, %get3A_858 : vector<16xf32>
        %add3A_860 = arith.addf %add3A_820, %mul3A_859 : vector<16xf32>
        %get3A_861 = arith.index_cast %rem3A_302 : i32 to index
        %get3A_862 = arith.index_cast %add3A_714 : i32 to index
        %get3A_863 = arith.constant 48 : index
        %get3A_864 = tpu.vector_load %arg16[%get3A_861, %get3A_862, %get3A_863] {strides = array<i32>} : memref<2x64x128xf32, #tpu.memory_space<vmem>>, vector<16xf32>,
        %get3A_865 = arith.index_cast %rem3A_302 : i32 to index
        %get3A_866 = arith.index_cast %add3A_714 : i32 to index
        %get3A_867 = arith.constant 48 : index
        %get3A_868 = tpu.vector_load %arg17[%get3A_865, %get3A_866, %get3A_867] {strides = array<i32>} : memref<2x64x128xf32, #tpu.memory_space<vmem>>, vector<16xf32>,
        %mul3A_869 = arith.mulf %get3A_864, %get3A_868 : vector<16xf32>
        %add3A_870 = arith.addf %add3A_830, %mul3A_869 : vector<16xf32>
        %get3A_871 = arith.index_cast %rem3A_302 : i32 to index
        %get3A_872 = arith.index_cast %add3A_696 : i32 to index
        %get3A_873 = arith.constant 64 : index
        %get3A_874 = tpu.vector_load %arg16[%get3A_871, %get3A_872, %get3A_873] {strides = array<i32>} : memref<2x64x128xf32, #tpu.memory_space<vmem>>, vector<16xf32>,
        %get3A_875 = arith.index_cast %rem3A_302 : i32 to index
        %get3A_876 = arith.index_cast %add3A_696 : i32 to index
        %get3A_877 = arith.constant 64 : index
        %get3A_878 = tpu.vector_load %arg17[%get3A_875, %get3A_876, %get3A_877] {strides = array<i32>} : memref<2x64x128xf32, #tpu.memory_space<vmem>>, vector<16xf32>,
        %mul3A_879 = arith.mulf %get3A_874, %get3A_878 : vector<16xf32>
        %add3A_880 = arith.addf %add3A_840, %mul3A_879 : vector<16xf32>
        %get3A_881 = arith.index_cast %rem3A_302 : i32 to index
        %get3A_882 = arith.index_cast %add3A_702 : i32 to index
        %get3A_883 = arith.constant 64 : index
        %get3A_884 = tpu.vector_load %arg16[%get3A_881, %get3A_882, %get3A_883] {strides = array<i32>} : memref<2x64x128xf32, #tpu.memory_space<vmem>>, vector<16xf32>,
        %get3A_885 = arith.index_cast %rem3A_302 : i32 to index
        %get3A_886 = arith.index_cast %add3A_702 : i32 to index
        %get3A_887 = arith.constant 64 : index
        %get3A_888 = tpu.vector_load %arg17[%get3A_885, %get3A_886, %get3A_887] {strides = array<i32>} : memref<2x64x128xf32, #tpu.memory_space<vmem>>, vector<16xf32>,
        %mul3A_889 = arith.mulf %get3A_884, %get3A_888 : vector<16xf32>
        %add3A_890 = arith.addf %add3A_850, %mul3A_889 : vector<16xf32>
        %get3A_891 = arith.index_cast %rem3A_302 : i32 to index
        %get3A_892 = arith.index_cast %add3A_708 : i32 to index
        %get3A_893 = arith.constant 64 : index
        %get3A_894 = tpu.vector_load %arg16[%get3A_891, %get3A_892, %get3A_893] {strides = array<i32>} : memref<2x64x128xf32, #tpu.memory_space<vmem>>, vector<16xf32>,
        %get3A_895 = arith.index_cast %rem3A_302 : i32 to index
        %get3A_896 = arith.index_cast %add3A_708 : i32 to index
        %get3A_897 = arith.constant 64 : index
        %get3A_898 = tpu.vector_load %arg17[%get3A_895, %get3A_896, %get3A_897] {strides = array<i32>} : memref<2x64x128xf32, #tpu.memory_space<vmem>>, vector<16xf32>,
        %mul3A_899 = arith.mulf %get3A_894, %get3A_898 : vector<16xf32>
        %add3A_900 = arith.addf %add3A_860, %mul3A_899 : vector<16xf32>
        %get3A_901 = arith.index_cast %rem3A_302 : i32 to index
        %get3A_902 = arith.index_cast %add3A_714 : i32 to index
        %get3A_903 = arith.constant 64 : index
        %get3A_904 = tpu.vector_load %arg16[%get3A_901, %get3A_902, %get3A_903] {strides = array<i32>} : memref<2x64x128xf32, #tpu.memory_space<vmem>>, vector<16xf32>,
        %get3A_905 = arith.index_cast %rem3A_302 : i32 to index
        %get3A_906 = arith.index_cast %add3A_714 : i32 to index
        %get3A_907 = arith.constant 64 : index
        %get3A_908 = tpu.vector_load %arg17[%get3A_905, %get3A_906, %get3A_907] {strides = array<i32>} : memref<2x64x128xf32, #tpu.memory_space<vmem>>, vector<16xf32>,
        %mul3A_909 = arith.mulf %get3A_904, %get3A_908 : vector<16xf32>
        %add3A_910 = arith.addf %add3A_870, %mul3A_909 : vector<16xf32>
        %get3A_911 = arith.index_cast %rem3A_302 : i32 to index
        %get3A_912 = arith.index_cast %add3A_696 : i32 to index
        %get3A_913 = arith.constant 80 : index
        %get3A_914 = tpu.vector_load %arg16[%get3A_911, %get3A_912, %get3A_913] {strides = array<i32>} : memref<2x64x128xf32, #tpu.memory_space<vmem>>, vector<16xf32>,
        %get3A_915 = arith.index_cast %rem3A_302 : i32 to index
        %get3A_916 = arith.index_cast %add3A_696 : i32 to index
        %get3A_917 = arith.constant 80 : index
        %get3A_918 = tpu.vector_load %arg17[%get3A_915, %get3A_916, %get3A_917] {strides = array<i32>} : memref<2x64x128xf32, #tpu.memory_space<vmem>>, vector<16xf32>,
        %mul3A_919 = arith.mulf %get3A_914, %get3A_918 : vector<16xf32>
        %add3A_920 = arith.addf %add3A_880, %mul3A_919 : vector<16xf32>
        %get3A_921 = arith.index_cast %rem3A_302 : i32 to index
        %get3A_922 = arith.index_cast %add3A_702 : i32 to index
        %get3A_923 = arith.constant 80 : index
        %get3A_924 = tpu.vector_load %arg16[%get3A_921, %get3A_922, %get3A_923] {strides = array<i32>} : memref<2x64x128xf32, #tpu.memory_space<vmem>>, vector<16xf32>,
        %get3A_925 = arith.index_cast %rem3A_302 : i32 to index
        %get3A_926 = arith.index_cast %add3A_702 : i32 to index
        %get3A_927 = arith.constant 80 : index
        %get3A_928 = tpu.vector_load %arg17[%get3A_925, %get3A_926, %get3A_927] {strides = array<i32>} : memref<2x64x128xf32, #tpu.memory_space<vmem>>, vector<16xf32>,
        %mul3A_929 = arith.mulf %get3A_924, %get3A_928 : vector<16xf32>
        %add3A_930 = arith.addf %add3A_890, %mul3A_929 : vector<16xf32>
        %get3A_931 = arith.index_cast %rem3A_302 : i32 to index
        %get3A_932 = arith.index_cast %add3A_708 : i32 to index
        %get3A_933 = arith.constant 80 : index
        %get3A_934 = tpu.vector_load %arg16[%get3A_931, %get3A_932, %get3A_933] {strides = array<i32>} : memref<2x64x128xf32, #tpu.memory_space<vmem>>, vector<16xf32>,
        %get3A_935 = arith.index_cast %rem3A_302 : i32 to index
        %get3A_936 = arith.index_cast %add3A_708 : i32 to index
        %get3A_937 = arith.constant 80 : index
        %get3A_938 = tpu.vector_load %arg17[%get3A_935, %get3A_936, %get3A_937] {strides = array<i32>} : memref<2x64x128xf32, #tpu.memory_space<vmem>>, vector<16xf32>,
        %mul3A_939 = arith.mulf %get3A_934, %get3A_938 : vector<16xf32>
        %add3A_940 = arith.addf %add3A_900, %mul3A_939 : vector<16xf32>
        %get3A_941 = arith.index_cast %rem3A_302 : i32 to index
        %get3A_942 = arith.index_cast %add3A_714 : i32 to index
        %get3A_943 = arith.constant 80 : index
        %get3A_944 = tpu.vector_load %arg16[%get3A_941, %get3A_942, %get3A_943] {strides = array<i32>} : memref<2x64x128xf32, #tpu.memory_space<vmem>>, vector<16xf32>,
        %get3A_945 = arith.index_cast %rem3A_302 : i32 to index
        %get3A_946 = arith.index_cast %add3A_714 : i32 to index
        %get3A_947 = arith.constant 80 : index
        %get3A_948 = tpu.vector_load %arg17[%get3A_945, %get3A_946, %get3A_947] {strides = array<i32>} : memref<2x64x128xf32, #tpu.memory_space<vmem>>, vector<16xf32>,
        %mul3A_949 = arith.mulf %get3A_944, %get3A_948 : vector<16xf32>
        %add3A_950 = arith.addf %add3A_910, %mul3A_949 : vector<16xf32>
        %get3A_951 = arith.index_cast %rem3A_302 : i32 to index
        %get3A_952 = arith.index_cast %add3A_696 : i32 to index
        %get3A_953 = arith.constant 96 : index
        %get3A_954 = tpu.vector_load %arg16[%get3A_951, %get3A_952, %get3A_953] {strides = array<i32>} : memref<2x64x128xf32, #tpu.memory_space<vmem>>, vector<16xf32>,
        %get3A_955 = arith.index_cast %rem3A_302 : i32 to index
        %get3A_956 = arith.index_cast %add3A_696 : i32 to index
        %get3A_957 = arith.constant 96 : index
        %get3A_958 = tpu.vector_load %arg17[%get3A_955, %get3A_956, %get3A_957] {strides = array<i32>} : memref<2x64x128xf32, #tpu.memory_space<vmem>>, vector<16xf32>,
        %mul3A_959 = arith.mulf %get3A_954, %get3A_958 : vector<16xf32>
        %add3A_960 = arith.addf %add3A_920, %mul3A_959 : vector<16xf32>
        %get3A_961 = arith.index_cast %rem3A_302 : i32 to index
        %get3A_962 = arith.index_cast %add3A_702 : i32 to index
        %get3A_963 = arith.constant 96 : index
        %get3A_964 = tpu.vector_load %arg16[%get3A_961, %get3A_962, %get3A_963] {strides = array<i32>} : memref<2x64x128xf32, #tpu.memory_space<vmem>>, vector<16xf32>,
        %get3A_965 = arith.index_cast %rem3A_302 : i32 to index
        %get3A_966 = arith.index_cast %add3A_702 : i32 to index
        %get3A_967 = arith.constant 96 : index
        %get3A_968 = tpu.vector_load %arg17[%get3A_965, %get3A_966, %get3A_967] {strides = array<i32>} : memref<2x64x128xf32, #tpu.memory_space<vmem>>, vector<16xf32>,
        %mul3A_969 = arith.mulf %get3A_964, %get3A_968 : vector<16xf32>
        %add3A_970 = arith.addf %add3A_930, %mul3A_969 : vector<16xf32>
        %get3A_971 = arith.index_cast %rem3A_302 : i32 to index
        %get3A_972 = arith.index_cast %add3A_708 : i32 to index
        %get3A_973 = arith.constant 96 : index
        %get3A_974 = tpu.vector_load %arg16[%get3A_971, %get3A_972, %get3A_973] {strides = array<i32>} : memref<2x64x128xf32, #tpu.memory_space<vmem>>, vector<16xf32>,
        %get3A_975 = arith.index_cast %rem3A_302 : i32 to index
        %get3A_976 = arith.index_cast %add3A_708 : i32 to index
        %get3A_977 = arith.constant 96 : index
        %get3A_978 = tpu.vector_load %arg17[%get3A_975, %get3A_976, %get3A_977] {strides = array<i32>} : memref<2x64x128xf32, #tpu.memory_space<vmem>>, vector<16xf32>,
        %mul3A_979 = arith.mulf %get3A_974, %get3A_978 : vector<16xf32>
        %add3A_980 = arith.addf %add3A_940, %mul3A_979 : vector<16xf32>
        %get3A_981 = arith.index_cast %rem3A_302 : i32 to index
        %get3A_982 = arith.index_cast %add3A_714 : i32 to index
        %get3A_983 = arith.constant 96 : index
        %get3A_984 = tpu.vector_load %arg16[%get3A_981, %get3A_982, %get3A_983] {strides = array<i32>} : memref<2x64x128xf32, #tpu.memory_space<vmem>>, vector<16xf32>,
        %get3A_985 = arith.index_cast %rem3A_302 : i32 to index
        %get3A_986 = arith.index_cast %add3A_714 : i32 to index
        %get3A_987 = arith.constant 96 : index
        %get3A_988 = tpu.vector_load %arg17[%get3A_985, %get3A_986, %get3A_987] {strides = array<i32>} : memref<2x64x128xf32, #tpu.memory_space<vmem>>, vector<16xf32>,
        %mul3A_989 = arith.mulf %get3A_984, %get3A_988 : vector<16xf32>
        %add3A_990 = arith.addf %add3A_950, %mul3A_989 : vector<16xf32>
        %get3A_991 = arith.index_cast %rem3A_302 : i32 to index
        %get3A_992 = arith.index_cast %add3A_696 : i32 to index
        %get3A_993 = arith.constant 112 : index
        %get3A_994 = tpu.vector_load %arg16[%get3A_991, %get3A_992, %get3A_993] {strides = array<i32>} : memref<2x64x128xf32, #tpu.memory_space<vmem>>, vector<16xf32>,
        %get3A_995 = arith.index_cast %rem3A_302 : i32 to index
        %get3A_996 = arith.index_cast %add3A_696 : i32 to index
        %get3A_997 = arith.constant 112 : index
        %get3A_998 = tpu.vector_load %arg17[%get3A_995, %get3A_996, %get3A_997] {strides = array<i32>} : memref<2x64x128xf32, #tpu.memory_space<vmem>>, vector<16xf32>,
        %mul3A_999 = arith.mulf %get3A_994, %get3A_998 : vector<16xf32>
        %add3A_1000 = arith.addf %add3A_960, %mul3A_999 : vector<16xf32>
        %get3A_1001 = arith.index_cast %rem3A_302 : i32 to index
        %get3A_1002 = arith.index_cast %add3A_702 : i32 to index
        %get3A_1003 = arith.constant 112 : index
        %get3A_1004 = tpu.vector_load %arg16[%get3A_1001, %get3A_1002, %get3A_1003] {strides = array<i32>} : memref<2x64x128xf32, #tpu.memory_space<vmem>>, vector<16xf32>,
        %get3A_1005 = arith.index_cast %rem3A_302 : i32 to index
        %get3A_1006 = arith.index_cast %add3A_702 : i32 to index
        %get3A_1007 = arith.constant 112 : index
        %get3A_1008 = tpu.vector_load %arg17[%get3A_1005, %get3A_1006, %get3A_1007] {strides = array<i32>} : memref<2x64x128xf32, #tpu.memory_space<vmem>>, vector<16xf32>,
        %mul3A_1009 = arith.mulf %get3A_1004, %get3A_1008 : vector<16xf32>
        %add3A_1010 = arith.addf %add3A_970, %mul3A_1009 : vector<16xf32>
        %get3A_1011 = arith.index_cast %rem3A_302 : i32 to index
        %get3A_1012 = arith.index_cast %add3A_708 : i32 to index
        %get3A_1013 = arith.constant 112 : index
        %get3A_1014 = tpu.vector_load %arg16[%get3A_1011, %get3A_1012, %get3A_1013] {strides = array<i32>} : memref<2x64x128xf32, #tpu.memory_space<vmem>>, vector<16xf32>,
        %get3A_1015 = arith.index_cast %rem3A_302 : i32 to index
        %get3A_1016 = arith.index_cast %add3A_708 : i32 to index
        %get3A_1017 = arith.constant 112 : index
        %get3A_1018 = tpu.vector_load %arg17[%get3A_1015, %get3A_1016, %get3A_1017] {strides = array<i32>} : memref<2x64x128xf32, #tpu.memory_space<vmem>>, vector<16xf32>,
        %mul3A_1019 = arith.mulf %get3A_1014, %get3A_1018 : vector<16xf32>
        %add3A_1020 = arith.addf %add3A_980, %mul3A_1019 : vector<16xf32>
        %get3A_1021 = arith.index_cast %rem3A_302 : i32 to index
        %get3A_1022 = arith.index_cast %add3A_714 : i32 to index
        %get3A_1023 = arith.constant 112 : index
        %get3A_1024 = tpu.vector_load %arg16[%get3A_1021, %get3A_1022, %get3A_1023] {strides = array<i32>} : memref<2x64x128xf32, #tpu.memory_space<vmem>>, vector<16xf32>,
        %get3A_1025 = arith.index_cast %rem3A_302 : i32 to index
        %get3A_1026 = arith.index_cast %add3A_714 : i32 to index
        %get3A_1027 = arith.constant 112 : index
        %get3A_1028 = tpu.vector_load %arg17[%get3A_1025, %get3A_1026, %get3A_1027] {strides = array<i32>} : memref<2x64x128xf32, #tpu.memory_space<vmem>>, vector<16xf32>,
        %mul3A_1029 = arith.mulf %get3A_1024, %get3A_1028 : vector<16xf32>
        %add3A_1030 = arith.addf %add3A_990, %mul3A_1029 : vector<16xf32>
        %swap3A_1031 = arith.constant 4 : i32
        %swap3A_1032 = arith.index_cast %swap3A_1031 : i32 to index
        %swap3A_1033 = arith.constant 0 : index
        %swap3A_1034 = tpu.vector_load %arg18[%swap3A_1032, %swap3A_1033] {strides = array<i32>} : memref<16x17xf32, #tpu.memory_space<vmem>>, vector<16xf32>,
        tpu.vector_store %arg18[%swap3A_1032, %swap3A_1033], %add3A_1000 {strides = array<i32>} : memref<16x17xf32, #tpu.memory_space<vmem>>, vector<16xf32>,
        %swap3A_1035 = arith.constant 5 : i32
        %swap3A_1036 = arith.index_cast %swap3A_1035 : i32 to index
        %swap3A_1037 = arith.constant 0 : index
        %swap3A_1038 = tpu.vector_load %arg18[%swap3A_1036, %swap3A_1037] {strides = array<i32>} : memref<16x17xf32, #tpu.memory_space<vmem>>, vector<16xf32>,
        tpu.vector_store %arg18[%swap3A_1036, %swap3A_1037], %add3A_1010 {strides = array<i32>} : memref<16x17xf32, #tpu.memory_space<vmem>>, vector<16xf32>,
        %swap3A_1039 = arith.constant 6 : i32
        %swap3A_1040 = arith.index_cast %swap3A_1039 : i32 to index
        %swap3A_1041 = arith.constant 0 : index
        %swap3A_1042 = tpu.vector_load %arg18[%swap3A_1040, %swap3A_1041] {strides = array<i32>} : memref<16x17xf32, #tpu.memory_space<vmem>>, vector<16xf32>,
        tpu.vector_store %arg18[%swap3A_1040, %swap3A_1041], %add3A_1020 {strides = array<i32>} : memref<16x17xf32, #tpu.memory_space<vmem>>, vector<16xf32>,
        %swap3A_1043 = arith.constant 7 : i32
        %swap3A_1044 = arith.index_cast %swap3A_1043 : i32 to index
        %swap3A_1045 = arith.constant 0 : index
        %swap3A_1046 = tpu.vector_load %arg18[%swap3A_1044, %swap3A_1045] {strides = array<i32>} : memref<16x17xf32, #tpu.memory_space<vmem>>, vector<16xf32>,
        tpu.vector_store %arg18[%swap3A_1044, %swap3A_1045], %add3A_1030 {strides = array<i32>} : memref<16x17xf32, #tpu.memory_space<vmem>>, vector<16xf32>,
        %mul3A_1047 = arith.constant 16 : i32
        %mul3A_1048 = arith.muli %scan3A_335, %mul3A_1047 : i32
        %add3A_1049 = arith.constant 8 : i32
        %add3A_1050 = arith.addi %mul3A_1048, %add3A_1049 : i32
        %add3A_1051 = arith.constant 0 : i32
        %add3A_1052 = arith.addi %add3A_1050, %add3A_1051 : i32
        %mul3A_1053 = arith.constant 16 : i32
        %mul3A_1054 = arith.muli %scan3A_335, %mul3A_1053 : i32
        %add3A_1055 = arith.constant 8 : i32
        %add3A_1056 = arith.addi %mul3A_1054, %add3A_1055 : i32
        %add3A_1057 = arith.constant 1 : i32
        %add3A_1058 = arith.addi %add3A_1056, %add3A_1057 : i32
        %mul3A_1059 = arith.constant 16 : i32
        %mul3A_1060 = arith.muli %scan3A_335, %mul3A_1059 : i32
        %add3A_1061 = arith.constant 8 : i32
        %add3A_1062 = arith.addi %mul3A_1060, %add3A_1061 : i32
        %add3A_1063 = arith.constant 2 : i32
        %add3A_1064 = arith.addi %add3A_1062, %add3A_1063 : i32
        %mul3A_1065 = arith.constant 16 : i32
        %mul3A_1066 = arith.muli %scan3A_335, %mul3A_1065 : i32
        %add3A_1067 = arith.constant 8 : i32
        %add3A_1068 = arith.addi %mul3A_1066, %add3A_1067 : i32
        %add3A_1069 = arith.constant 3 : i32
        %add3A_1070 = arith.addi %add3A_1068, %add3A_1069 : i32
        %get3A_1071 = arith.index_cast %rem3A_302 : i32 to index
        %get3A_1072 = arith.index_cast %add3A_1052 : i32 to index
        %get3A_1073 = arith.constant 0 : index
        %get3A_1074 = tpu.vector_load %arg16[%get3A_1071, %get3A_1072, %get3A_1073] {strides = array<i32>} : memref<2x64x128xf32, #tpu.memory_space<vmem>>, vector<16xf32>,
        %get3A_1075 = arith.index_cast %rem3A_302 : i32 to index
        %get3A_1076 = arith.index_cast %add3A_1052 : i32 to index
        %get3A_1077 = arith.constant 0 : index
        %get3A_1078 = tpu.vector_load %arg17[%get3A_1075, %get3A_1076, %get3A_1077] {strides = array<i32>} : memref<2x64x128xf32, #tpu.memory_space<vmem>>, vector<16xf32>,
        %mul3A_1079 = arith.mulf %get3A_1074, %get3A_1078 : vector<16xf32>
        %get3A_1080 = arith.index_cast %rem3A_302 : i32 to index
        %get3A_1081 = arith.index_cast %add3A_1058 : i32 to index
        %get3A_1082 = arith.constant 0 : index
        %get3A_1083 = tpu.vector_load %arg16[%get3A_1080, %get3A_1081, %get3A_1082] {strides = array<i32>} : memref<2x64x128xf32, #tpu.memory_space<vmem>>, vector<16xf32>,
        %get3A_1084 = arith.index_cast %rem3A_302 : i32 to index
        %get3A_1085 = arith.index_cast %add3A_1058 : i32 to index
        %get3A_1086 = arith.constant 0 : index
        %get3A_1087 = tpu.vector_load %arg17[%get3A_1084, %get3A_1085, %get3A_1086] {strides = array<i32>} : memref<2x64x128xf32, #tpu.memory_space<vmem>>, vector<16xf32>,
        %mul3A_1088 = arith.mulf %get3A_1083, %get3A_1087 : vector<16xf32>
        %get3A_1089 = arith.index_cast %rem3A_302 : i32 to index
        %get3A_1090 = arith.index_cast %add3A_1064 : i32 to index
        %get3A_1091 = arith.constant 0 : index
        %get3A_1092 = tpu.vector_load %arg16[%get3A_1089, %get3A_1090, %get3A_1091] {strides = array<i32>} : memref<2x64x128xf32, #tpu.memory_space<vmem>>, vector<16xf32>,
        %get3A_1093 = arith.index_cast %rem3A_302 : i32 to index
        %get3A_1094 = arith.index_cast %add3A_1064 : i32 to index
        %get3A_1095 = arith.constant 0 : index
        %get3A_1096 = tpu.vector_load %arg17[%get3A_1093, %get3A_1094, %get3A_1095] {strides = array<i32>} : memref<2x64x128xf32, #tpu.memory_space<vmem>>, vector<16xf32>,
        %mul3A_1097 = arith.mulf %get3A_1092, %get3A_1096 : vector<16xf32>
        %get3A_1098 = arith.index_cast %rem3A_302 : i32 to index
        %get3A_1099 = arith.index_cast %add3A_1070 : i32 to index
        %get3A_1100 = arith.constant 0 : index
        %get3A_1101 = tpu.vector_load %arg16[%get3A_1098, %get3A_1099, %get3A_1100] {strides = array<i32>} : memref<2x64x128xf32, #tpu.memory_space<vmem>>, vector<16xf32>,
        %get3A_1102 = arith.index_cast %rem3A_302 : i32 to index
        %get3A_1103 = arith.index_cast %add3A_1070 : i32 to index
        %get3A_1104 = arith.constant 0 : index
        %get3A_1105 = tpu.vector_load %arg17[%get3A_1102, %get3A_1103, %get3A_1104] {strides = array<i32>} : memref<2x64x128xf32, #tpu.memory_space<vmem>>, vector<16xf32>,
        %mul3A_1106 = arith.mulf %get3A_1101, %get3A_1105 : vector<16xf32>
        %get3A_1107 = arith.index_cast %rem3A_302 : i32 to index
        %get3A_1108 = arith.index_cast %add3A_1052 : i32 to index
        %get3A_1109 = arith.constant 16 : index
        %get3A_1110 = tpu.vector_load %arg16[%get3A_1107, %get3A_1108, %get3A_1109] {strides = array<i32>} : memref<2x64x128xf32, #tpu.memory_space<vmem>>, vector<16xf32>,
        %get3A_1111 = arith.index_cast %rem3A_302 : i32 to index
        %get3A_1112 = arith.index_cast %add3A_1052 : i32 to index
        %get3A_1113 = arith.constant 16 : index
        %get3A_1114 = tpu.vector_load %arg17[%get3A_1111, %get3A_1112, %get3A_1113] {strides = array<i32>} : memref<2x64x128xf32, #tpu.memory_space<vmem>>, vector<16xf32>,
        %mul3A_1115 = arith.mulf %get3A_1110, %get3A_1114 : vector<16xf32>
        %add3A_1116 = arith.addf %mul3A_1079, %mul3A_1115 : vector<16xf32>
        %get3A_1117 = arith.index_cast %rem3A_302 : i32 to index
        %get3A_1118 = arith.index_cast %add3A_1058 : i32 to index
        %get3A_1119 = arith.constant 16 : index
        %get3A_1120 = tpu.vector_load %arg16[%get3A_1117, %get3A_1118, %get3A_1119] {strides = array<i32>} : memref<2x64x128xf32, #tpu.memory_space<vmem>>, vector<16xf32>,
        %get3A_1121 = arith.index_cast %rem3A_302 : i32 to index
        %get3A_1122 = arith.index_cast %add3A_1058 : i32 to index
        %get3A_1123 = arith.constant 16 : index
        %get3A_1124 = tpu.vector_load %arg17[%get3A_1121, %get3A_1122, %get3A_1123] {strides = array<i32>} : memref<2x64x128xf32, #tpu.memory_space<vmem>>, vector<16xf32>,
        %mul3A_1125 = arith.mulf %get3A_1120, %get3A_1124 : vector<16xf32>
        %add3A_1126 = arith.addf %mul3A_1088, %mul3A_1125 : vector<16xf32>
        %get3A_1127 = arith.index_cast %rem3A_302 : i32 to index
        %get3A_1128 = arith.index_cast %add3A_1064 : i32 to index
        %get3A_1129 = arith.constant 16 : index
        %get3A_1130 = tpu.vector_load %arg16[%get3A_1127, %get3A_1128, %get3A_1129] {strides = array<i32>} : memref<2x64x128xf32, #tpu.memory_space<vmem>>, vector<16xf32>,
        %get3A_1131 = arith.index_cast %rem3A_302 : i32 to index
        %get3A_1132 = arith.index_cast %add3A_1064 : i32 to index
        %get3A_1133 = arith.constant 16 : index
        %get3A_1134 = tpu.vector_load %arg17[%get3A_1131, %get3A_1132, %get3A_1133] {strides = array<i32>} : memref<2x64x128xf32, #tpu.memory_space<vmem>>, vector<16xf32>,
        %mul3A_1135 = arith.mulf %get3A_1130, %get3A_1134 : vector<16xf32>
        %add3A_1136 = arith.addf %mul3A_1097, %mul3A_1135 : vector<16xf32>
        %get3A_1137 = arith.index_cast %rem3A_302 : i32 to index
        %get3A_1138 = arith.index_cast %add3A_1070 : i32 to index
        %get3A_1139 = arith.constant 16 : index
        %get3A_1140 = tpu.vector_load %arg16[%get3A_1137, %get3A_1138, %get3A_1139] {strides = array<i32>} : memref<2x64x128xf32, #tpu.memory_space<vmem>>, vector<16xf32>,
        %get3A_1141 = arith.index_cast %rem3A_302 : i32 to index
        %get3A_1142 = arith.index_cast %add3A_1070 : i32 to index
        %get3A_1143 = arith.constant 16 : index
        %get3A_1144 = tpu.vector_load %arg17[%get3A_1141, %get3A_1142, %get3A_1143] {strides = array<i32>} : memref<2x64x128xf32, #tpu.memory_space<vmem>>, vector<16xf32>,
        %mul3A_1145 = arith.mulf %get3A_1140, %get3A_1144 : vector<16xf32>
        %add3A_1146 = arith.addf %mul3A_1106, %mul3A_1145 : vector<16xf32>
        %get3A_1147 = arith.index_cast %rem3A_302 : i32 to index
        %get3A_1148 = arith.index_cast %add3A_1052 : i32 to index
        %get3A_1149 = arith.constant 32 : index
        %get3A_1150 = tpu.vector_load %arg16[%get3A_1147, %get3A_1148, %get3A_1149] {strides = array<i32>} : memref<2x64x128xf32, #tpu.memory_space<vmem>>, vector<16xf32>,
        %get3A_1151 = arith.index_cast %rem3A_302 : i32 to index
        %get3A_1152 = arith.index_cast %add3A_1052 : i32 to index
        %get3A_1153 = arith.constant 32 : index
        %get3A_1154 = tpu.vector_load %arg17[%get3A_1151, %get3A_1152, %get3A_1153] {strides = array<i32>} : memref<2x64x128xf32, #tpu.memory_space<vmem>>, vector<16xf32>,
        %mul3A_1155 = arith.mulf %get3A_1150, %get3A_1154 : vector<16xf32>
        %add3A_1156 = arith.addf %add3A_1116, %mul3A_1155 : vector<16xf32>
        %get3A_1157 = arith.index_cast %rem3A_302 : i32 to index
        %get3A_1158 = arith.index_cast %add3A_1058 : i32 to index
        %get3A_1159 = arith.constant 32 : index
        %get3A_1160 = tpu.vector_load %arg16[%get3A_1157, %get3A_1158, %get3A_1159] {strides = array<i32>} : memref<2x64x128xf32, #tpu.memory_space<vmem>>, vector<16xf32>,
        %get3A_1161 = arith.index_cast %rem3A_302 : i32 to index
        %get3A_1162 = arith.index_cast %add3A_1058 : i32 to index
        %get3A_1163 = arith.constant 32 : index
        %get3A_1164 = tpu.vector_load %arg17[%get3A_1161, %get3A_1162, %get3A_1163] {strides = array<i32>} : memref<2x64x128xf32, #tpu.memory_space<vmem>>, vector<16xf32>,
        %mul3A_1165 = arith.mulf %get3A_1160, %get3A_1164 : vector<16xf32>
        %add3A_1166 = arith.addf %add3A_1126, %mul3A_1165 : vector<16xf32>
        %get3A_1167 = arith.index_cast %rem3A_302 : i32 to index
        %get3A_1168 = arith.index_cast %add3A_1064 : i32 to index
        %get3A_1169 = arith.constant 32 : index
        %get3A_1170 = tpu.vector_load %arg16[%get3A_1167, %get3A_1168, %get3A_1169] {strides = array<i32>} : memref<2x64x128xf32, #tpu.memory_space<vmem>>, vector<16xf32>,
        %get3A_1171 = arith.index_cast %rem3A_302 : i32 to index
        %get3A_1172 = arith.index_cast %add3A_1064 : i32 to index
        %get3A_1173 = arith.constant 32 : index
        %get3A_1174 = tpu.vector_load %arg17[%get3A_1171, %get3A_1172, %get3A_1173] {strides = array<i32>} : memref<2x64x128xf32, #tpu.memory_space<vmem>>, vector<16xf32>,
        %mul3A_1175 = arith.mulf %get3A_1170, %get3A_1174 : vector<16xf32>
        %add3A_1176 = arith.addf %add3A_1136, %mul3A_1175 : vector<16xf32>
        %get3A_1177 = arith.index_cast %rem3A_302 : i32 to index
        %get3A_1178 = arith.index_cast %add3A_1070 : i32 to index
        %get3A_1179 = arith.constant 32 : index
        %get3A_1180 = tpu.vector_load %arg16[%get3A_1177, %get3A_1178, %get3A_1179] {strides = array<i32>} : memref<2x64x128xf32, #tpu.memory_space<vmem>>, vector<16xf32>,
        %get3A_1181 = arith.index_cast %rem3A_302 : i32 to index
        %get3A_1182 = arith.index_cast %add3A_1070 : i32 to index
        %get3A_1183 = arith.constant 32 : index
        %get3A_1184 = tpu.vector_load %arg17[%get3A_1181, %get3A_1182, %get3A_1183] {strides = array<i32>} : memref<2x64x128xf32, #tpu.memory_space<vmem>>, vector<16xf32>,
        %mul3A_1185 = arith.mulf %get3A_1180, %get3A_1184 : vector<16xf32>
        %add3A_1186 = arith.addf %add3A_1146, %mul3A_1185 : vector<16xf32>
        %get3A_1187 = arith.index_cast %rem3A_302 : i32 to index
        %get3A_1188 = arith.index_cast %add3A_1052 : i32 to index
        %get3A_1189 = arith.constant 48 : index
        %get3A_1190 = tpu.vector_load %arg16[%get3A_1187, %get3A_1188, %get3A_1189] {strides = array<i32>} : memref<2x64x128xf32, #tpu.memory_space<vmem>>, vector<16xf32>,
        %get3A_1191 = arith.index_cast %rem3A_302 : i32 to index
        %get3A_1192 = arith.index_cast %add3A_1052 : i32 to index
        %get3A_1193 = arith.constant 48 : index
        %get3A_1194 = tpu.vector_load %arg17[%get3A_1191, %get3A_1192, %get3A_1193] {strides = array<i32>} : memref<2x64x128xf32, #tpu.memory_space<vmem>>, vector<16xf32>,
        %mul3A_1195 = arith.mulf %get3A_1190, %get3A_1194 : vector<16xf32>
        %add3A_1196 = arith.addf %add3A_1156, %mul3A_1195 : vector<16xf32>
        %get3A_1197 = arith.index_cast %rem3A_302 : i32 to index
        %get3A_1198 = arith.index_cast %add3A_1058 : i32 to index
        %get3A_1199 = arith.constant 48 : index
        %get3A_1200 = tpu.vector_load %arg16[%get3A_1197, %get3A_1198, %get3A_1199] {strides = array<i32>} : memref<2x64x128xf32, #tpu.memory_space<vmem>>, vector<16xf32>,
        %get3A_1201 = arith.index_cast %rem3A_302 : i32 to index
        %get3A_1202 = arith.index_cast %add3A_1058 : i32 to index
        %get3A_1203 = arith.constant 48 : index
        %get3A_1204 = tpu.vector_load %arg17[%get3A_1201, %get3A_1202, %get3A_1203] {strides = array<i32>} : memref<2x64x128xf32, #tpu.memory_space<vmem>>, vector<16xf32>,
        %mul3A_1205 = arith.mulf %get3A_1200, %get3A_1204 : vector<16xf32>
        %add3A_1206 = arith.addf %add3A_1166, %mul3A_1205 : vector<16xf32>
        %get3A_1207 = arith.index_cast %rem3A_302 : i32 to index
        %get3A_1208 = arith.index_cast %add3A_1064 : i32 to index
        %get3A_1209 = arith.constant 48 : index
        %get3A_1210 = tpu.vector_load %arg16[%get3A_1207, %get3A_1208, %get3A_1209] {strides = array<i32>} : memref<2x64x128xf32, #tpu.memory_space<vmem>>, vector<16xf32>,
        %get3A_1211 = arith.index_cast %rem3A_302 : i32 to index
        %get3A_1212 = arith.index_cast %add3A_1064 : i32 to index
        %get3A_1213 = arith.constant 48 : index
        %get3A_1214 = tpu.vector_load %arg17[%get3A_1211, %get3A_1212, %get3A_1213] {strides = array<i32>} : memref<2x64x128xf32, #tpu.memory_space<vmem>>, vector<16xf32>,
        %mul3A_1215 = arith.mulf %get3A_1210, %get3A_1214 : vector<16xf32>
        %add3A_1216 = arith.addf %add3A_1176, %mul3A_1215 : vector<16xf32>
        %get3A_1217 = arith.index_cast %rem3A_302 : i32 to index
        %get3A_1218 = arith.index_cast %add3A_1070 : i32 to index
        %get3A_1219 = arith.constant 48 : index
        %get3A_1220 = tpu.vector_load %arg16[%get3A_1217, %get3A_1218, %get3A_1219] {strides = array<i32>} : memref<2x64x128xf32, #tpu.memory_space<vmem>>, vector<16xf32>,
        %get3A_1221 = arith.index_cast %rem3A_302 : i32 to index
        %get3A_1222 = arith.index_cast %add3A_1070 : i32 to index
        %get3A_1223 = arith.constant 48 : index
        %get3A_1224 = tpu.vector_load %arg17[%get3A_1221, %get3A_1222, %get3A_1223] {strides = array<i32>} : memref<2x64x128xf32, #tpu.memory_space<vmem>>, vector<16xf32>,
        %mul3A_1225 = arith.mulf %get3A_1220, %get3A_1224 : vector<16xf32>
        %add3A_1226 = arith.addf %add3A_1186, %mul3A_1225 : vector<16xf32>
        %get3A_1227 = arith.index_cast %rem3A_302 : i32 to index
        %get3A_1228 = arith.index_cast %add3A_1052 : i32 to index
        %get3A_1229 = arith.constant 64 : index
        %get3A_1230 = tpu.vector_load %arg16[%get3A_1227, %get3A_1228, %get3A_1229] {strides = array<i32>} : memref<2x64x128xf32, #tpu.memory_space<vmem>>, vector<16xf32>,
        %get3A_1231 = arith.index_cast %rem3A_302 : i32 to index
        %get3A_1232 = arith.index_cast %add3A_1052 : i32 to index
        %get3A_1233 = arith.constant 64 : index
        %get3A_1234 = tpu.vector_load %arg17[%get3A_1231, %get3A_1232, %get3A_1233] {strides = array<i32>} : memref<2x64x128xf32, #tpu.memory_space<vmem>>, vector<16xf32>,
        %mul3A_1235 = arith.mulf %get3A_1230, %get3A_1234 : vector<16xf32>
        %add3A_1236 = arith.addf %add3A_1196, %mul3A_1235 : vector<16xf32>
        %get3A_1237 = arith.index_cast %rem3A_302 : i32 to index
        %get3A_1238 = arith.index_cast %add3A_1058 : i32 to index
        %get3A_1239 = arith.constant 64 : index
        %get3A_1240 = tpu.vector_load %arg16[%get3A_1237, %get3A_1238, %get3A_1239] {strides = array<i32>} : memref<2x64x128xf32, #tpu.memory_space<vmem>>, vector<16xf32>,
        %get3A_1241 = arith.index_cast %rem3A_302 : i32 to index
        %get3A_1242 = arith.index_cast %add3A_1058 : i32 to index
        %get3A_1243 = arith.constant 64 : index
        %get3A_1244 = tpu.vector_load %arg17[%get3A_1241, %get3A_1242, %get3A_1243] {strides = array<i32>} : memref<2x64x128xf32, #tpu.memory_space<vmem>>, vector<16xf32>,
        %mul3A_1245 = arith.mulf %get3A_1240, %get3A_1244 : vector<16xf32>
        %add3A_1246 = arith.addf %add3A_1206, %mul3A_1245 : vector<16xf32>
        %get3A_1247 = arith.index_cast %rem3A_302 : i32 to index
        %get3A_1248 = arith.index_cast %add3A_1064 : i32 to index
        %get3A_1249 = arith.constant 64 : index
        %get3A_1250 = tpu.vector_load %arg16[%get3A_1247, %get3A_1248, %get3A_1249] {strides = array<i32>} : memref<2x64x128xf32, #tpu.memory_space<vmem>>, vector<16xf32>,
        %get3A_1251 = arith.index_cast %rem3A_302 : i32 to index
        %get3A_1252 = arith.index_cast %add3A_1064 : i32 to index
        %get3A_1253 = arith.constant 64 : index
        %get3A_1254 = tpu.vector_load %arg17[%get3A_1251, %get3A_1252, %get3A_1253] {strides = array<i32>} : memref<2x64x128xf32, #tpu.memory_space<vmem>>, vector<16xf32>,
        %mul3A_1255 = arith.mulf %get3A_1250, %get3A_1254 : vector<16xf32>
        %add3A_1256 = arith.addf %add3A_1216, %mul3A_1255 : vector<16xf32>
        %get3A_1257 = arith.index_cast %rem3A_302 : i32 to index
        %get3A_1258 = arith.index_cast %add3A_1070 : i32 to index
        %get3A_1259 = arith.constant 64 : index
        %get3A_1260 = tpu.vector_load %arg16[%get3A_1257, %get3A_1258, %get3A_1259] {strides = array<i32>} : memref<2x64x128xf32, #tpu.memory_space<vmem>>, vector<16xf32>,
        %get3A_1261 = arith.index_cast %rem3A_302 : i32 to index
        %get3A_1262 = arith.index_cast %add3A_1070 : i32 to index
        %get3A_1263 = arith.constant 64 : index
        %get3A_1264 = tpu.vector_load %arg17[%get3A_1261, %get3A_1262, %get3A_1263] {strides = array<i32>} : memref<2x64x128xf32, #tpu.memory_space<vmem>>, vector<16xf32>,
        %mul3A_1265 = arith.mulf %get3A_1260, %get3A_1264 : vector<16xf32>
        %add3A_1266 = arith.addf %add3A_1226, %mul3A_1265 : vector<16xf32>
        %get3A_1267 = arith.index_cast %rem3A_302 : i32 to index
        %get3A_1268 = arith.index_cast %add3A_1052 : i32 to index
        %get3A_1269 = arith.constant 80 : index
        %get3A_1270 = tpu.vector_load %arg16[%get3A_1267, %get3A_1268, %get3A_1269] {strides = array<i32>} : memref<2x64x128xf32, #tpu.memory_space<vmem>>, vector<16xf32>,
        %get3A_1271 = arith.index_cast %rem3A_302 : i32 to index
        %get3A_1272 = arith.index_cast %add3A_1052 : i32 to index
        %get3A_1273 = arith.constant 80 : index
        %get3A_1274 = tpu.vector_load %arg17[%get3A_1271, %get3A_1272, %get3A_1273] {strides = array<i32>} : memref<2x64x128xf32, #tpu.memory_space<vmem>>, vector<16xf32>,
        %mul3A_1275 = arith.mulf %get3A_1270, %get3A_1274 : vector<16xf32>
        %add3A_1276 = arith.addf %add3A_1236, %mul3A_1275 : vector<16xf32>
        %get3A_1277 = arith.index_cast %rem3A_302 : i32 to index
        %get3A_1278 = arith.index_cast %add3A_1058 : i32 to index
        %get3A_1279 = arith.constant 80 : index
        %get3A_1280 = tpu.vector_load %arg16[%get3A_1277, %get3A_1278, %get3A_1279] {strides = array<i32>} : memref<2x64x128xf32, #tpu.memory_space<vmem>>, vector<16xf32>,
        %get3A_1281 = arith.index_cast %rem3A_302 : i32 to index
        %get3A_1282 = arith.index_cast %add3A_1058 : i32 to index
        %get3A_1283 = arith.constant 80 : index
        %get3A_1284 = tpu.vector_load %arg17[%get3A_1281, %get3A_1282, %get3A_1283] {strides = array<i32>} : memref<2x64x128xf32, #tpu.memory_space<vmem>>, vector<16xf32>,
        %mul3A_1285 = arith.mulf %get3A_1280, %get3A_1284 : vector<16xf32>
        %add3A_1286 = arith.addf %add3A_1246, %mul3A_1285 : vector<16xf32>
        %get3A_1287 = arith.index_cast %rem3A_302 : i32 to index
        %get3A_1288 = arith.index_cast %add3A_1064 : i32 to index
        %get3A_1289 = arith.constant 80 : index
        %get3A_1290 = tpu.vector_load %arg16[%get3A_1287, %get3A_1288, %get3A_1289] {strides = array<i32>} : memref<2x64x128xf32, #tpu.memory_space<vmem>>, vector<16xf32>,
        %get3A_1291 = arith.index_cast %rem3A_302 : i32 to index
        %get3A_1292 = arith.index_cast %add3A_1064 : i32 to index
        %get3A_1293 = arith.constant 80 : index
        %get3A_1294 = tpu.vector_load %arg17[%get3A_1291, %get3A_1292, %get3A_1293] {strides = array<i32>} : memref<2x64x128xf32, #tpu.memory_space<vmem>>, vector<16xf32>,
        %mul3A_1295 = arith.mulf %get3A_1290, %get3A_1294 : vector<16xf32>
        %add3A_1296 = arith.addf %add3A_1256, %mul3A_1295 : vector<16xf32>
        %get3A_1297 = arith.index_cast %rem3A_302 : i32 to index
        %get3A_1298 = arith.index_cast %add3A_1070 : i32 to index
        %get3A_1299 = arith.constant 80 : index
        %get3A_1300 = tpu.vector_load %arg16[%get3A_1297, %get3A_1298, %get3A_1299] {strides = array<i32>} : memref<2x64x128xf32, #tpu.memory_space<vmem>>, vector<16xf32>,
        %get3A_1301 = arith.index_cast %rem3A_302 : i32 to index
        %get3A_1302 = arith.index_cast %add3A_1070 : i32 to index
        %get3A_1303 = arith.constant 80 : index
        %get3A_1304 = tpu.vector_load %arg17[%get3A_1301, %get3A_1302, %get3A_1303] {strides = array<i32>} : memref<2x64x128xf32, #tpu.memory_space<vmem>>, vector<16xf32>,
        %mul3A_1305 = arith.mulf %get3A_1300, %get3A_1304 : vector<16xf32>
        %add3A_1306 = arith.addf %add3A_1266, %mul3A_1305 : vector<16xf32>
        %get3A_1307 = arith.index_cast %rem3A_302 : i32 to index
        %get3A_1308 = arith.index_cast %add3A_1052 : i32 to index
        %get3A_1309 = arith.constant 96 : index
        %get3A_1310 = tpu.vector_load %arg16[%get3A_1307, %get3A_1308, %get3A_1309] {strides = array<i32>} : memref<2x64x128xf32, #tpu.memory_space<vmem>>, vector<16xf32>,
        %get3A_1311 = arith.index_cast %rem3A_302 : i32 to index
        %get3A_1312 = arith.index_cast %add3A_1052 : i32 to index
        %get3A_1313 = arith.constant 96 : index
        %get3A_1314 = tpu.vector_load %arg17[%get3A_1311, %get3A_1312, %get3A_1313] {strides = array<i32>} : memref<2x64x128xf32, #tpu.memory_space<vmem>>, vector<16xf32>,
        %mul3A_1315 = arith.mulf %get3A_1310, %get3A_1314 : vector<16xf32>
        %add3A_1316 = arith.addf %add3A_1276, %mul3A_1315 : vector<16xf32>
        %get3A_1317 = arith.index_cast %rem3A_302 : i32 to index
        %get3A_1318 = arith.index_cast %add3A_1058 : i32 to index
        %get3A_1319 = arith.constant 96 : index
        %get3A_1320 = tpu.vector_load %arg16[%get3A_1317, %get3A_1318, %get3A_1319] {strides = array<i32>} : memref<2x64x128xf32, #tpu.memory_space<vmem>>, vector<16xf32>,
        %get3A_1321 = arith.index_cast %rem3A_302 : i32 to index
        %get3A_1322 = arith.index_cast %add3A_1058 : i32 to index
        %get3A_1323 = arith.constant 96 : index
        %get3A_1324 = tpu.vector_load %arg17[%get3A_1321, %get3A_1322, %get3A_1323] {strides = array<i32>} : memref<2x64x128xf32, #tpu.memory_space<vmem>>, vector<16xf32>,
        %mul3A_1325 = arith.mulf %get3A_1320, %get3A_1324 : vector<16xf32>
        %add3A_1326 = arith.addf %add3A_1286, %mul3A_1325 : vector<16xf32>
        %get3A_1327 = arith.index_cast %rem3A_302 : i32 to index
        %get3A_1328 = arith.index_cast %add3A_1064 : i32 to index
        %get3A_1329 = arith.constant 96 : index
        %get3A_1330 = tpu.vector_load %arg16[%get3A_1327, %get3A_1328, %get3A_1329] {strides = array<i32>} : memref<2x64x128xf32, #tpu.memory_space<vmem>>, vector<16xf32>,
        %get3A_1331 = arith.index_cast %rem3A_302 : i32 to index
        %get3A_1332 = arith.index_cast %add3A_1064 : i32 to index
        %get3A_1333 = arith.constant 96 : index
        %get3A_1334 = tpu.vector_load %arg17[%get3A_1331, %get3A_1332, %get3A_1333] {strides = array<i32>} : memref<2x64x128xf32, #tpu.memory_space<vmem>>, vector<16xf32>,
        %mul3A_1335 = arith.mulf %get3A_1330, %get3A_1334 : vector<16xf32>
        %add3A_1336 = arith.addf %add3A_1296, %mul3A_1335 : vector<16xf32>
        %get3A_1337 = arith.index_cast %rem3A_302 : i32 to index
        %get3A_1338 = arith.index_cast %add3A_1070 : i32 to index
        %get3A_1339 = arith.constant 96 : index
        %get3A_1340 = tpu.vector_load %arg16[%get3A_1337, %get3A_1338, %get3A_1339] {strides = array<i32>} : memref<2x64x128xf32, #tpu.memory_space<vmem>>, vector<16xf32>,
        %get3A_1341 = arith.index_cast %rem3A_302 : i32 to index
        %get3A_1342 = arith.index_cast %add3A_1070 : i32 to index
        %get3A_1343 = arith.constant 96 : index
        %get3A_1344 = tpu.vector_load %arg17[%get3A_1341, %get3A_1342, %get3A_1343] {strides = array<i32>} : memref<2x64x128xf32, #tpu.memory_space<vmem>>, vector<16xf32>,
        %mul3A_1345 = arith.mulf %get3A_1340, %get3A_1344 : vector<16xf32>
        %add3A_1346 = arith.addf %add3A_1306, %mul3A_1345 : vector<16xf32>
        %get3A_1347 = arith.index_cast %rem3A_302 : i32 to index
        %get3A_1348 = arith.index_cast %add3A_1052 : i32 to index
        %get3A_1349 = arith.constant 112 : index
        %get3A_1350 = tpu.vector_load %arg16[%get3A_1347, %get3A_1348, %get3A_1349] {strides = array<i32>} : memref<2x64x128xf32, #tpu.memory_space<vmem>>, vector<16xf32>,
        %get3A_1351 = arith.index_cast %rem3A_302 : i32 to index
        %get3A_1352 = arith.index_cast %add3A_1052 : i32 to index
        %get3A_1353 = arith.constant 112 : index
        %get3A_1354 = tpu.vector_load %arg17[%get3A_1351, %get3A_1352, %get3A_1353] {strides = array<i32>} : memref<2x64x128xf32, #tpu.memory_space<vmem>>, vector<16xf32>,
        %mul3A_1355 = arith.mulf %get3A_1350, %get3A_1354 : vector<16xf32>
        %add3A_1356 = arith.addf %add3A_1316, %mul3A_1355 : vector<16xf32>
        %get3A_1357 = arith.index_cast %rem3A_302 : i32 to index
        %get3A_1358 = arith.index_cast %add3A_1058 : i32 to index
        %get3A_1359 = arith.constant 112 : index
        %get3A_1360 = tpu.vector_load %arg16[%get3A_1357, %get3A_1358, %get3A_1359] {strides = array<i32>} : memref<2x64x128xf32, #tpu.memory_space<vmem>>, vector<16xf32>,
        %get3A_1361 = arith.index_cast %rem3A_302 : i32 to index
        %get3A_1362 = arith.index_cast %add3A_1058 : i32 to index
        %get3A_1363 = arith.constant 112 : index
        %get3A_1364 = tpu.vector_load %arg17[%get3A_1361, %get3A_1362, %get3A_1363] {strides = array<i32>} : memref<2x64x128xf32, #tpu.memory_space<vmem>>, vector<16xf32>,
        %mul3A_1365 = arith.mulf %get3A_1360, %get3A_1364 : vector<16xf32>
        %add3A_1366 = arith.addf %add3A_1326, %mul3A_1365 : vector<16xf32>
        %get3A_1367 = arith.index_cast %rem3A_302 : i32 to index
        %get3A_1368 = arith.index_cast %add3A_1064 : i32 to index
        %get3A_1369 = arith.constant 112 : index
        %get3A_1370 = tpu.vector_load %arg16[%get3A_1367, %get3A_1368, %get3A_1369] {strides = array<i32>} : memref<2x64x128xf32, #tpu.memory_space<vmem>>, vector<16xf32>,
        %get3A_1371 = arith.index_cast %rem3A_302 : i32 to index
        %get3A_1372 = arith.index_cast %add3A_1064 : i32 to index
        %get3A_1373 = arith.constant 112 : index
        %get3A_1374 = tpu.vector_load %arg17[%get3A_1371, %get3A_1372, %get3A_1373] {strides = array<i32>} : memref<2x64x128xf32, #tpu.memory_space<vmem>>, vector<16xf32>,
        %mul3A_1375 = arith.mulf %get3A_1370, %get3A_1374 : vector<16xf32>
        %add3A_1376 = arith.addf %add3A_1336, %mul3A_1375 : vector<16xf32>
        %get3A_1377 = arith.index_cast %rem3A_302 : i32 to index
        %get3A_1378 = arith.index_cast %add3A_1070 : i32 to index
        %get3A_1379 = arith.constant 112 : index
        %get3A_1380 = tpu.vector_load %arg16[%get3A_1377, %get3A_1378, %get3A_1379] {strides = array<i32>} : memref<2x64x128xf32, #tpu.memory_space<vmem>>, vector<16xf32>,
        %get3A_1381 = arith.index_cast %rem3A_302 : i32 to index
        %get3A_1382 = arith.index_cast %add3A_1070 : i32 to index
        %get3A_1383 = arith.constant 112 : index
        %get3A_1384 = tpu.vector_load %arg17[%get3A_1381, %get3A_1382, %get3A_1383] {strides = array<i32>} : memref<2x64x128xf32, #tpu.memory_space<vmem>>, vector<16xf32>,
        %mul3A_1385 = arith.mulf %get3A_1380, %get3A_1384 : vector<16xf32>
        %add3A_1386 = arith.addf %add3A_1346, %mul3A_1385 : vector<16xf32>
        %swap3A_1387 = arith.constant 8 : i32
        %swap3A_1388 = arith.index_cast %swap3A_1387 : i32 to index
        %swap3A_1389 = arith.constant 0 : index
        %swap3A_1390 = tpu.vector_load %arg18[%swap3A_1388, %swap3A_1389] {strides = array<i32>} : memref<16x17xf32, #tpu.memory_space<vmem>>, vector<16xf32>,
        tpu.vector_store %arg18[%swap3A_1388, %swap3A_1389], %add3A_1356 {strides = array<i32>} : memref<16x17xf32, #tpu.memory_space<vmem>>, vector<16xf32>,
        %swap3A_1391 = arith.constant 9 : i32
        %swap3A_1392 = arith.index_cast %swap3A_1391 : i32 to index
        %swap3A_1393 = arith.constant 0 : index
        %swap3A_1394 = tpu.vector_load %arg18[%swap3A_1392, %swap3A_1393] {strides = array<i32>} : memref<16x17xf32, #tpu.memory_space<vmem>>, vector<16xf32>,
        tpu.vector_store %arg18[%swap3A_1392, %swap3A_1393], %add3A_1366 {strides = array<i32>} : memref<16x17xf32, #tpu.memory_space<vmem>>, vector<16xf32>,
        %swap3A_1395 = arith.constant 10 : i32
        %swap3A_1396 = arith.index_cast %swap3A_1395 : i32 to index
        %swap3A_1397 = arith.constant 0 : index
        %swap3A_1398 = tpu.vector_load %arg18[%swap3A_1396, %swap3A_1397] {strides = array<i32>} : memref<16x17xf32, #tpu.memory_space<vmem>>, vector<16xf32>,
        tpu.vector_store %arg18[%swap3A_1396, %swap3A_1397], %add3A_1376 {strides = array<i32>} : memref<16x17xf32, #tpu.memory_space<vmem>>, vector<16xf32>,
        %swap3A_1399 = arith.constant 11 : i32
        %swap3A_1400 = arith.index_cast %swap3A_1399 : i32 to index
        %swap3A_1401 = arith.constant 0 : index
        %swap3A_1402 = tpu.vector_load %arg18[%swap3A_1400, %swap3A_1401] {strides = array<i32>} : memref<16x17xf32, #tpu.memory_space<vmem>>, vector<16xf32>,
        tpu.vector_store %arg18[%swap3A_1400, %swap3A_1401], %add3A_1386 {strides = array<i32>} : memref<16x17xf32, #tpu.memory_space<vmem>>, vector<16xf32>,
        %mul3A_1403 = arith.constant 16 : i32
        %mul3A_1404 = arith.muli %scan3A_335, %mul3A_1403 : i32
        %add3A_1405 = arith.constant 12 : i32
        %add3A_1406 = arith.addi %mul3A_1404, %add3A_1405 : i32
        %add3A_1407 = arith.constant 0 : i32
        %add3A_1408 = arith.addi %add3A_1406, %add3A_1407 : i32
        %mul3A_1409 = arith.constant 16 : i32
        %mul3A_1410 = arith.muli %scan3A_335, %mul3A_1409 : i32
        %add3A_1411 = arith.constant 12 : i32
        %add3A_1412 = arith.addi %mul3A_1410, %add3A_1411 : i32
        %add3A_1413 = arith.constant 1 : i32
        %add3A_1414 = arith.addi %add3A_1412, %add3A_1413 : i32
        %mul3A_1415 = arith.constant 16 : i32
        %mul3A_1416 = arith.muli %scan3A_335, %mul3A_1415 : i32
        %add3A_1417 = arith.constant 12 : i32
        %add3A_1418 = arith.addi %mul3A_1416, %add3A_1417 : i32
        %add3A_1419 = arith.constant 2 : i32
        %add3A_1420 = arith.addi %add3A_1418, %add3A_1419 : i32
        %mul3A_1421 = arith.constant 16 : i32
        %mul3A_1422 = arith.muli %scan3A_335, %mul3A_1421 : i32
        %add3A_1423 = arith.constant 12 : i32
        %add3A_1424 = arith.addi %mul3A_1422, %add3A_1423 : i32
        %add3A_1425 = arith.constant 3 : i32
        %add3A_1426 = arith.addi %add3A_1424, %add3A_1425 : i32
        %get3A_1427 = arith.index_cast %rem3A_302 : i32 to index
        %get3A_1428 = arith.index_cast %add3A_1408 : i32 to index
        %get3A_1429 = arith.constant 0 : index
        %get3A_1430 = tpu.vector_load %arg16[%get3A_1427, %get3A_1428, %get3A_1429] {strides = array<i32>} : memref<2x64x128xf32, #tpu.memory_space<vmem>>, vector<16xf32>,
        %get3A_1431 = arith.index_cast %rem3A_302 : i32 to index
        %get3A_1432 = arith.index_cast %add3A_1408 : i32 to index
        %get3A_1433 = arith.constant 0 : index
        %get3A_1434 = tpu.vector_load %arg17[%get3A_1431, %get3A_1432, %get3A_1433] {strides = array<i32>} : memref<2x64x128xf32, #tpu.memory_space<vmem>>, vector<16xf32>,
        %mul3A_1435 = arith.mulf %get3A_1430, %get3A_1434 : vector<16xf32>
        %get3A_1436 = arith.index_cast %rem3A_302 : i32 to index
        %get3A_1437 = arith.index_cast %add3A_1414 : i32 to index
        %get3A_1438 = arith.constant 0 : index
        %get3A_1439 = tpu.vector_load %arg16[%get3A_1436, %get3A_1437, %get3A_1438] {strides = array<i32>} : memref<2x64x128xf32, #tpu.memory_space<vmem>>, vector<16xf32>,
        %get3A_1440 = arith.index_cast %rem3A_302 : i32 to index
        %get3A_1441 = arith.index_cast %add3A_1414 : i32 to index
        %get3A_1442 = arith.constant 0 : index
        %get3A_1443 = tpu.vector_load %arg17[%get3A_1440, %get3A_1441, %get3A_1442] {strides = array<i32>} : memref<2x64x128xf32, #tpu.memory_space<vmem>>, vector<16xf32>,
        %mul3A_1444 = arith.mulf %get3A_1439, %get3A_1443 : vector<16xf32>
        %get3A_1445 = arith.index_cast %rem3A_302 : i32 to index
        %get3A_1446 = arith.index_cast %add3A_1420 : i32 to index
        %get3A_1447 = arith.constant 0 : index
        %get3A_1448 = tpu.vector_load %arg16[%get3A_1445, %get3A_1446, %get3A_1447] {strides = array<i32>} : memref<2x64x128xf32, #tpu.memory_space<vmem>>, vector<16xf32>,
        %get3A_1449 = arith.index_cast %rem3A_302 : i32 to index
        %get3A_1450 = arith.index_cast %add3A_1420 : i32 to index
        %get3A_1451 = arith.constant 0 : index
        %get3A_1452 = tpu.vector_load %arg17[%get3A_1449, %get3A_1450, %get3A_1451] {strides = array<i32>} : memref<2x64x128xf32, #tpu.memory_space<vmem>>, vector<16xf32>,
        %mul3A_1453 = arith.mulf %get3A_1448, %get3A_1452 : vector<16xf32>
        %get3A_1454 = arith.index_cast %rem3A_302 : i32 to index
        %get3A_1455 = arith.index_cast %add3A_1426 : i32 to index
        %get3A_1456 = arith.constant 0 : index
        %get3A_1457 = tpu.vector_load %arg16[%get3A_1454, %get3A_1455, %get3A_1456] {strides = array<i32>} : memref<2x64x128xf32, #tpu.memory_space<vmem>>, vector<16xf32>,
        %get3A_1458 = arith.index_cast %rem3A_302 : i32 to index
        %get3A_1459 = arith.index_cast %add3A_1426 : i32 to index
        %get3A_1460 = arith.constant 0 : index
        %get3A_1461 = tpu.vector_load %arg17[%get3A_1458, %get3A_1459, %get3A_1460] {strides = array<i32>} : memref<2x64x128xf32, #tpu.memory_space<vmem>>, vector<16xf32>,
        %mul3A_1462 = arith.mulf %get3A_1457, %get3A_1461 : vector<16xf32>
        %get3A_1463 = arith.index_cast %rem3A_302 : i32 to index
        %get3A_1464 = arith.index_cast %add3A_1408 : i32 to index
        %get3A_1465 = arith.constant 16 : index
        %get3A_1466 = tpu.vector_load %arg16[%get3A_1463, %get3A_1464, %get3A_1465] {strides = array<i32>} : memref<2x64x128xf32, #tpu.memory_space<vmem>>, vector<16xf32>,
        %get3A_1467 = arith.index_cast %rem3A_302 : i32 to index
        %get3A_1468 = arith.index_cast %add3A_1408 : i32 to index
        %get3A_1469 = arith.constant 16 : index
        %get3A_1470 = tpu.vector_load %arg17[%get3A_1467, %get3A_1468, %get3A_1469] {strides = array<i32>} : memref<2x64x128xf32, #tpu.memory_space<vmem>>, vector<16xf32>,
        %mul3A_1471 = arith.mulf %get3A_1466, %get3A_1470 : vector<16xf32>
        %add3A_1472 = arith.addf %mul3A_1435, %mul3A_1471 : vector<16xf32>
        %get3A_1473 = arith.index_cast %rem3A_302 : i32 to index
        %get3A_1474 = arith.index_cast %add3A_1414 : i32 to index
        %get3A_1475 = arith.constant 16 : index
        %get3A_1476 = tpu.vector_load %arg16[%get3A_1473, %get3A_1474, %get3A_1475] {strides = array<i32>} : memref<2x64x128xf32, #tpu.memory_space<vmem>>, vector<16xf32>,
        %get3A_1477 = arith.index_cast %rem3A_302 : i32 to index
        %get3A_1478 = arith.index_cast %add3A_1414 : i32 to index
        %get3A_1479 = arith.constant 16 : index
        %get3A_1480 = tpu.vector_load %arg17[%get3A_1477, %get3A_1478, %get3A_1479] {strides = array<i32>} : memref<2x64x128xf32, #tpu.memory_space<vmem>>, vector<16xf32>,
        %mul3A_1481 = arith.mulf %get3A_1476, %get3A_1480 : vector<16xf32>
        %add3A_1482 = arith.addf %mul3A_1444, %mul3A_1481 : vector<16xf32>
        %get3A_1483 = arith.index_cast %rem3A_302 : i32 to index
        %get3A_1484 = arith.index_cast %add3A_1420 : i32 to index
        %get3A_1485 = arith.constant 16 : index
        %get3A_1486 = tpu.vector_load %arg16[%get3A_1483, %get3A_1484, %get3A_1485] {strides = array<i32>} : memref<2x64x128xf32, #tpu.memory_space<vmem>>, vector<16xf32>,
        %get3A_1487 = arith.index_cast %rem3A_302 : i32 to index
        %get3A_1488 = arith.index_cast %add3A_1420 : i32 to index
        %get3A_1489 = arith.constant 16 : index
        %get3A_1490 = tpu.vector_load %arg17[%get3A_1487, %get3A_1488, %get3A_1489] {strides = array<i32>} : memref<2x64x128xf32, #tpu.memory_space<vmem>>, vector<16xf32>,
        %mul3A_1491 = arith.mulf %get3A_1486, %get3A_1490 : vector<16xf32>
        %add3A_1492 = arith.addf %mul3A_1453, %mul3A_1491 : vector<16xf32>
        %get3A_1493 = arith.index_cast %rem3A_302 : i32 to index
        %get3A_1494 = arith.index_cast %add3A_1426 : i32 to index
        %get3A_1495 = arith.constant 16 : index
        %get3A_1496 = tpu.vector_load %arg16[%get3A_1493, %get3A_1494, %get3A_1495] {strides = array<i32>} : memref<2x64x128xf32, #tpu.memory_space<vmem>>, vector<16xf32>,
        %get3A_1497 = arith.index_cast %rem3A_302 : i32 to index
        %get3A_1498 = arith.index_cast %add3A_1426 : i32 to index
        %get3A_1499 = arith.constant 16 : index
        %get3A_1500 = tpu.vector_load %arg17[%get3A_1497, %get3A_1498, %get3A_1499] {strides = array<i32>} : memref<2x64x128xf32, #tpu.memory_space<vmem>>, vector<16xf32>,
        %mul3A_1501 = arith.mulf %get3A_1496, %get3A_1500 : vector<16xf32>
        %add3A_1502 = arith.addf %mul3A_1462, %mul3A_1501 : vector<16xf32>
        %get3A_1503 = arith.index_cast %rem3A_302 : i32 to index
        %get3A_1504 = arith.index_cast %add3A_1408 : i32 to index
        %get3A_1505 = arith.constant 32 : index
        %get3A_1506 = tpu.vector_load %arg16[%get3A_1503, %get3A_1504, %get3A_1505] {strides = array<i32>} : memref<2x64x128xf32, #tpu.memory_space<vmem>>, vector<16xf32>,
        %get3A_1507 = arith.index_cast %rem3A_302 : i32 to index
        %get3A_1508 = arith.index_cast %add3A_1408 : i32 to index
        %get3A_1509 = arith.constant 32 : index
        %get3A_1510 = tpu.vector_load %arg17[%get3A_1507, %get3A_1508, %get3A_1509] {strides = array<i32>} : memref<2x64x128xf32, #tpu.memory_space<vmem>>, vector<16xf32>,
        %mul3A_1511 = arith.mulf %get3A_1506, %get3A_1510 : vector<16xf32>
        %add3A_1512 = arith.addf %add3A_1472, %mul3A_1511 : vector<16xf32>
        %get3A_1513 = arith.index_cast %rem3A_302 : i32 to index
        %get3A_1514 = arith.index_cast %add3A_1414 : i32 to index
        %get3A_1515 = arith.constant 32 : index
        %get3A_1516 = tpu.vector_load %arg16[%get3A_1513, %get3A_1514, %get3A_1515] {strides = array<i32>} : memref<2x64x128xf32, #tpu.memory_space<vmem>>, vector<16xf32>,
        %get3A_1517 = arith.index_cast %rem3A_302 : i32 to index
        %get3A_1518 = arith.index_cast %add3A_1414 : i32 to index
        %get3A_1519 = arith.constant 32 : index
        %get3A_1520 = tpu.vector_load %arg17[%get3A_1517, %get3A_1518, %get3A_1519] {strides = array<i32>} : memref<2x64x128xf32, #tpu.memory_space<vmem>>, vector<16xf32>,
        %mul3A_1521 = arith.mulf %get3A_1516, %get3A_1520 : vector<16xf32>
        %add3A_1522 = arith.addf %add3A_1482, %mul3A_1521 : vector<16xf32>
        %get3A_1523 = arith.index_cast %rem3A_302 : i32 to index
        %get3A_1524 = arith.index_cast %add3A_1420 : i32 to index
        %get3A_1525 = arith.constant 32 : index
        %get3A_1526 = tpu.vector_load %arg16[%get3A_1523, %get3A_1524, %get3A_1525] {strides = array<i32>} : memref<2x64x128xf32, #tpu.memory_space<vmem>>, vector<16xf32>,
        %get3A_1527 = arith.index_cast %rem3A_302 : i32 to index
        %get3A_1528 = arith.index_cast %add3A_1420 : i32 to index
        %get3A_1529 = arith.constant 32 : index
        %get3A_1530 = tpu.vector_load %arg17[%get3A_1527, %get3A_1528, %get3A_1529] {strides = array<i32>} : memref<2x64x128xf32, #tpu.memory_space<vmem>>, vector<16xf32>,
        %mul3A_1531 = arith.mulf %get3A_1526, %get3A_1530 : vector<16xf32>
        %add3A_1532 = arith.addf %add3A_1492, %mul3A_1531 : vector<16xf32>
        %get3A_1533 = arith.index_cast %rem3A_302 : i32 to index
        %get3A_1534 = arith.index_cast %add3A_1426 : i32 to index
        %get3A_1535 = arith.constant 32 : index
        %get3A_1536 = tpu.vector_load %arg16[%get3A_1533, %get3A_1534, %get3A_1535] {strides = array<i32>} : memref<2x64x128xf32, #tpu.memory_space<vmem>>, vector<16xf32>,
        %get3A_1537 = arith.index_cast %rem3A_302 : i32 to index
        %get3A_1538 = arith.index_cast %add3A_1426 : i32 to index
        %get3A_1539 = arith.constant 32 : index
        %get3A_1540 = tpu.vector_load %arg17[%get3A_1537, %get3A_1538, %get3A_1539] {strides = array<i32>} : memref<2x64x128xf32, #tpu.memory_space<vmem>>, vector<16xf32>,
        %mul3A_1541 = arith.mulf %get3A_1536, %get3A_1540 : vector<16xf32>
        %add3A_1542 = arith.addf %add3A_1502, %mul3A_1541 : vector<16xf32>
        %get3A_1543 = arith.index_cast %rem3A_302 : i32 to index
        %get3A_1544 = arith.index_cast %add3A_1408 : i32 to index
        %get3A_1545 = arith.constant 48 : index
        %get3A_1546 = tpu.vector_load %arg16[%get3A_1543, %get3A_1544, %get3A_1545] {strides = array<i32>} : memref<2x64x128xf32, #tpu.memory_space<vmem>>, vector<16xf32>,
        %get3A_1547 = arith.index_cast %rem3A_302 : i32 to index
        %get3A_1548 = arith.index_cast %add3A_1408 : i32 to index
        %get3A_1549 = arith.constant 48 : index
        %get3A_1550 = tpu.vector_load %arg17[%get3A_1547, %get3A_1548, %get3A_1549] {strides = array<i32>} : memref<2x64x128xf32, #tpu.memory_space<vmem>>, vector<16xf32>,
        %mul3A_1551 = arith.mulf %get3A_1546, %get3A_1550 : vector<16xf32>
        %add3A_1552 = arith.addf %add3A_1512, %mul3A_1551 : vector<16xf32>
        %get3A_1553 = arith.index_cast %rem3A_302 : i32 to index
        %get3A_1554 = arith.index_cast %add3A_1414 : i32 to index
        %get3A_1555 = arith.constant 48 : index
        %get3A_1556 = tpu.vector_load %arg16[%get3A_1553, %get3A_1554, %get3A_1555] {strides = array<i32>} : memref<2x64x128xf32, #tpu.memory_space<vmem>>, vector<16xf32>,
        %get3A_1557 = arith.index_cast %rem3A_302 : i32 to index
        %get3A_1558 = arith.index_cast %add3A_1414 : i32 to index
        %get3A_1559 = arith.constant 48 : index
        %get3A_1560 = tpu.vector_load %arg17[%get3A_1557, %get3A_1558, %get3A_1559] {strides = array<i32>} : memref<2x64x128xf32, #tpu.memory_space<vmem>>, vector<16xf32>,
        %mul3A_1561 = arith.mulf %get3A_1556, %get3A_1560 : vector<16xf32>
        %add3A_1562 = arith.addf %add3A_1522, %mul3A_1561 : vector<16xf32>
        %get3A_1563 = arith.index_cast %rem3A_302 : i32 to index
        %get3A_1564 = arith.index_cast %add3A_1420 : i32 to index
        %get3A_1565 = arith.constant 48 : index
        %get3A_1566 = tpu.vector_load %arg16[%get3A_1563, %get3A_1564, %get3A_1565] {strides = array<i32>} : memref<2x64x128xf32, #tpu.memory_space<vmem>>, vector<16xf32>,
        %get3A_1567 = arith.index_cast %rem3A_302 : i32 to index
        %get3A_1568 = arith.index_cast %add3A_1420 : i32 to index
        %get3A_1569 = arith.constant 48 : index
        %get3A_1570 = tpu.vector_load %arg17[%get3A_1567, %get3A_1568, %get3A_1569] {strides = array<i32>} : memref<2x64x128xf32, #tpu.memory_space<vmem>>, vector<16xf32>,
        %mul3A_1571 = arith.mulf %get3A_1566, %get3A_1570 : vector<16xf32>
        %add3A_1572 = arith.addf %add3A_1532, %mul3A_1571 : vector<16xf32>
        %get3A_1573 = arith.index_cast %rem3A_302 : i32 to index
        %get3A_1574 = arith.index_cast %add3A_1426 : i32 to index
        %get3A_1575 = arith.constant 48 : index
        %get3A_1576 = tpu.vector_load %arg16[%get3A_1573, %get3A_1574, %get3A_1575] {strides = array<i32>} : memref<2x64x128xf32, #tpu.memory_space<vmem>>, vector<16xf32>,
        %get3A_1577 = arith.index_cast %rem3A_302 : i32 to index
        %get3A_1578 = arith.index_cast %add3A_1426 : i32 to index
        %get3A_1579 = arith.constant 48 : index
        %get3A_1580 = tpu.vector_load %arg17[%get3A_1577, %get3A_1578, %get3A_1579] {strides = array<i32>} : memref<2x64x128xf32, #tpu.memory_space<vmem>>, vector<16xf32>,
        %mul3A_1581 = arith.mulf %get3A_1576, %get3A_1580 : vector<16xf32>
        %add3A_1582 = arith.addf %add3A_1542, %mul3A_1581 : vector<16xf32>
        %get3A_1583 = arith.index_cast %rem3A_302 : i32 to index
        %get3A_1584 = arith.index_cast %add3A_1408 : i32 to index
        %get3A_1585 = arith.constant 64 : index
        %get3A_1586 = tpu.vector_load %arg16[%get3A_1583, %get3A_1584, %get3A_1585] {strides = array<i32>} : memref<2x64x128xf32, #tpu.memory_space<vmem>>, vector<16xf32>,
        %get3A_1587 = arith.index_cast %rem3A_302 : i32 to index
        %get3A_1588 = arith.index_cast %add3A_1408 : i32 to index
        %get3A_1589 = arith.constant 64 : index
        %get3A_1590 = tpu.vector_load %arg17[%get3A_1587, %get3A_1588, %get3A_1589] {strides = array<i32>} : memref<2x64x128xf32, #tpu.memory_space<vmem>>, vector<16xf32>,
        %mul3A_1591 = arith.mulf %get3A_1586, %get3A_1590 : vector<16xf32>
        %add3A_1592 = arith.addf %add3A_1552, %mul3A_1591 : vector<16xf32>
        %get3A_1593 = arith.index_cast %rem3A_302 : i32 to index
        %get3A_1594 = arith.index_cast %add3A_1414 : i32 to index
        %get3A_1595 = arith.constant 64 : index
        %get3A_1596 = tpu.vector_load %arg16[%get3A_1593, %get3A_1594, %get3A_1595] {strides = array<i32>} : memref<2x64x128xf32, #tpu.memory_space<vmem>>, vector<16xf32>,
        %get3A_1597 = arith.index_cast %rem3A_302 : i32 to index
        %get3A_1598 = arith.index_cast %add3A_1414 : i32 to index
        %get3A_1599 = arith.constant 64 : index
        %get3A_1600 = tpu.vector_load %arg17[%get3A_1597, %get3A_1598, %get3A_1599] {strides = array<i32>} : memref<2x64x128xf32, #tpu.memory_space<vmem>>, vector<16xf32>,
        %mul3A_1601 = arith.mulf %get3A_1596, %get3A_1600 : vector<16xf32>
        %add3A_1602 = arith.addf %add3A_1562, %mul3A_1601 : vector<16xf32>
        %get3A_1603 = arith.index_cast %rem3A_302 : i32 to index
        %get3A_1604 = arith.index_cast %add3A_1420 : i32 to index
        %get3A_1605 = arith.constant 64 : index
        %get3A_1606 = tpu.vector_load %arg16[%get3A_1603, %get3A_1604, %get3A_1605] {strides = array<i32>} : memref<2x64x128xf32, #tpu.memory_space<vmem>>, vector<16xf32>,
        %get3A_1607 = arith.index_cast %rem3A_302 : i32 to index
        %get3A_1608 = arith.index_cast %add3A_1420 : i32 to index
        %get3A_1609 = arith.constant 64 : index
        %get3A_1610 = tpu.vector_load %arg17[%get3A_1607, %get3A_1608, %get3A_1609] {strides = array<i32>} : memref<2x64x128xf32, #tpu.memory_space<vmem>>, vector<16xf32>,
        %mul3A_1611 = arith.mulf %get3A_1606, %get3A_1610 : vector<16xf32>
        %add3A_1612 = arith.addf %add3A_1572, %mul3A_1611 : vector<16xf32>
        %get3A_1613 = arith.index_cast %rem3A_302 : i32 to index
        %get3A_1614 = arith.index_cast %add3A_1426 : i32 to index
        %get3A_1615 = arith.constant 64 : index
        %get3A_1616 = tpu.vector_load %arg16[%get3A_1613, %get3A_1614, %get3A_1615] {strides = array<i32>} : memref<2x64x128xf32, #tpu.memory_space<vmem>>, vector<16xf32>,
        %get3A_1617 = arith.index_cast %rem3A_302 : i32 to index
        %get3A_1618 = arith.index_cast %add3A_1426 : i32 to index
        %get3A_1619 = arith.constant 64 : index
        %get3A_1620 = tpu.vector_load %arg17[%get3A_1617, %get3A_1618, %get3A_1619] {strides = array<i32>} : memref<2x64x128xf32, #tpu.memory_space<vmem>>, vector<16xf32>,
        %mul3A_1621 = arith.mulf %get3A_1616, %get3A_1620 : vector<16xf32>
        %add3A_1622 = arith.addf %add3A_1582, %mul3A_1621 : vector<16xf32>
        %get3A_1623 = arith.index_cast %rem3A_302 : i32 to index
        %get3A_1624 = arith.index_cast %add3A_1408 : i32 to index
        %get3A_1625 = arith.constant 80 : index
        %get3A_1626 = tpu.vector_load %arg16[%get3A_1623, %get3A_1624, %get3A_1625] {strides = array<i32>} : memref<2x64x128xf32, #tpu.memory_space<vmem>>, vector<16xf32>,
        %get3A_1627 = arith.index_cast %rem3A_302 : i32 to index
        %get3A_1628 = arith.index_cast %add3A_1408 : i32 to index
        %get3A_1629 = arith.constant 80 : index
        %get3A_1630 = tpu.vector_load %arg17[%get3A_1627, %get3A_1628, %get3A_1629] {strides = array<i32>} : memref<2x64x128xf32, #tpu.memory_space<vmem>>, vector<16xf32>,
        %mul3A_1631 = arith.mulf %get3A_1626, %get3A_1630 : vector<16xf32>
        %add3A_1632 = arith.addf %add3A_1592, %mul3A_1631 : vector<16xf32>
        %get3A_1633 = arith.index_cast %rem3A_302 : i32 to index
        %get3A_1634 = arith.index_cast %add3A_1414 : i32 to index
        %get3A_1635 = arith.constant 80 : index
        %get3A_1636 = tpu.vector_load %arg16[%get3A_1633, %get3A_1634, %get3A_1635] {strides = array<i32>} : memref<2x64x128xf32, #tpu.memory_space<vmem>>, vector<16xf32>,
        %get3A_1637 = arith.index_cast %rem3A_302 : i32 to index
        %get3A_1638 = arith.index_cast %add3A_1414 : i32 to index
        %get3A_1639 = arith.constant 80 : index
        %get3A_1640 = tpu.vector_load %arg17[%get3A_1637, %get3A_1638, %get3A_1639] {strides = array<i32>} : memref<2x64x128xf32, #tpu.memory_space<vmem>>, vector<16xf32>,
        %mul3A_1641 = arith.mulf %get3A_1636, %get3A_1640 : vector<16xf32>
        %add3A_1642 = arith.addf %add3A_1602, %mul3A_1641 : vector<16xf32>
        %get3A_1643 = arith.index_cast %rem3A_302 : i32 to index
        %get3A_1644 = arith.index_cast %add3A_1420 : i32 to index
        %get3A_1645 = arith.constant 80 : index
        %get3A_1646 = tpu.vector_load %arg16[%get3A_1643, %get3A_1644, %get3A_1645] {strides = array<i32>} : memref<2x64x128xf32, #tpu.memory_space<vmem>>, vector<16xf32>,
        %get3A_1647 = arith.index_cast %rem3A_302 : i32 to index
        %get3A_1648 = arith.index_cast %add3A_1420 : i32 to index
        %get3A_1649 = arith.constant 80 : index
        %get3A_1650 = tpu.vector_load %arg17[%get3A_1647, %get3A_1648, %get3A_1649] {strides = array<i32>} : memref<2x64x128xf32, #tpu.memory_space<vmem>>, vector<16xf32>,
        %mul3A_1651 = arith.mulf %get3A_1646, %get3A_1650 : vector<16xf32>
        %add3A_1652 = arith.addf %add3A_1612, %mul3A_1651 : vector<16xf32>
        %get3A_1653 = arith.index_cast %rem3A_302 : i32 to index
        %get3A_1654 = arith.index_cast %add3A_1426 : i32 to index
        %get3A_1655 = arith.constant 80 : index
        %get3A_1656 = tpu.vector_load %arg16[%get3A_1653, %get3A_1654, %get3A_1655] {strides = array<i32>} : memref<2x64x128xf32, #tpu.memory_space<vmem>>, vector<16xf32>,
        %get3A_1657 = arith.index_cast %rem3A_302 : i32 to index
        %get3A_1658 = arith.index_cast %add3A_1426 : i32 to index
        %get3A_1659 = arith.constant 80 : index
        %get3A_1660 = tpu.vector_load %arg17[%get3A_1657, %get3A_1658, %get3A_1659] {strides = array<i32>} : memref<2x64x128xf32, #tpu.memory_space<vmem>>, vector<16xf32>,
        %mul3A_1661 = arith.mulf %get3A_1656, %get3A_1660 : vector<16xf32>
        %add3A_1662 = arith.addf %add3A_1622, %mul3A_1661 : vector<16xf32>
        %get3A_1663 = arith.index_cast %rem3A_302 : i32 to index
        %get3A_1664 = arith.index_cast %add3A_1408 : i32 to index
        %get3A_1665 = arith.constant 96 : index
        %get3A_1666 = tpu.vector_load %arg16[%get3A_1663, %get3A_1664, %get3A_1665] {strides = array<i32>} : memref<2x64x128xf32, #tpu.memory_space<vmem>>, vector<16xf32>,
        %get3A_1667 = arith.index_cast %rem3A_302 : i32 to index
        %get3A_1668 = arith.index_cast %add3A_1408 : i32 to index
        %get3A_1669 = arith.constant 96 : index
        %get3A_1670 = tpu.vector_load %arg17[%get3A_1667, %get3A_1668, %get3A_1669] {strides = array<i32>} : memref<2x64x128xf32, #tpu.memory_space<vmem>>, vector<16xf32>,
        %mul3A_1671 = arith.mulf %get3A_1666, %get3A_1670 : vector<16xf32>
        %add3A_1672 = arith.addf %add3A_1632, %mul3A_1671 : vector<16xf32>
        %get3A_1673 = arith.index_cast %rem3A_302 : i32 to index
        %get3A_1674 = arith.index_cast %add3A_1414 : i32 to index
        %get3A_1675 = arith.constant 96 : index
        %get3A_1676 = tpu.vector_load %arg16[%get3A_1673, %get3A_1674, %get3A_1675] {strides = array<i32>} : memref<2x64x128xf32, #tpu.memory_space<vmem>>, vector<16xf32>,
        %get3A_1677 = arith.index_cast %rem3A_302 : i32 to index
        %get3A_1678 = arith.index_cast %add3A_1414 : i32 to index
        %get3A_1679 = arith.constant 96 : index
        %get3A_1680 = tpu.vector_load %arg17[%get3A_1677, %get3A_1678, %get3A_1679] {strides = array<i32>} : memref<2x64x128xf32, #tpu.memory_space<vmem>>, vector<16xf32>,
        %mul3A_1681 = arith.mulf %get3A_1676, %get3A_1680 : vector<16xf32>
        %add3A_1682 = arith.addf %add3A_1642, %mul3A_1681 : vector<16xf32>
        %get3A_1683 = arith.index_cast %rem3A_302 : i32 to index
        %get3A_1684 = arith.index_cast %add3A_1420 : i32 to index
        %get3A_1685 = arith.constant 96 : index
        %get3A_1686 = tpu.vector_load %arg16[%get3A_1683, %get3A_1684, %get3A_1685] {strides = array<i32>} : memref<2x64x128xf32, #tpu.memory_space<vmem>>, vector<16xf32>,
        %get3A_1687 = arith.index_cast %rem3A_302 : i32 to index
        %get3A_1688 = arith.index_cast %add3A_1420 : i32 to index
        %get3A_1689 = arith.constant 96 : index
        %get3A_1690 = tpu.vector_load %arg17[%get3A_1687, %get3A_1688, %get3A_1689] {strides = array<i32>} : memref<2x64x128xf32, #tpu.memory_space<vmem>>, vector<16xf32>,
        %mul3A_1691 = arith.mulf %get3A_1686, %get3A_1690 : vector<16xf32>
        %add3A_1692 = arith.addf %add3A_1652, %mul3A_1691 : vector<16xf32>
        %get3A_1693 = arith.index_cast %rem3A_302 : i32 to index
        %get3A_1694 = arith.index_cast %add3A_1426 : i32 to index
        %get3A_1695 = arith.constant 96 : index
        %get3A_1696 = tpu.vector_load %arg16[%get3A_1693, %get3A_1694, %get3A_1695] {strides = array<i32>} : memref<2x64x128xf32, #tpu.memory_space<vmem>>, vector<16xf32>,
        %get3A_1697 = arith.index_cast %rem3A_302 : i32 to index
        %get3A_1698 = arith.index_cast %add3A_1426 : i32 to index
        %get3A_1699 = arith.constant 96 : index
        %get3A_1700 = tpu.vector_load %arg17[%get3A_1697, %get3A_1698, %get3A_1699] {strides = array<i32>} : memref<2x64x128xf32, #tpu.memory_space<vmem>>, vector<16xf32>,
        %mul3A_1701 = arith.mulf %get3A_1696, %get3A_1700 : vector<16xf32>
        %add3A_1702 = arith.addf %add3A_1662, %mul3A_1701 : vector<16xf32>
        %get3A_1703 = arith.index_cast %rem3A_302 : i32 to index
        %get3A_1704 = arith.index_cast %add3A_1408 : i32 to index
        %get3A_1705 = arith.constant 112 : index
        %get3A_1706 = tpu.vector_load %arg16[%get3A_1703, %get3A_1704, %get3A_1705] {strides = array<i32>} : memref<2x64x128xf32, #tpu.memory_space<vmem>>, vector<16xf32>,
        %get3A_1707 = arith.index_cast %rem3A_302 : i32 to index
        %get3A_1708 = arith.index_cast %add3A_1408 : i32 to index
        %get3A_1709 = arith.constant 112 : index
        %get3A_1710 = tpu.vector_load %arg17[%get3A_1707, %get3A_1708, %get3A_1709] {strides = array<i32>} : memref<2x64x128xf32, #tpu.memory_space<vmem>>, vector<16xf32>,
        %mul3A_1711 = arith.mulf %get3A_1706, %get3A_1710 : vector<16xf32>
        %add3A_1712 = arith.addf %add3A_1672, %mul3A_1711 : vector<16xf32>
        %get3A_1713 = arith.index_cast %rem3A_302 : i32 to index
        %get3A_1714 = arith.index_cast %add3A_1414 : i32 to index
        %get3A_1715 = arith.constant 112 : index
        %get3A_1716 = tpu.vector_load %arg16[%get3A_1713, %get3A_1714, %get3A_1715] {strides = array<i32>} : memref<2x64x128xf32, #tpu.memory_space<vmem>>, vector<16xf32>,
        %get3A_1717 = arith.index_cast %rem3A_302 : i32 to index
        %get3A_1718 = arith.index_cast %add3A_1414 : i32 to index
        %get3A_1719 = arith.constant 112 : index
        %get3A_1720 = tpu.vector_load %arg17[%get3A_1717, %get3A_1718, %get3A_1719] {strides = array<i32>} : memref<2x64x128xf32, #tpu.memory_space<vmem>>, vector<16xf32>,
        %mul3A_1721 = arith.mulf %get3A_1716, %get3A_1720 : vector<16xf32>
        %add3A_1722 = arith.addf %add3A_1682, %mul3A_1721 : vector<16xf32>
        %get3A_1723 = arith.index_cast %rem3A_302 : i32 to index
        %get3A_1724 = arith.index_cast %add3A_1420 : i32 to index
        %get3A_1725 = arith.constant 112 : index
        %get3A_1726 = tpu.vector_load %arg16[%get3A_1723, %get3A_1724, %get3A_1725] {strides = array<i32>} : memref<2x64x128xf32, #tpu.memory_space<vmem>>, vector<16xf32>,
        %get3A_1727 = arith.index_cast %rem3A_302 : i32 to index
        %get3A_1728 = arith.index_cast %add3A_1420 : i32 to index
        %get3A_1729 = arith.constant 112 : index
        %get3A_1730 = tpu.vector_load %arg17[%get3A_1727, %get3A_1728, %get3A_1729] {strides = array<i32>} : memref<2x64x128xf32, #tpu.memory_space<vmem>>, vector<16xf32>,
        %mul3A_1731 = arith.mulf %get3A_1726, %get3A_1730 : vector<16xf32>
        %add3A_1732 = arith.addf %add3A_1692, %mul3A_1731 : vector<16xf32>
        %get3A_1733 = arith.index_cast %rem3A_302 : i32 to index
        %get3A_1734 = arith.index_cast %add3A_1426 : i32 to index
        %get3A_1735 = arith.constant 112 : index
        %get3A_1736 = tpu.vector_load %arg16[%get3A_1733, %get3A_1734, %get3A_1735] {strides = array<i32>} : memref<2x64x128xf32, #tpu.memory_space<vmem>>, vector<16xf32>,
        %get3A_1737 = arith.index_cast %rem3A_302 : i32 to index
        %get3A_1738 = arith.index_cast %add3A_1426 : i32 to index
        %get3A_1739 = arith.constant 112 : index
        %get3A_1740 = tpu.vector_load %arg17[%get3A_1737, %get3A_1738, %get3A_1739] {strides = array<i32>} : memref<2x64x128xf32, #tpu.memory_space<vmem>>, vector<16xf32>,
        %mul3A_1741 = arith.mulf %get3A_1736, %get3A_1740 : vector<16xf32>
        %add3A_1742 = arith.addf %add3A_1702, %mul3A_1741 : vector<16xf32>
        %swap3A_1743 = arith.constant 12 : i32
        %swap3A_1744 = arith.index_cast %swap3A_1743 : i32 to index
        %swap3A_1745 = arith.constant 0 : index
        %swap3A_1746 = tpu.vector_load %arg18[%swap3A_1744, %swap3A_1745] {strides = array<i32>} : memref<16x17xf32, #tpu.memory_space<vmem>>, vector<16xf32>,
        tpu.vector_store %arg18[%swap3A_1744, %swap3A_1745], %add3A_1712 {strides = array<i32>} : memref<16x17xf32, #tpu.memory_space<vmem>>, vector<16xf32>,
        %swap3A_1747 = arith.constant 13 : i32
        %swap3A_1748 = arith.index_cast %swap3A_1747 : i32 to index
        %swap3A_1749 = arith.constant 0 : index
        %swap3A_1750 = tpu.vector_load %arg18[%swap3A_1748, %swap3A_1749] {strides = array<i32>} : memref<16x17xf32, #tpu.memory_space<vmem>>, vector<16xf32>,
        tpu.vector_store %arg18[%swap3A_1748, %swap3A_1749], %add3A_1722 {strides = array<i32>} : memref<16x17xf32, #tpu.memory_space<vmem>>, vector<16xf32>,
        %swap3A_1751 = arith.constant 14 : i32
        %swap3A_1752 = arith.index_cast %swap3A_1751 : i32 to index
        %swap3A_1753 = arith.constant 0 : index
        %swap3A_1754 = tpu.vector_load %arg18[%swap3A_1752, %swap3A_1753] {strides = array<i32>} : memref<16x17xf32, #tpu.memory_space<vmem>>, vector<16xf32>,
        tpu.vector_store %arg18[%swap3A_1752, %swap3A_1753], %add3A_1732 {strides = array<i32>} : memref<16x17xf32, #tpu.memory_space<vmem>>, vector<16xf32>,
        %swap3A_1755 = arith.constant 15 : i32
        %swap3A_1756 = arith.index_cast %swap3A_1755 : i32 to index
        %swap3A_1757 = arith.constant 0 : index
        %swap3A_1758 = tpu.vector_load %arg18[%swap3A_1756, %swap3A_1757] {strides = array<i32>} : memref<16x17xf32, #tpu.memory_space<vmem>>, vector<16xf32>,
        tpu.vector_store %arg18[%swap3A_1756, %swap3A_1757], %add3A_1742 {strides = array<i32>} : memref<16x17xf32, #tpu.memory_space<vmem>>, vector<16xf32>,
        %broadcast_in_dim3A = arith.constant 0 : i32
        %broadcast_in_dim3A_1759 = vector.broadcast %broadcast_in_dim3A : i32 to vector<16xi32>
        %gather3A = tpu.vector_load_idx %arg18[%iota3A, %broadcast_in_dim3A_1759] : memref<16x17xf32, #tpu.memory_space<vmem>>[vector<16xi32>, vector<16xi32>], vector<16xf32>,
        %broadcast_in_dim3A_1760 = arith.constant 1 : i32
        %broadcast_in_dim3A_1761 = vector.broadcast %broadcast_in_dim3A_1760 : i32 to vector<16xi32>
        %gather3A_1762 = tpu.vector_load_idx %arg18[%iota3A, %broadcast_in_dim3A_1761] : memref<16x17xf32, #tpu.memory_space<vmem>>[vector<16xi32>, vector<16xi32>], vector<16xf32>,
        %broadcast_in_dim3A_1763 = arith.constant 2 : i32
        %broadcast_in_dim3A_1764 = vector.broadcast %broadcast_in_dim3A_1763 : i32 to vector<16xi32>
        %gather3A_1765 = tpu.vector_load_idx %arg18[%iota3A, %broadcast_in_dim3A_1764] : memref<16x17xf32, #tpu.memory_space<vmem>>[vector<16xi32>, vector<16xi32>], vector<16xf32>,
        %broadcast_in_dim3A_1766 = arith.constant 3 : i32
        %broadcast_in_dim3A_1767 = vector.broadcast %broadcast_in_dim3A_1766 : i32 to vector<16xi32>
        %gather3A_1768 = tpu.vector_load_idx %arg18[%iota3A, %broadcast_in_dim3A_1767] : memref<16x17xf32, #tpu.memory_space<vmem>>[vector<16xi32>, vector<16xi32>], vector<16xf32>,
        %broadcast_in_dim3A_1769 = arith.constant 4 : i32
        %broadcast_in_dim3A_1770 = vector.broadcast %broadcast_in_dim3A_1769 : i32 to vector<16xi32>
        %gather3A_1771 = tpu.vector_load_idx %arg18[%iota3A, %broadcast_in_dim3A_1770] : memref<16x17xf32, #tpu.memory_space<vmem>>[vector<16xi32>, vector<16xi32>], vector<16xf32>,
        %broadcast_in_dim3A_1772 = arith.constant 5 : i32
        %broadcast_in_dim3A_1773 = vector.broadcast %broadcast_in_dim3A_1772 : i32 to vector<16xi32>
        %gather3A_1774 = tpu.vector_load_idx %arg18[%iota3A, %broadcast_in_dim3A_1773] : memref<16x17xf32, #tpu.memory_space<vmem>>[vector<16xi32>, vector<16xi32>], vector<16xf32>,
        %broadcast_in_dim3A_1775 = arith.constant 6 : i32
        %broadcast_in_dim3A_1776 = vector.broadcast %broadcast_in_dim3A_1775 : i32 to vector<16xi32>
        %gather3A_1777 = tpu.vector_load_idx %arg18[%iota3A, %broadcast_in_dim3A_1776] : memref<16x17xf32, #tpu.memory_space<vmem>>[vector<16xi32>, vector<16xi32>], vector<16xf32>,
        %broadcast_in_dim3A_1778 = arith.constant 7 : i32
        %broadcast_in_dim3A_1779 = vector.broadcast %broadcast_in_dim3A_1778 : i32 to vector<16xi32>
        %gather3A_1780 = tpu.vector_load_idx %arg18[%iota3A, %broadcast_in_dim3A_1779] : memref<16x17xf32, #tpu.memory_space<vmem>>[vector<16xi32>, vector<16xi32>], vector<16xf32>,
        %broadcast_in_dim3A_1781 = arith.constant 8 : i32
        %broadcast_in_dim3A_1782 = vector.broadcast %broadcast_in_dim3A_1781 : i32 to vector<16xi32>
        %gather3A_1783 = tpu.vector_load_idx %arg18[%iota3A, %broadcast_in_dim3A_1782] : memref<16x17xf32, #tpu.memory_space<vmem>>[vector<16xi32>, vector<16xi32>], vector<16xf32>,
        %broadcast_in_dim3A_1784 = arith.constant 9 : i32
        %broadcast_in_dim3A_1785 = vector.broadcast %broadcast_in_dim3A_1784 : i32 to vector<16xi32>
        %gather3A_1786 = tpu.vector_load_idx %arg18[%iota3A, %broadcast_in_dim3A_1785] : memref<16x17xf32, #tpu.memory_space<vmem>>[vector<16xi32>, vector<16xi32>], vector<16xf32>,
        %broadcast_in_dim3A_1787 = arith.constant 10 : i32
        %broadcast_in_dim3A_1788 = vector.broadcast %broadcast_in_dim3A_1787 : i32 to vector<16xi32>
        %gather3A_1789 = tpu.vector_load_idx %arg18[%iota3A, %broadcast_in_dim3A_1788] : memref<16x17xf32, #tpu.memory_space<vmem>>[vector<16xi32>, vector<16xi32>], vector<16xf32>,
        %broadcast_in_dim3A_1790 = arith.constant 11 : i32
        %broadcast_in_dim3A_1791 = vector.broadcast %broadcast_in_dim3A_1790 : i32 to vector<16xi32>
        %gather3A_1792 = tpu.vector_load_idx %arg18[%iota3A, %broadcast_in_dim3A_1791] : memref<16x17xf32, #tpu.memory_space<vmem>>[vector<16xi32>, vector<16xi32>], vector<16xf32>,
        %broadcast_in_dim3A_1793 = arith.constant 12 : i32
        %broadcast_in_dim3A_1794 = vector.broadcast %broadcast_in_dim3A_1793 : i32 to vector<16xi32>
        %gather3A_1795 = tpu.vector_load_idx %arg18[%iota3A, %broadcast_in_dim3A_1794] : memref<16x17xf32, #tpu.memory_space<vmem>>[vector<16xi32>, vector<16xi32>], vector<16xf32>,
        %broadcast_in_dim3A_1796 = arith.constant 13 : i32
        %broadcast_in_dim3A_1797 = vector.broadcast %broadcast_in_dim3A_1796 : i32 to vector<16xi32>
        %gather3A_1798 = tpu.vector_load_idx %arg18[%iota3A, %broadcast_in_dim3A_1797] : memref<16x17xf32, #tpu.memory_space<vmem>>[vector<16xi32>, vector<16xi32>], vector<16xf32>,
        %broadcast_in_dim3A_1799 = arith.constant 14 : i32
        %broadcast_in_dim3A_1800 = vector.broadcast %broadcast_in_dim3A_1799 : i32 to vector<16xi32>
        %gather3A_1801 = tpu.vector_load_idx %arg18[%iota3A, %broadcast_in_dim3A_1800] : memref<16x17xf32, #tpu.memory_space<vmem>>[vector<16xi32>, vector<16xi32>], vector<16xf32>,
        %broadcast_in_dim3A_1802 = arith.constant 15 : i32
        %broadcast_in_dim3A_1803 = vector.broadcast %broadcast_in_dim3A_1802 : i32 to vector<16xi32>
        %gather3A_1804 = tpu.vector_load_idx %arg18[%iota3A, %broadcast_in_dim3A_1803] : memref<16x17xf32, #tpu.memory_space<vmem>>[vector<16xi32>, vector<16xi32>], vector<16xf32>,
        %add3A_1805 = arith.addf %gather3A, %gather3A_1762 : vector<16xf32>
        %add3A_1806 = arith.addf %gather3A_1765, %gather3A_1768 : vector<16xf32>
        %add3A_1807 = arith.addf %gather3A_1771, %gather3A_1774 : vector<16xf32>
        %add3A_1808 = arith.addf %gather3A_1777, %gather3A_1780 : vector<16xf32>
        %add3A_1809 = arith.addf %gather3A_1783, %gather3A_1786 : vector<16xf32>
        %add3A_1810 = arith.addf %gather3A_1789, %gather3A_1792 : vector<16xf32>
        %add3A_1811 = arith.addf %gather3A_1795, %gather3A_1798 : vector<16xf32>
        %add3A_1812 = arith.addf %gather3A_1801, %gather3A_1804 : vector<16xf32>
        %add3A_1813 = arith.addf %add3A_1805, %add3A_1806 : vector<16xf32>
        %add3A_1814 = arith.addf %add3A_1807, %add3A_1808 : vector<16xf32>
        %add3A_1815 = arith.addf %add3A_1809, %add3A_1810 : vector<16xf32>
        %add3A_1816 = arith.addf %add3A_1811, %add3A_1812 : vector<16xf32>
        %add3A_1817 = arith.addf %add3A_1813, %add3A_1814 : vector<16xf32>
        %add3A_1818 = arith.addf %add3A_1815, %add3A_1816 : vector<16xf32>
        %add3A_1819 = arith.addf %add3A_1817, %add3A_1818 : vector<16xf32>
        %mul3A_1820 = arith.constant 64 : i32
        %mul3A_1821 = arith.muli %scan3A_301, %mul3A_1820 : i32
        %mul3A_1822 = arith.constant 16 : i32
        %mul3A_1823 = arith.muli %scan3A_335, %mul3A_1822 : i32
        %add3A_1824 = arith.addi %mul3A_1821, %mul3A_1823 : i32
        %get3A_1825 = arith.index_cast %add3A_1824 : i32 to index
        %get3A_1826 = tpu.vector_load %arg12[%get3A_1825] {strides = array<i32>} : memref<512xf32, #tpu.memory_space<vmem>>, vector<16xf32>,
        %add3A_1827 = arith.addf %add3A_1819, %get3A_1826 : vector<16xf32>
        %get3A_1828 = arith.index_cast %add3A_1824 : i32 to index
        %get3A_1829 = tpu.vector_load %arg13[%get3A_1828] {strides = array<i32>} : memref<512xf32, #tpu.memory_space<vmem>>, vector<16xf32>,
        %add3A_1830 = arith.addf %add3A_1827, %get3A_1829 : vector<16xf32>
        %add3A_1831 = arith.addf %add3A_1830, %get3A_295 : vector<16xf32>
        %swap3A_1832 = arith.index_cast %add3A_1824 : i32 to index
        %swap3A_1833 = tpu.vector_load %arg15[%swap3A_1832] {strides = array<i32>} : memref<512xf32, #tpu.memory_space<vmem>>, vector<16xf32>,
        tpu.vector_store %arg15[%swap3A_1832], %add3A_1831 {strides = array<i32>} : memref<512xf32, #tpu.memory_space<vmem>>, vector<16xf32>,
      }
      %scan3A_334 = arith.constant 4 : i32
    }
    %scan3A_300 = arith.constant 8 : i32
    "tpu.region"() ({
      %run_scoped3A = tpu.sem_alloc : memref<!tpu.dma_semaphore, #tpu.memory_space<semaphore_mem>>
      %dma_start3A_301 = tpu.memref_slice %arg9[%mul3A_2] : memref<16384xf32, #tpu.memory_space<hbm>> -> memref<512xf32, #tpu.memory_space<hbm>>
      %dma_start3A_302 = tpu.memref_slice %arg9[%mul3A_2] : memref<16384xf32, #tpu.memory_space<hbm>> -> memref<512xf32, #tpu.memory_space<hbm>>
      tpu.enqueue_dma source(%arg15 : memref<512xf32, #tpu.memory_space<vmem>>) target(%dma_start3A_302 : memref<512xf32, #tpu.memory_space<hbm>>) target_semaphore(%run_scoped3A : memref<!tpu.dma_semaphore, #tpu.memory_space<semaphore_mem>>)
      %dma_wait3A_303 = tpu.memref_slice %arg9[%mul3A_2] : memref<16384xf32, #tpu.memory_space<hbm>> -> memref<512xf32, #tpu.memory_space<hbm>>
      %dma_wait3A_304 = tpu.memref_slice %arg9[%mul3A_2] : memref<16384xf32, #tpu.memory_space<hbm>> -> memref<512xf32, #tpu.memory_space<hbm>>
      tpu.wait_dma2 semaphore(%run_scoped3A : memref<!tpu.dma_semaphore, #tpu.memory_space<semaphore_mem>>) src(%arg15 : memref<512xf32, #tpu.memory_space<vmem>>) dst(%dma_wait3A_304 : memref<512xf32, #tpu.memory_space<hbm>>)
      tpu.yield
    }) : () -> ()
    return
  }
}

</mosaic_0001>

<sc_bundles>
// kernel: kernel.3.cloned.1.call-start
scs
__scs_entry_jumppad:
0x0: {  	(pc) =	sbr.rel $0x88, $3  }
0x1: {  	(tag) =	ssettag $0x0;
	lr =	simm.s32 $0x1  }
0x2: {  	[smem:$0x3F9A] =	sst lr;
	_ =	strace $0xD0000000  }
0x3: {  	_ = 	snop  }
0x4: {  	_ = 	snop  }
0x5: {  	_ = 	snop  }
0x6: {  	_ = 	snop  }
0x7: {  	_ = 	snop  }
__scs_overlays_trampoline_lowered:
0x8: {  	[smem:$0x3FA9] =	sst s0  }
0x9: {  	[smem:$0x3FAA] =	sst s1  }
0xa: {  	[smem:$0x3FAB] =	sst s2  }
0xb: {  	[smem:$0x3FAC] =	sst s3  }
0xc: {  	[smem:$0x3FAD] =	sst s4  }
0xd: {  	[smem:$0x3FAE] =	sst s5  }
0xe: {  	[smem:$0x3FAF] =	sst s6  }
0xf: {  	[smem:$0x3FB0] =	sst s7  }
0x10: {  	[smem:$0x3FB1] =	sst s8  }
0x11: {  	[smem:$0x3FB2] =	sst s9;
	s0 =	simm.s32 @!p0 $0x0  }
0x12: {  	s1 =	sld [smem:$0x3F98];
	s0 =	simm.s32 @p0 $0x1  }
0x13: {  	[smem:$0x3FB3] =	sst s0;
	s0 =	simm.s32 @!p1 $0x0  }
0x14: {  	s2 =	sld [smem:$0x3F97];
	s0 =	simm.s32 @p1 $0x1  }
0x15: {  	[smem:$0x3FB4] =	sst s0;
	s0 =	simm.s32 @!p2 $0x0  }
0x16: {  	s3 =	sld [smem:$0x3FDB];
	s0 =	simm.s32 @p2 $0x1  }
0x17: {  	s4 =	simm.s32 $0x1BF5;
	[smem:$0x3FB6] =	sst s0  }
0x18: {  	s0 =	sld [smem:$0x3F99];
	_ =	swait.ge [sflag:s4], $0x0  }
0x19: {  	s7 =	sld [smem:$0x3F9A]  }
0x1a: {  	s8 =	sadd.s32 $0xFFFFE003, lr  }
0x1b: {  	s9 =	sadd.s32 $0xFFFFFEF7, lr;
	s5 =	simm.s32 $0xFFFFFFFF;
	p2 =	slt.u32 s8, $0xFFFFF086  }
0x1c: {  	p1 =	slt.u32 s9, $0xF7A;
	s5 =	simm.s32 @!p2 $0x0  }
0x1d: {  	s5 =	simm.s32 @p1 $0x1;
	p0 =	seq.s32 s7, s2  }
0x1e: {  	s7 =	smul.u32 @!p0 $0xF7A, s2;
	p2 =	seq.s32 @!p0 s5, $0x0  }
0x1f: {  	s9 =	smul.u32 $0xF7A, s1;
	s8 =	simm.s32 @!p0 $0x1BF5;
	p2 =	por !p2, p0  }
0x20: {  	[sflag:s8] =	ssyncset.s32 @!p0 $0xFFFFF086;
	s6 =	sadd.s32 @!p0 s3, s7;
	s7 =	simm.s32 @!p0 $0x108  }
0x21: {  	s3 =	sadd.s32 s3, s9;
	s6 =	sadd.s32 @!p0 $0x88, s6;
	s7 =	simm.s32 @p2 $0x1082  }
0x22: {  	[simem:s7], [sflag:s8] =	dma.local @!p0 [hbm:s6], $0xF7A  }
0x23: {  	s9 =	sor.u32 $0xD0000000, s2;
	s6 =	simm.s32 $0x108;
	_ =	swait.ge @!p0 [sflag:s8], $0x0  }
0x24: {  	s3 =	sadd.s32 $0x88, s3;
	s6 =	simm.s32 @!p1 $0x1082;
	[sflag:s4] =	ssyncset.s32 $0xFFFFF086  }
0x25: {  	[simem:s6], [sflag:s4] =	dma.local [hbm:s3], $0xF7A  }
0x26: {  	[smem:$0x3F9A] =	sst s1;
	(tag) =	ssettag s2;
	_ =	strace s9  }
0x27: {  	s1 =	sld [smem:$0x3FAA]  }
0x28: {  	s2 =	sld [smem:$0x3FAB]  }
0x29: {  	s4 =	sld [smem:$0x3FAD]  }
0x2a: {  	p0 =	seq.s32 s5, $0x0;
	s5 =	sld [smem:$0x3FAE]  }
0x2b: {  	s6 =	sld [smem:$0x3FAF]  }
0x2c: {  	s7 =	sld [smem:$0x3FB0]  }
0x2d: {  	s3 =	simm.s32 $0x108;
	s8 =	sld [smem:$0x3FB1]  }
0x2e: {  	s3 =	simm.s32 @!p0 $0x1082;
	s9 =	sld [smem:$0x3FB2]  }
0x2f: {  	lr =	sadd.s32 s0, s3;
	s0 =	sld [smem:$0x3FA9]  }
0x30: {  	s3 =	sld [smem:$0x3FAC]  }
0x31: {  	[smem:$0x3FB5] =	sst s10  }
0x32: {  	s10 =	sld [smem:$0x3FB3];
	_ =	sdelay $0x3  }
0x33: {  	p0 =	seq.s32 s10, $0x1;
	s10 =	sld [smem:$0x3FB5];
	_ =	sdelay $0x3  }
0x34: {  	[smem:$0x3FB5] =	sst s10  }
0x35: {  	s10 =	sld [smem:$0x3FB4];
	_ =	sdelay $0x3  }
0x36: {  	p1 =	seq.s32 s10, $0x1;
	s10 =	sld [smem:$0x3FB5];
	_ =	sdelay $0x3  }
0x37: {  	[smem:$0x3FB5] =	sst s10  }
0x38: {  	s10 =	sld [smem:$0x3FB6]  }
0x39: {  	_ = 	snop;
	(pc) =	sbr.ind lr, $3  }
0x3a: {  	_ = 	snop  }
0x3b: {  	_ = 	snop  }
0x3c: {  	p2 =	seq.s32 s10, $0x1;
	s10 =	sld [smem:$0x3FB5]  }
0x3d: {  	_ =	shalt  }
0x3e: {  	_ =	shalt  }
0x3f: {  	_ =	shalt  }
0x40: {  	_ =	shalt  }
0x41: {  	_ =	shalt  }
0x42: {  	_ =	shalt  }
0x43: {  	_ =	shalt  }
0x44: {  	_ =	shalt  }
0x45: {  	_ =	shalt  }
0x46: {  	_ =	shalt  }
0x47: {  	_ =	shalt  }
0x48: {  	_ =	shalt  }
0x49: {  	_ =	shalt  }
0x4a: {  	_ =	shalt  }
0x4b: {  	_ =	shalt  }
0x4c: {  	_ =	shalt  }
0x4d: {  	_ =	shalt  }
0x4e: {  	_ =	shalt  }
0x4f: {  	_ =	shalt  }
0x50: {  	_ =	shalt  }
0x51: {  	_ =	shalt  }
0x52: {  	_ =	shalt  }
0x53: {  	_ =	shalt  }
0x54: {  	_ =	shalt  }
0x55: {  	_ =	shalt  }
0x56: {  	_ =	shalt  }
0x57: {  	_ =	shalt  }
0x58: {  	_ =	shalt  }
0x59: {  	_ =	shalt  }
0x5a: {  	_ =	shalt  }
0x5b: {  	_ =	shalt  }
0x5c: {  	_ =	shalt  }
0x5d: {  	_ =	shalt  }
0x5e: {  	_ =	shalt  }
0x5f: {  	_ =	shalt  }
0x60: {  	_ =	shalt  }
0x61: {  	_ =	shalt  }
0x62: {  	_ =	shalt  }
0x63: {  	_ =	shalt  }
0x64: {  	_ =	shalt  }
0x65: {  	_ =	shalt  }
0x66: {  	_ =	shalt  }
0x67: {  	_ =	shalt  }
0x68: {  	_ =	shalt  }
0x69: {  	_ =	shalt  }
0x6a: {  	_ =	shalt  }
0x6b: {  	_ =	shalt  }
0x6c: {  	_ =	shalt  }
0x6d: {  	_ =	shalt  }
0x6e: {  	_ =	shalt  }
0x6f: {  	_ =	shalt  }
0x70: {  	_ =	shalt  }
0x71: {  	_ =	shalt  }
0x72: {  	_ =	shalt  }
0x73: {  	_ =	shalt  }
0x74: {  	_ =	shalt  }
0x75: {  	_ =	shalt  }
0x76: {  	_ =	shalt  }
0x77: {  	_ =	shalt  }
0x78: {  	_ =	shalt  }
0x79: {  	_ =	shalt  }
0x7a: {  	_ =	shalt  }
0x7b: {  	_ =	shalt  }
0x7c: {  	_ =	shalt  }
0x7d: {  	_ =	shalt  }
0x7e: {  	_ =	shalt  }
0x7f: {  	_ =	shalt  }
0x80: {  	_ =	shalt  }
0x81: {  	_ =	shalt  }
0x82: {  	_ =	shalt  }
0x83: {  	_ =	shalt  }
0x84: {  	_ =	shalt  }
0x85: {  	_ =	shalt  }
0x86: {  	_ =	shalt  }
0x87: {  	_ =	shalt  }
.Lfunc_end0:
.L_simem_size_0:
called_computation_lowered:
.L_overlay_start_0:
0x88: {  	s2 =	sld [smem:$0x3FD9]  }
0x89: {  	s3 =	sld [smem:$0x3FFE];
	_ =	sdelay $0x1  }
0x8a: {  	s1 =	srdreg.scid  }
0x8b: {  	s0 =	sand.u32 $0x1, s1  }
0x8c: {  	s17 =	sshll.u32 s0, $0xA;
	s2 =	sadd.s32 s3, s2  }
0x8d: {  	s2 =	sadd.s32 s2, s17  }
0x8e: {  	[smem:$0x3FC1] =	sst s2  }
0x8f: {  	_ = 	snop  }
0x90: {  	s2 =	sld [smem:$0x3FC9]  }
0x91: {  	s18 =	sld [smem:$0x3FC8]  }
0x92: {  	s4 =	sld [smem:$0x3FC7]  }
0x93: {  	s5 =	sld [smem:$0x3FC6]  }
0x94: {  	s6 =	sld [smem:$0x3FD0];
	(tm) =	ssettm $0x1  }
0x95: {  	s7 =	sld [smem:$0x3FFB];
	_ =	sdelay $0x3  }
0x96: {  	_ =	strace s7  }
0x97: {  	s7 =	sld [smem:$0x3FFC];
	_ =	sdelay $0x3  }
0x98: {  	_ =	strace s7  }
0x99: {  	s7 =	sld [smem:$0x3FFD];
	_ =	sdelay $0x3  }
0x9a: {  	_ =	strace s7  }
0x9b: {  	_ =	strace $0x8FFFFFFF  }
0x9c: {  	s19 =	sld [smem:$0x3FDB];
	_ =	sdelay $0x1  }
0x9d: {  	s8 =	simm.s32 $_scs_section_size  }
0x9e: {  	s9 =	simm.s32 $_size__tile_overlayer_lowered;
	s10 =	simm.s32 $_tile_overlayer_lowered  }
0x9f: {  	s22 =	simm.s32 $0x1BFF;
	s21 =	sshll.u32 s10, $0x1;
	s7 =	sadd.s32 s8, s19  }
0xa0: {  	s11 =	simm.s32 $0x0;
	s20 =	sshll.u32 s9, $0x1;
	s9 =	sadd.s32 s21, s7  }
0xa1: {  	[timem:s11], [sflag:s22] =	dma.local [hbm:s9], s20  }
0xa2: {  	_ =	swait.ge [sflag:s22], s20  }
0xa3: {  	s8 =	ssub.s32 $0x0, s20;
	[sflag:s22] =	ssyncset.done $0x0  }
0xa4: {  	[sflag:s22] =	ssyncadd.s32 s8;
	_ =	sdelay $0x1  }
0xa5: {  	s23 =	simm.s32 $0x1B8B  }
0xa6: {  	_ =	swait.ge [sflag:s23], $0x1  }
0xa7: {  	[sflag:s23] =	ssyncset.done $0x0  }
0xa8: {  	s25 =	simm.s32 $0x1B8E;
	s24 =	sld [smem:$0x3FFE];
	[sflag:s23] =	ssyncadd.s32 $0xFFFFFFFF  }
0xa9: {  	s26 =	simm.s32 $execute0_lowered;
	[smem:$0x3FD2] =	sst s25  }
0xaa: {  	s9 =	sshll.u32 s26, $0x1;
	_ =	strace $0x80000046;
	[dreg:$0x1] =	wrdreg $0xFFFFFFFF  }
0xab: {  	s28 =	simm.s32 $_size_execute0_lowered;
	s7 =	sadd.s32 s7, s9;
	[dreg:$0x0] =	wrdreg $0x0  }
0xac: {  	s9 =	sshll.u32 s28, $0x1;
	[dreg:$0x2] =	wrdreg s7  }
0xad: {  	[dreg:$0x3] =	wrdreg s9  }
0xae: {  	[dreg:$0x4] =	wrdreg $0xC0  }
0xaf: {  	_ =	task [dreg:s11], $0x5FFFF  }
0xb0: {  	[dreg:$0x1] =	wrdreg $0xFFFFFFFF  }
0xb1: {  	[dreg:$0x0] =	wrdreg $0x60  }
0xb2: {  	[dreg:$0x2] =	wrdreg s2  }
0xb3: {  	[dreg:$0x3] =	wrdreg s18  }
0xb4: {  	[dreg:$0x4] =	wrdreg s4  }
0xb5: {  	[dreg:$0x5] =	wrdreg s5  }
0xb6: {  	[dreg:$0x6] =	wrdreg s24  }
0xb7: {  	[dreg:$0x7] =	wrdreg s6  }
0xb8: {  	[dreg:$0x8] =	wrdreg $0x9  }
0xb9: {  	_ =	task.clear_ibuf [dreg:s11], $0x9FFFF;
	_ =	strace $0x90000046  }
0xba: {  	s29 =	simm.s32 $0x9;
	_ =	strace $0x80000048  }
0xbb: {  	_ =	swait.ge [sflag:s29], $0x1  }
0xbc: {  	[sflag:s29] =	ssyncadd.s32 $0xFFFFFFFF  }
0xbd: {  	_ =	strace $0x90000048  }
0xbe: {  	_ =	sfence  }
0xbf: {  	s30 =	sld [smem:$0x0];
	_ =	sdelay $0x2  }
0xc0: {  	s31 =	sshll.u32 s1, $0xD;
	s1 =	sshrl.u32 s1, $0x2  }
0xc1: {  	s3 =	sand.u32 $0x4000, s31;
	s1 =	sadd.s32 s1, s30  }
0xc2: {  	s0 =	sor.u32 s3, s0;
	s1 =	sshll.u32 s1, $0x11  }
0xc3: {  	s0 =	sor.u32 s1, s0  }
0xc4: {  	s0 =	sadd.s32 $0x8F2B, s0  }
0xc5: {  	[sflag:s0] =	ssyncadd.remote.s32 $0x1  }
0xc6: {  	_ =	sfence.sel $0xFFFF  }
0xc7: {  	[dreg:$0x0] =	wrdreg $0xFFFFFFFF;
	(pc) =	sbr.abs _section_cstart, $3  }
0xc8: {  	[dreg:$0x1] =	wrdreg $0xFFFFFFFF  }
0xc9: {  	_ =	task.clear_ibuf [dreg:s11], $0x2FFFF;
	_ =	strace $0x9FFFFFFF  }
0xca: {  	(tm) =	ssettm $0x7FFFFFFF  }
0xcb: {  	_ =	shalt  }
tec
execute0_lowered:
.L_overlay_start_1:
0x0: {  	(tag) =	ssettag $0x1  }
0x1: {  	s0 =	rddreg [dreg:$0x0]  }
0x2: {  	s5 =	rddreg [dreg:$0x1]  }
0x3: {  	s1 =	rddreg [dreg:$0x2]  }
0x4: {  	s2 =	rddreg [dreg:$0x3]  }
0x5: {  	s3 =	rddreg [dreg:$0x4]  }
0x6: {  	s7 =	rddreg [dreg:$0x5];
	s4 =	simm.s32 $0x0  }
0x7: {  	s8 =	srdreg.scid;
	s10 =	stileid.u32;
	s17 =	simm.s32 $0x40  }
0x8: {  	s22 =	simm.s32 $0x6;
	s24 =	simm.s32 $0x4;
	s8 =	sand.u32 $0x1, s8  }
0x9: {  	s10 =	sshll.u32 s10, $0x7;
	s9 =	ssub.s32 $0x2, s8;
	s8 =	sshll.u32 s8, $0x6  }
0xa: {  	v0 =	vlaneseq.u32;
	[smem:$0x7FF] =	sst s4;
	s11 =	sadd.s32 $0x6400, s3;
	s8 =	sor.u32 s8, s10  }
0xb: {  	v2 =	vmul.u32 $0x80, v0;
	_ =	strace $0x80000047;
	[dreg:$0xa] =	wrdreg s11;
	s10 =	sadd.s32 s0, s8  }
0xc: {  	s19 =	simm.s32 $0x0;
	s28 =	sadd.s32 s5, s8;
	[dreg:$0xb] =	wrdreg s10  }
0xd: {  	v3 =	vor.u32 $0x1, v2;
	v4 =	vor.u32 $0x2, v2;
	v5 =	vor.u32 $0x3, v2;
	s26 =	sor.u32 $0x8, s8;
	s30 =	sadd.s32 s7, s8;
	[dreg:$0xc] =	wrdreg s28  }
0xe: {  	s25 =	sshrl.u32 s9, $0x1;
	v6 =	vor.u32 $0x4, v2;
	v7 =	vor.u32 $0x5, v2;
	v8 =	vor.u32 $0x6, v2;
	s0 =	sadd.s32 s0, s26;
	[dreg:$0xf] =	wrdreg s30  }
0xf: {  	v9 =	vor.u32 $0x7, v2;
	v10 =	vor.u32 $0x8, v2;
	v11 =	vor.u32 $0x9, v2;
	s9 =	ssub.s32 s9, s25;
	s29 =	sadd.s32 s5, s26;
	[dreg:$0xd] =	wrdreg s0  }
0x10: {  	s6 =	sadd.s32 $0x3200, s3;
	v12 =	vor.u32 $0xA, v2;
	v13 =	vor.u32 $0xB, v2;
	v14 =	vor.u32 $0xC, v2;
	s31 =	smax.u32 s9, $0x1;
	[dreg:$0xe] =	wrdreg s29  }
0x11: {  	v15 =	vor.u32 $0xD, v2;
	v16 =	vor.u32 $0xE, v2;
	v32 =	vor.u32 $0xF, v2;
	[tilespmem:$0x1FFF0] =	vst v2;
	s5 =	simm.s32 $0x8A80;
	[dreg:$0x10] =	wrdreg s31;
	s0 =	simm.s32 $0x5  }
.LBB2_1:
0x12: {  	s7 =	rddreg [dreg:$0xb]  }
0x13: {  	[tilespmem:s4], [sflag:$0x1] =	stream.linear.gather [hbm4b:s7+s4], $0x40, $0x38;
	[tilespmem:$0x9280] =	vst v63  }
0x14: {  	s31 =	rddreg [dreg:$0xc];
	s8 =	simm.s32 $0x200;
	s9 =	simm.s32 $0x1  }
0x15: {  	[tilespmem:s8], [sflag:$0x3] =	stream.linear.gather [hbm4b:s31+s4], $0x40, $0x38;
	[tilespmem:$0x9280] =	vst v63  }
0x16: {  	_ =	swait.ge [sflag:s9], $0x40  }
0x17: {  	[sflag:s9] =	ssyncset.done $0x0  }
0x18: {  	s10 =	simm.s32 $0x3;
	[sflag:s9] =	ssyncadd.s32 $0xFFFFFFC0  }
0x19: {  	_ =	swait.ge [sflag:s10], $0x40  }
0x1a: {  	[sflag:s10] =	ssyncset.done $0x0  }
0x1b: {  	s11 =	simm.s32 $0xA80;
	[sflag:s10] =	ssyncadd.s32 $0xFFFFFFC0  }
0x1c: {  	[tilespmem:s11], [sflag:$0x1] =	stream.indirect.gather [hbm4b:s1+s17], $0x80, s4, s17, $0xb8;
	[tilespmem:$0x9280] =	vst v63  }
0x1d: {  	s12 =	simm.s32 $0x4A80  }
0x1e: {  	[tilespmem:s12], [sflag:$0x3] =	stream.indirect.gather [hbm4b:s2+s17], $0x80, s8, s17, $0xb8;
	[tilespmem:$0x9280] =	vst v63  }
0x1f: {  	s13 =	rddreg [dreg:$0xd]  }
0x20: {  	[tilespmem:s17], [sflag:$0x2] =	stream.linear.gather [hbm4b:s13+s4], $0x1C0, $0x38;
	[tilespmem:$0x9280] =	vst v63  }
0x21: {  	s9 =	simm.s32 $0x240;
	s14 =	rddreg [dreg:$0xe]  }
0x22: {  	[tilespmem:s9], [sflag:$0x4] =	stream.linear.gather [hbm4b:s14+s4], $0x1C0, $0x38;
	[tilespmem:$0x9280] =	vst v63  }
0x23: {  	s15 =	rddreg [dreg:$0xa];
	s10 =	simm.s32 $0x800  }
0x24: {  	[tilespmem:s10], [sflag:$0x6] =	stream.linear.gather [hbm4b:s15+s4], $0x80, $0x38;
	[tilespmem:$0x9280] =	vst v63  }
0x25: {  	_ =	swait.ge [sflag:s22], $0x80  }
0x26: {  	[sflag:s22] =	ssyncset.done $0x0  }
0x27: {  	s16 =	simm.s32 $0x2;
	[sflag:s22] =	ssyncadd.s32 $0xFFFFFF80  }
0x28: {  	_ =	swait.ge [sflag:s16], $0x1C0  }
0x29: {  	[sflag:s16] =	ssyncset.done $0x0  }
0x2a: {  	[sflag:s16] =	ssyncadd.s32 $0xFFFFFE40  }
0x2b: {  	_ =	swait.ge [sflag:s24], $0x1C0  }
0x2c: {  	[sflag:s24] =	ssyncset.done $0x0  }
0x2d: {  	s18 =	simm.s32 $0x400;
	[sflag:s24] =	ssyncadd.s32 $0xFFFFFE40  }
0x2e: {  	[tilespmem:s18], [sflag:$0x5] =	stream.indirect.gather [hbm4b:s3+s17], $0x1, s4, s17, $0xb8;
	[tilespmem:$0x9280] =	vst v63  }
0x2f: {  	s20 =	simm.s32 $0x600  }
0x30: {  	[tilespmem:s20], [sflag:$0x5] =	stream.indirect.gather [hbm4b:s6+s17], $0x1, s8, s17, $0xb8;
	[tilespmem:$0x9280] =	vst v63  }
0x31: {  	s21 =	simm.s32 $0x440  }
0x32: {  	[tilespmem:s21], [sflag:$0x5] =	stream.indirect.gather [hbm4b:s3+s17], $0x1, s17, s17, $0xb8;
	[tilespmem:$0x9280] =	vst v63  }
0x33: {  	s23 =	simm.s32 $0x640  }
0x34: {  	[tilespmem:s23], [sflag:$0x5] =	stream.indirect.gather [hbm4b:s6+s17], $0x1, s9, s17, $0xb8;
	[tilespmem:$0x9280] =	vst v63  }
0x35: {  	s25 =	simm.s32 $0x80;
	s26 =	simm.s32 $0x480  }
0x36: {  	[tilespmem:s26], [sflag:$0x5] =	stream.indirect.gather [hbm4b:s3+s17], $0x1, s25, s17, $0xb8;
	[tilespmem:$0x9280] =	vst v63  }
0x37: {  	s28 =	simm.s32 $0x280;
	s29 =	simm.s32 $0x680  }
0x38: {  	[tilespmem:s29], [sflag:$0x5] =	stream.indirect.gather [hbm4b:s6+s17], $0x1, s28, s17, $0xb8;
	[tilespmem:$0x9280] =	vst v63  }
0x39: {  	s30 =	simm.s32 $0xC0;
	s31 =	simm.s32 $0x4C0  }
0x3a: {  	[tilespmem:s31], [sflag:$0x5] =	stream.indirect.gather [hbm4b:s3+s17], $0x1, s30, s17, $0xb8;
	[tilespmem:$0x9280] =	vst v63  }
0x3b: {  	s10 =	simm.s32 $0x6C0;
	s9 =	simm.s32 $0x2C0  }
0x3c: {  	[tilespmem:s10], [sflag:$0x5] =	stream.indirect.gather [hbm4b:s6+s17], $0x1, s9, s17, $0xb8;
	[tilespmem:$0x9280] =	vst v63  }
0x3d: {  	s11 =	simm.s32 $0x100;
	s12 =	simm.s32 $0x500  }
0x3e: {  	[tilespmem:s12], [sflag:$0x5] =	stream.indirect.gather [hbm4b:s3+s17], $0x1, s11, s17, $0xb8;
	[tilespmem:$0x9280] =	vst v63  }
0x3f: {  	s13 =	simm.s32 $0x300;
	s14 =	simm.s32 $0x700  }
0x40: {  	[tilespmem:s14], [sflag:$0x5] =	stream.indirect.gather [hbm4b:s6+s17], $0x1, s13, s17, $0xb8;
	[tilespmem:$0x9280] =	vst v63  }
0x41: {  	s15 =	simm.s32 $0x140;
	s16 =	simm.s32 $0x540  }
0x42: {  	[tilespmem:s16], [sflag:$0x5] =	stream.indirect.gather [hbm4b:s3+s17], $0x1, s15, s17, $0xb8;
	[tilespmem:$0x9280] =	vst v63  }
0x43: {  	s18 =	simm.s32 $0x340;
	s20 =	simm.s32 $0x740  }
0x44: {  	[tilespmem:s20], [sflag:$0x5] =	stream.indirect.gather [hbm4b:s6+s17], $0x1, s18, s17, $0xb8;
	[tilespmem:$0x9280] =	vst v63  }
0x45: {  	s21 =	simm.s32 $0x180;
	s23 =	simm.s32 $0x580  }
0x46: {  	[tilespmem:s23], [sflag:$0x5] =	stream.indirect.gather [hbm4b:s3+s17], $0x1, s21, s17, $0xb8;
	[tilespmem:$0x9280] =	vst v63  }
0x47: {  	s25 =	simm.s32 $0x380;
	s26 =	simm.s32 $0x780  }
0x48: {  	[tilespmem:s26], [sflag:$0x5] =	stream.indirect.gather [hbm4b:s6+s17], $0x1, s25, s17, $0xb8;
	[tilespmem:$0x9280] =	vst v63  }
0x49: {  	s28 =	simm.s32 $0x1C0;
	s29 =	simm.s32 $0x5C0  }
0x4a: {  	[tilespmem:s29], [sflag:$0x5] =	stream.indirect.gather [hbm4b:s3+s17], $0x1, s28, s17, $0xb8;
	[tilespmem:$0x9280] =	vst v63  }
0x4b: {  	s30 =	simm.s32 $0x3C0;
	s31 =	simm.s32 $0x7C0  }
0x4c: {  	[tilespmem:s31], [sflag:$0x5] =	stream.indirect.gather [hbm4b:s6+s17], $0x1, s30, s17, $0xb8;
	[tilespmem:$0x9280] =	vst v63  }
0x4d: {  	_ =	swait.ge [sflag:s0], $0x40  }
0x4e: {  	[sflag:s0] =	ssyncset.done $0x0  }
0x4f: {  	[sflag:s0] =	ssyncadd.s32 $0xFFFFFFC0  }
0x50: {  	_ =	swait.ge [sflag:s0], $0x40  }
0x51: {  	[sflag:s0] =	ssyncset.done $0x0  }
0x52: {  	[sflag:s0] =	ssyncadd.s32 $0xFFFFFFC0  }
0x53: {  	_ =	swait.ge [sflag:s0], $0x40  }
0x54: {  	[sflag:s0] =	ssyncset.done $0x0  }
0x55: {  	[sflag:s0] =	ssyncadd.s32 $0xFFFFFFC0  }
0x56: {  	_ =	swait.ge [sflag:s0], $0x40  }
0x57: {  	[sflag:s0] =	ssyncset.done $0x0  }
0x58: {  	[sflag:s0] =	ssyncadd.s32 $0xFFFFFFC0  }
0x59: {  	_ =	swait.ge [sflag:s0], $0x40  }
0x5a: {  	[sflag:s0] =	ssyncset.done $0x0  }
0x5b: {  	[sflag:s0] =	ssyncadd.s32 $0xFFFFFFC0  }
0x5c: {  	_ =	swait.ge [sflag:s0], $0x40  }
0x5d: {  	[sflag:s0] =	ssyncset.done $0x0  }
0x5e: {  	[sflag:s0] =	ssyncadd.s32 $0xFFFFFFC0  }
0x5f: {  	_ =	swait.ge [sflag:s0], $0x40  }
0x60: {  	[sflag:s0] =	ssyncset.done $0x0  }
0x61: {  	[sflag:s0] =	ssyncadd.s32 $0xFFFFFFC0  }
0x62: {  	_ =	swait.ge [sflag:s0], $0x40  }
0x63: {  	[sflag:s0] =	ssyncset.done $0x0  }
0x64: {  	[sflag:s0] =	ssyncadd.s32 $0xFFFFFFC0  }
0x65: {  	_ =	swait.ge [sflag:s0], $0x40  }
0x66: {  	[sflag:s0] =	ssyncset.done $0x0  }
0x67: {  	[sflag:s0] =	ssyncadd.s32 $0xFFFFFFC0  }
0x68: {  	_ =	swait.ge [sflag:s0], $0x40  }
0x69: {  	[sflag:s0] =	ssyncset.done $0x0  }
0x6a: {  	[sflag:s0] =	ssyncadd.s32 $0xFFFFFFC0  }
0x6b: {  	_ =	swait.ge [sflag:s0], $0x40  }
0x6c: {  	[sflag:s0] =	ssyncset.done $0x0  }
0x6d: {  	[sflag:s0] =	ssyncadd.s32 $0xFFFFFFC0  }
0x6e: {  	_ =	swait.ge [sflag:s0], $0x40  }
0x6f: {  	[sflag:s0] =	ssyncset.done $0x0  }
0x70: {  	[sflag:s0] =	ssyncadd.s32 $0xFFFFFFC0  }
0x71: {  	_ =	swait.ge [sflag:s0], $0x40  }
0x72: {  	[sflag:s0] =	ssyncset.done $0x0  }
0x73: {  	[sflag:s0] =	ssyncadd.s32 $0xFFFFFFC0  }
0x74: {  	_ =	swait.ge [sflag:s0], $0x40  }
0x75: {  	[sflag:s0] =	ssyncset.done $0x0  }
0x76: {  	[sflag:s0] =	ssyncadd.s32 $0xFFFFFFC0  }
0x77: {  	_ =	swait.ge [sflag:s0], $0x40  }
0x78: {  	[sflag:s0] =	ssyncset.done $0x0  }
0x79: {  	[sflag:s0] =	ssyncadd.s32 $0xFFFFFFC0  }
0x7a: {  	_ =	swait.ge [sflag:s0], $0x40  }
0x7b: {  	[sflag:s0] =	ssyncset.done $0x0  }
0x7c: {  	[sflag:s0] =	ssyncadd.s32 $0xFFFFFFC0  }
0x7d: {  	v1 =	vld [tilespmem:$0x800];
	_ =	sdelay $0x4  }
0x7e: {  	s21 =	simm.s32 $0x0;
	[tilespmem:$0x1FFE0] =	vst v1  }
.LBB2_3:
0x7f: {  	s10 =	smov.u32 s21  }
0x80: {  	s21 =	sadd.s32 $0x1, s21;
	p0 =	seq.s32 s10, $0x7  }
0x81: {  	s8 =	sand.u32 $0x1, s10;
	s23 =	sshll.u32 s10, $0x6;
	s7 =	sand.u32 @!p0 $0x1, s21  }
0x82: {  	s9 =	sshll.u32 @!p0 s21, $0x6;
	s14 =	simm.s32 @!p0 $0x40;
	s15 =	sadd.s32 $0x1, s8  }
0x83: {  	s16 =	sadd.s32 $0x3, s8;
	s25 =	sshll.u32 s8, $0xD;
	s11 =	sshll.u32 @!p0 s7, $0xD  }
0x84: {  	s13 =	sadd.s32 @!p0 $0x1, s7;
	s7 =	sadd.s32 @!p0 $0x3, s7;
	s8 =	sor.u32 $0x80, s25  }
0x85: {  	s18 =	sor.u32 $0x100, s25;
	s20 =	sor.u32 $0x180, s25;
	s12 =	sor.u32 @!p0 $0xA80, s11  }
0x86: {  	[tilespmem:s12], [sflag:s13] =	stream.indirect.gather @!p0 [hbm4b:s1+s14], $0x80, s9, s14, $0xb8;
	[tilespmem:$0x9280] =	vst v63  }
0x87: {  	s26 =	sor.u32 $0x200, s25;
	s11 =	sor.u32 @!p0 $0x4A80, s11;
	s9 =	sadd.s32 @!p0 $0x200, s9  }
0x88: {  	[tilespmem:s11], [sflag:s7] =	stream.indirect.gather @!p0 [hbm4b:s2+s14], $0x80, s9, s14, $0xb8;
	[tilespmem:$0x9280] =	vst v63  }
0x89: {  	s28 =	sor.u32 $0x280, s25;
	s29 =	sor.u32 $0x300, s25;
	_ =	swait.ge [sflag:s15], $0x2000  }
0x8a: {  	s30 =	sor.u32 $0x380, s25;
	s31 =	sor.u32 $0x400, s25;
	[sflag:s15] =	ssyncset.done $0x0  }
0x8b: {  	s10 =	sor.u32 $0x700, s25;
	s12 =	simm.s32 $0x0;
	[sflag:s15] =	ssyncadd.s32 $0xFFFFE000  }
0x8c: {  	s7 =	sor.u32 $0x500, s25;
	_ =	swait.ge [sflag:s16], $0x2000;
	[dreg:$0x7] =	wrdreg s8  }
0x8d: {  	s9 =	sor.u32 $0x680, s25;
	s11 =	sor.u32 $0x780, s25;
	[dreg:$0x8] =	wrdreg s18  }
0x8e: {  	[dreg:$0x9] =	wrdreg s20;
	s18 =	sor.u32 $0x480, s25;
	[sflag:s16] =	ssyncset.done $0x0  }
0x8f: {  	v17 =	vmov s23;
	s8 =	sor.u32 $0x580, s25;
	s20 =	sor.u32 $0x600, s25;
	[sflag:s16] =	ssyncadd.s32 $0xFFFFE000  }
.LBB2_4:
0x90: {  	s13 =	sshll.u32 s12, $0xB  }
0x91: {  	s23 =	sor.u32 s25, s13  }
0x92: {  	s14 =	rddreg [dreg:$0x7];
	v18 =	vld [tilespmem:s23+$0xA80]  }
0x93: {  	s16 =	sor.u32 s14, s13;
	v19 =	vld [tilespmem:s23+$0x4A80]  }
0x94: {  	s15 =	rddreg [dreg:$0x8];
	v20 =	vld [tilespmem:s16+$0xA80]  }
0x95: {  	s15 =	sor.u32 s15, s13;
	v21 =	vld [tilespmem:s16+$0x4A80]  }
0x96: {  	v22 =	vld [tilespmem:s15+$0xA80]  }
0x97: {  	v23 =	vld [tilespmem:s15+$0x4A80]  }
0x98: {  	v26 =	vld [tilespmem:s23+$0xA90]  }
0x99: {  	v27 =	vld [tilespmem:s23+$0x4A90]  }
0x9a: {  	v28 =	vld [tilespmem:s16+$0xA90]  }
0x9b: {  	v29 =	vld [tilespmem:s16+$0x4A90]  }
0x9c: {  	v30 =	vld [tilespmem:s15+$0xA90]  }
0x9d: {  	v31 =	vld [tilespmem:s15+$0x4A90]  }
0x9e: {  	v34 =	vld [tilespmem:s23+$0xAA0]  }
0x9f: {  	v35 =	vld [tilespmem:s23+$0x4AA0]  }
0xa0: {  	v36 =	vld [tilespmem:s16+$0xAA0]  }
0xa1: {  	v37 =	vld [tilespmem:s16+$0x4AA0]  }
0xa2: {  	v38 =	vld [tilespmem:s15+$0xAA0]  }
0xa3: {  	v39 =	vld [tilespmem:s15+$0x4AA0]  }
0xa4: {  	v42 =	vld [tilespmem:s23+$0xAB0]  }
0xa5: {  	v43 =	vld [tilespmem:s23+$0x4AB0]  }
0xa6: {  	v44 =	vld [tilespmem:s16+$0xAB0]  }
0xa7: {  	v45 =	vld [tilespmem:s16+$0x4AB0]  }
0xa8: {  	v46 =	vld [tilespmem:s15+$0xAB0]  }
0xa9: {  	v47 =	vld [tilespmem:s15+$0x4AB0]  }
0xaa: {  	v50 =	vld [tilespmem:s23+$0xAC0]  }
0xab: {  	v51 =	vld [tilespmem:s23+$0x4AC0]  }
0xac: {  	v52 =	vld [tilespmem:s16+$0xAC0]  }
0xad: {  	v53 =	vld [tilespmem:s16+$0x4AC0]  }
0xae: {  	v54 =	vld [tilespmem:s15+$0xAC0]  }
0xaf: {  	v55 =	vld [tilespmem:s15+$0x4AC0]  }
0xb0: {  	v58 =	vld [tilespmem:s23+$0xAD0]  }
0xb1: {  	v59 =	vld [tilespmem:s23+$0x4AD0]  }
0xb2: {  	v60 =	vld [tilespmem:s16+$0xAD0]  }
0xb3: {  	v61 =	vld [tilespmem:s16+$0x4AD0]  }
0xb4: {  	s14 =	rddreg [dreg:$0x9];
	v62 =	vld [tilespmem:s15+$0xAD0]  }
0xb5: {  	s14 =	sor.u32 s14, s13;
	v63 =	vld [tilespmem:s15+$0x4AD0]  }
0xb6: {  	v24 =	vld [tilespmem:s14+$0xA80]  }
0xb7: {  	v25 =	vld [tilespmem:s14+$0x4A80]  }
0xb8: {  	v2 =	vmov v32;
	v32 =	vld [tilespmem:s14+$0xA90]  }
0xb9: {  	v33 =	vld [tilespmem:s14+$0x4A90]  }
0xba: {  	v40 =	vld [tilespmem:s14+$0xAA0]  }
0xbb: {  	v41 =	vld [tilespmem:s14+$0x4AA0]  }
0xbc: {  	v48 =	vld [tilespmem:s14+$0xAB0]  }
0xbd: {  	v49 =	vld [tilespmem:s14+$0x4AB0]  }
0xbe: {  	v56 =	vld [tilespmem:s14+$0xAC0]  }
0xbf: {  	v57 =	vld [tilespmem:s14+$0x4AC0]  }
0xc0: {  	v0 =	vld [tilespmem:s14+$0xAD0]  }
0xc1: {  	v1 =	vld [tilespmem:s14+$0x4AD0];
	v18 =	vmul.f32 v19, v18;
	v20 =	vmul.f32 v21, v20  }
0xc2: {  	v19 =	vld [tilespmem:s23+$0xAE0];
	v21 =	vmul.f32 v23, v22;
	v23 =	vmul.f32 v27, v26  }
0xc3: {  	v22 =	vld [tilespmem:s23+$0x4AE0];
	v26 =	vmul.f32 v29, v28;
	v37 =	vmul.f32 v37, v36  }
0xc4: {  	v27 =	vld [tilespmem:s16+$0xAE0];
	v38 =	vmul.f32 v39, v38;
	v24 =	vmul.f32 v25, v24  }
0xc5: {  	v28 =	vld [tilespmem:s16+$0x4AE0];
	v25 =	vmul.f32 v31, v30;
	v33 =	vmul.f32 v33, v32  }
0xc6: {  	v30 =	vld [tilespmem:s15+$0x4AE0];
	v39 =	vmul.f32 v41, v40;
	v41 =	vmul.f32 v43, v42  }
0xc7: {  	v40 =	vld [tilespmem:s14+$0xAE0];
	v43 =	vmul.f32 v45, v44;
	v45 =	vmul.f32 v47, v46  }
0xc8: {  	v42 =	vld [tilespmem:s14+$0x4AE0];
	v46 =	vmul.f32 v49, v48;
	v48 =	vmul.f32 v51, v50  }
0xc9: {  	v44 =	vld [tilespmem:s23+$0xAF0];
	v49 =	vmul.f32 v53, v52;
	v51 =	vmul.f32 v55, v54;
	v20 =	vadd.f32 v26, v20  }
0xca: {  	v47 =	vld [tilespmem:s23+$0x4AF0];
	v18 =	vadd.f32 v23, v18;
	v21 =	vadd.f32 v25, v21;
	v25 =	vmul.f32 v35, v34  }
0xcb: {  	v50 =	vld [tilespmem:s16+$0xAF0];
	v53 =	vmul.f32 v57, v56;
	v23 =	vadd.f32 v33, v24;
	v20 =	vadd.f32 v37, v20  }
0xcc: {  	v52 =	vld [tilespmem:s16+$0x4AF0];
	v55 =	vmul.f32 v59, v58;
	v56 =	vmul.f32 v61, v60;
	v18 =	vadd.f32 v25, v18  }
0xcd: {  	v54 =	vld [tilespmem:s15+$0xAF0];
	v58 =	vmul.f32 v63, v62;
	v23 =	vadd.f32 v39, v23;
	v20 =	vadd.f32 v43, v20  }
0xce: {  	v0 =	vmul.f32 v1, v0;
	v1 =	vld [tilespmem:s14+$0xAF0];
	v21 =	vadd.f32 v38, v21;
	v18 =	vadd.f32 v41, v18  }
0xcf: {  	v26 =	vld [tilespmem:s15+$0xAE0];
	v19 =	vmul.f32 v22, v19;
	v23 =	vadd.f32 v46, v23;
	v20 =	vadd.f32 v49, v20  }
0xd0: {  	v59 =	vld [tilespmem:s14+$0x4AF0];
	v60 =	vmul.f32 v28, v27;
	v21 =	vadd.f32 v45, v21;
	v18 =	vadd.f32 v48, v18  }
0xd1: {  	v57 =	vld [tilespmem:s15+$0x4AF0];
	v61 =	vmul.f32 v47, v44;
	v23 =	vadd.f32 v53, v23;
	v20 =	vadd.f32 v56, v20  }
0xd2: {  	v62 =	vmul.f32 v42, v40;
	v21 =	vadd.f32 v51, v21;
	v18 =	vadd.f32 v55, v18  }
0xd3: {  	v63 =	vmul.f32 v52, v50;
	v0 =	vadd.f32 v0, v23;
	v20 =	vadd.f32 v60, v20  }
0xd4: {  	v21 =	vadd.f32 v58, v21;
	v18 =	vadd.f32 v19, v18;
	v19 =	vmul.f32 v30, v26  }
0xd5: {  	v1 =	vmul.f32 v59, v1;
	v0 =	vadd.f32 v62, v0;
	v20 =	vadd.f32 v63, v20  }
0xd6: {  	v28 =	vmul.f32 v57, v54;
	v19 =	vadd.f32 v19, v21;
	v18 =	vadd.f32 v61, v18  }
0xd7: {  	v0 =	vadd.f32 v1, v0;
	[tilespmem:$0x8B00] =	vst v20  }
0xd8: {  	v19 =	vadd.f32 v28, v19;
	[tilespmem:$0x8A80] =	vst v18  }
0xd9: {  	[tilespmem:$0x8C00] =	vst v0  }
0xda: {  	s23 =	sor.u32 s26, s13;
	[tilespmem:$0x8B80] =	vst v19  }
0xdb: {  	v0 =	vld [tilespmem:s23+$0xA80]  }
0xdc: {  	s16 =	sor.u32 s28, s13;
	v1 =	vld [tilespmem:s23+$0x4A80]  }
0xdd: {  	v18 =	vld [tilespmem:s16+$0xA80]  }
0xde: {  	s15 =	sor.u32 s29, s13;
	v19 =	vld [tilespmem:s16+$0x4A80]  }
0xdf: {  	v20 =	vld [tilespmem:s15+$0xA80]  }
0xe0: {  	s14 =	sor.u32 s30, s13;
	v21 =	vld [tilespmem:s15+$0x4A80]  }
0xe1: {  	v22 =	vld [tilespmem:s14+$0xA80]  }
0xe2: {  	v23 =	vld [tilespmem:s14+$0x4A80]  }
0xe3: {  	v24 =	vld [tilespmem:s23+$0xA90]  }
0xe4: {  	v25 =	vld [tilespmem:s23+$0x4A90]  }
0xe5: {  	v26 =	vld [tilespmem:s16+$0xA90]  }
0xe6: {  	v27 =	vld [tilespmem:s16+$0x4A90]  }
0xe7: {  	v28 =	vld [tilespmem:s15+$0xA90]  }
0xe8: {  	v29 =	vld [tilespmem:s15+$0x4A90]  }
0xe9: {  	v30 =	vld [tilespmem:s14+$0xA90]  }
0xea: {  	v31 =	vld [tilespmem:s14+$0x4A90]  }
0xeb: {  	v32 =	vld [tilespmem:s23+$0xAA0]  }
0xec: {  	v33 =	vld [tilespmem:s23+$0x4AA0]  }
0xed: {  	v34 =	vld [tilespmem:s16+$0xAA0]  }
0xee: {  	v35 =	vld [tilespmem:s16+$0x4AA0]  }
0xef: {  	v36 =	vld [tilespmem:s15+$0xAA0]  }
0xf0: {  	v37 =	vld [tilespmem:s15+$0x4AA0]  }
0xf1: {  	v38 =	vld [tilespmem:s14+$0xAA0]  }
0xf2: {  	v39 =	vld [tilespmem:s14+$0x4AA0]  }
0xf3: {  	v40 =	vld [tilespmem:s23+$0xAB0]  }
0xf4: {  	v41 =	vld [tilespmem:s23+$0x4AB0]  }
0xf5: {  	v42 =	vld [tilespmem:s16+$0xAB0]  }
0xf6: {  	v43 =	vld [tilespmem:s16+$0x4AB0]  }
0xf7: {  	v44 =	vld [tilespmem:s15+$0xAB0]  }
0xf8: {  	v45 =	vld [tilespmem:s15+$0x4AB0]  }
0xf9: {  	v46 =	vld [tilespmem:s14+$0xAB0]  }
0xfa: {  	v47 =	vld [tilespmem:s14+$0x4AB0]  }
0xfb: {  	v48 =	vld [tilespmem:s23+$0xAC0]  }
0xfc: {  	v49 =	vld [tilespmem:s23+$0x4AC0]  }
0xfd: {  	v50 =	vld [tilespmem:s16+$0xAC0]  }
0xfe: {  	v51 =	vld [tilespmem:s16+$0x4AC0]  }
0xff: {  	v52 =	vld [tilespmem:s15+$0xAC0]  }
0x100: {  	v53 =	vld [tilespmem:s15+$0x4AC0]  }
0x101: {  	v54 =	vld [tilespmem:s14+$0xAC0]  }
0x102: {  	v55 =	vld [tilespmem:s14+$0x4AC0]  }
0x103: {  	v56 =	vld [tilespmem:s23+$0xAD0]  }
0x104: {  	v57 =	vld [tilespmem:s23+$0x4AD0]  }
0x105: {  	v58 =	vld [tilespmem:s16+$0xAD0]  }
0x106: {  	v59 =	vld [tilespmem:s16+$0x4AD0]  }
0x107: {  	v60 =	vld [tilespmem:s15+$0xAD0]  }
0x108: {  	v61 =	vld [tilespmem:s15+$0x4AD0]  }
0x109: {  	v62 =	vld [tilespmem:s14+$0xAD0]  }
0x10a: {  	v63 =	vld [tilespmem:s14+$0x4AD0];
	v0 =	vmul.f32 v1, v0;
	v18 =	vmul.f32 v19, v18  }
0x10b: {  	v1 =	vld [tilespmem:s23+$0xAE0];
	v19 =	vmul.f32 v21, v20;
	v21 =	vmul.f32 v25, v24  }
0x10c: {  	v20 =	vld [tilespmem:s23+$0x4AE0];
	v24 =	vmul.f32 v27, v26;
	v22 =	vmul.f32 v23, v22  }
0x10d: {  	v25 =	vld [tilespmem:s16+$0xAE0];
	v29 =	vmul.f32 v29, v28;
	v33 =	vmul.f32 v33, v32  }
0x10e: {  	v26 =	vld [tilespmem:s16+$0x4AE0];
	v35 =	vmul.f32 v35, v34;
	v37 =	vmul.f32 v37, v36  }
0x10f: {  	v28 =	vld [tilespmem:s15+$0x4AE0];
	v39 =	vmul.f32 v39, v38;
	v40 =	vmul.f32 v41, v40  }
0x110: {  	v41 =	vld [tilespmem:s14+$0x4AE0];
	v42 =	vmul.f32 v43, v42;
	v44 =	vmul.f32 v45, v44  }
0x111: {  	v43 =	vld [tilespmem:s23+$0xAF0];
	v45 =	vmul.f32 v47, v46;
	v47 =	vmul.f32 v49, v48  }
0x112: {  	v46 =	vld [tilespmem:s23+$0x4AF0];
	v48 =	vmul.f32 v51, v50;
	v50 =	vmul.f32 v53, v52;
	v0 =	vadd.f32 v21, v0  }
0x113: {  	v49 =	vld [tilespmem:s16+$0xAF0];
	v52 =	vmul.f32 v55, v54;
	v18 =	vadd.f32 v24, v18;
	v21 =	vmul.f32 v31, v30  }
0x114: {  	v51 =	vld [tilespmem:s16+$0x4AF0];
	v54 =	vmul.f32 v57, v56;
	v19 =	vadd.f32 v29, v19;
	v0 =	vadd.f32 v33, v0  }
0x115: {  	v53 =	vld [tilespmem:s15+$0xAF0];
	v55 =	vmul.f32 v59, v58;
	v21 =	vadd.f32 v21, v22;
	v18 =	vadd.f32 v35, v18  }
0x116: {  	v57 =	vmul.f32 v61, v60;
	v30 =	vld [tilespmem:s14+$0xAE0];
	v19 =	vadd.f32 v37, v19;
	v0 =	vadd.f32 v40, v0  }
0x117: {  	v58 =	vmul.f32 v63, v62;
	v24 =	vld [tilespmem:s15+$0xAE0];
	v21 =	vadd.f32 v39, v21;
	v18 =	vadd.f32 v42, v18  }
0x118: {  	v56 =	vld [tilespmem:s15+$0x4AF0];
	v1 =	vmul.f32 v20, v1;
	v19 =	vadd.f32 v44, v19;
	v0 =	vadd.f32 v47, v0  }
0x119: {  	v59 =	vld [tilespmem:s14+$0xAF0];
	v61 =	vmul.f32 v26, v25;
	v21 =	vadd.f32 v45, v21;
	v18 =	vadd.f32 v48, v18  }
0x11a: {  	v60 =	vld [tilespmem:s14+$0x4AF0];
	v62 =	vmul.f32 v46, v43;
	v19 =	vadd.f32 v50, v19;
	v0 =	vadd.f32 v54, v0  }
0x11b: {  	v63 =	vmul.f32 v41, v30;
	v21 =	vadd.f32 v52, v21;
	v18 =	vadd.f32 v55, v18  }
0x11c: {  	v19 =	vadd.f32 v57, v19;
	v0 =	vadd.f32 v1, v0;
	v1 =	vmul.f32 v28, v24  }
0x11d: {  	v21 =	vadd.f32 v58, v21;
	v18 =	vadd.f32 v61, v18;
	v28 =	vmul.f32 v51, v49  }
0x11e: {  	v1 =	vadd.f32 v1, v19;
	v0 =	vadd.f32 v62, v0;
	v19 =	vmul.f32 v56, v53  }
0x11f: {  	v20 =	vmul.f32 v60, v59;
	v21 =	vadd.f32 v63, v21;
	v18 =	vadd.f32 v28, v18  }
0x120: {  	v1 =	vadd.f32 v19, v1;
	[tilespmem:$0x8C80] =	vst v0  }
0x121: {  	v0 =	vadd.f32 v20, v21;
	[tilespmem:$0x8D00] =	vst v18  }
0x122: {  	[tilespmem:$0x8D80] =	vst v1  }
0x123: {  	s23 =	sor.u32 s31, s13;
	[tilespmem:$0x8E00] =	vst v0  }
0x124: {  	v0 =	vld [tilespmem:s23+$0xA80]  }
0x125: {  	s16 =	sor.u32 s18, s13;
	v1 =	vld [tilespmem:s23+$0x4A80]  }
0x126: {  	v18 =	vld [tilespmem:s16+$0xA80]  }
0x127: {  	s15 =	sor.u32 s7, s13;
	v19 =	vld [tilespmem:s16+$0x4A80]  }
0x128: {  	v20 =	vld [tilespmem:s15+$0xA80]  }
0x129: {  	s14 =	sor.u32 s8, s13;
	v21 =	vld [tilespmem:s15+$0x4A80]  }
0x12a: {  	v22 =	vld [tilespmem:s14+$0xA80]  }
0x12b: {  	v23 =	vld [tilespmem:s14+$0x4A80]  }
0x12c: {  	v24 =	vld [tilespmem:s23+$0xA90]  }
0x12d: {  	v25 =	vld [tilespmem:s23+$0x4A90]  }
0x12e: {  	v26 =	vld [tilespmem:s16+$0xA90]  }
0x12f: {  	v27 =	vld [tilespmem:s16+$0x4A90]  }
0x130: {  	v28 =	vld [tilespmem:s15+$0xA90]  }
0x131: {  	v29 =	vld [tilespmem:s15+$0x4A90]  }
0x132: {  	v30 =	vld [tilespmem:s14+$0xA90]  }
0x133: {  	v31 =	vld [tilespmem:s14+$0x4A90]  }
0x134: {  	v32 =	vld [tilespmem:s23+$0xAA0]  }
0x135: {  	v33 =	vld [tilespmem:s23+$0x4AA0]  }
0x136: {  	v34 =	vld [tilespmem:s16+$0xAA0]  }
0x137: {  	v35 =	vld [tilespmem:s16+$0x4AA0]  }
0x138: {  	v36 =	vld [tilespmem:s15+$0xAA0]  }
0x139: {  	v37 =	vld [tilespmem:s15+$0x4AA0]  }
0x13a: {  	v38 =	vld [tilespmem:s14+$0xAA0]  }
0x13b: {  	v39 =	vld [tilespmem:s14+$0x4AA0]  }
0x13c: {  	v40 =	vld [tilespmem:s23+$0xAB0]  }
0x13d: {  	v41 =	vld [tilespmem:s23+$0x4AB0]  }
0x13e: {  	v42 =	vld [tilespmem:s16+$0xAB0]  }
0x13f: {  	v43 =	vld [tilespmem:s16+$0x4AB0]  }
0x140: {  	v44 =	vld [tilespmem:s15+$0xAB0]  }
0x141: {  	v45 =	vld [tilespmem:s15+$0x4AB0]  }
0x142: {  	v46 =	vld [tilespmem:s14+$0xAB0]  }
0x143: {  	v47 =	vld [tilespmem:s14+$0x4AB0]  }
0x144: {  	v48 =	vld [tilespmem:s23+$0xAC0]  }
0x145: {  	v49 =	vld [tilespmem:s23+$0x4AC0]  }
0x146: {  	v50 =	vld [tilespmem:s16+$0xAC0]  }
0x147: {  	v51 =	vld [tilespmem:s16+$0x4AC0]  }
0x148: {  	v52 =	vld [tilespmem:s15+$0xAC0]  }
0x149: {  	v53 =	vld [tilespmem:s15+$0x4AC0]  }
0x14a: {  	v54 =	vld [tilespmem:s14+$0xAC0]  }
0x14b: {  	v55 =	vld [tilespmem:s14+$0x4AC0]  }
0x14c: {  	v56 =	vld [tilespmem:s23+$0xAD0]  }
0x14d: {  	v57 =	vld [tilespmem:s23+$0x4AD0]  }
0x14e: {  	v58 =	vld [tilespmem:s16+$0xAD0]  }
0x14f: {  	v59 =	vld [tilespmem:s16+$0x4AD0]  }
0x150: {  	v60 =	vld [tilespmem:s15+$0xAD0]  }
0x151: {  	v61 =	vld [tilespmem:s15+$0x4AD0]  }
0x152: {  	v62 =	vld [tilespmem:s14+$0xAD0]  }
0x153: {  	v63 =	vld [tilespmem:s14+$0x4AD0];
	v0 =	vmul.f32 v1, v0;
	v18 =	vmul.f32 v19, v18  }
0x154: {  	v1 =	vld [tilespmem:s23+$0xAE0];
	v19 =	vmul.f32 v21, v20;
	v21 =	vmul.f32 v25, v24  }
0x155: {  	v20 =	vld [tilespmem:s23+$0x4AE0];
	v24 =	vmul.f32 v27, v26;
	v22 =	vmul.f32 v23, v22  }
0x156: {  	v25 =	vld [tilespmem:s16+$0xAE0];
	v29 =	vmul.f32 v29, v28;
	v33 =	vmul.f32 v33, v32  }
0x157: {  	v26 =	vld [tilespmem:s16+$0x4AE0];
	v35 =	vmul.f32 v35, v34;
	v37 =	vmul.f32 v37, v36  }
0x158: {  	v28 =	vld [tilespmem:s15+$0x4AE0];
	v39 =	vmul.f32 v39, v38;
	v40 =	vmul.f32 v41, v40  }
0x159: {  	v41 =	vld [tilespmem:s14+$0x4AE0];
	v42 =	vmul.f32 v43, v42;
	v44 =	vmul.f32 v45, v44  }
0x15a: {  	v43 =	vld [tilespmem:s23+$0xAF0];
	v45 =	vmul.f32 v47, v46;
	v47 =	vmul.f32 v49, v48  }
0x15b: {  	v46 =	vld [tilespmem:s23+$0x4AF0];
	v48 =	vmul.f32 v51, v50;
	v50 =	vmul.f32 v53, v52;
	v0 =	vadd.f32 v21, v0  }
0x15c: {  	v49 =	vld [tilespmem:s16+$0xAF0];
	v52 =	vmul.f32 v55, v54;
	v18 =	vadd.f32 v24, v18;
	v21 =	vmul.f32 v31, v30  }
0x15d: {  	v51 =	vld [tilespmem:s16+$0x4AF0];
	v54 =	vmul.f32 v57, v56;
	v19 =	vadd.f32 v29, v19;
	v0 =	vadd.f32 v33, v0  }
0x15e: {  	v53 =	vld [tilespmem:s15+$0xAF0];
	v55 =	vmul.f32 v59, v58;
	v21 =	vadd.f32 v21, v22;
	v18 =	vadd.f32 v35, v18  }
0x15f: {  	v57 =	vmul.f32 v61, v60;
	v30 =	vld [tilespmem:s14+$0xAE0];
	v19 =	vadd.f32 v37, v19;
	v0 =	vadd.f32 v40, v0  }
0x160: {  	v58 =	vmul.f32 v63, v62;
	v24 =	vld [tilespmem:s15+$0xAE0];
	v21 =	vadd.f32 v39, v21;
	v18 =	vadd.f32 v42, v18  }
0x161: {  	v56 =	vld [tilespmem:s15+$0x4AF0];
	v1 =	vmul.f32 v20, v1;
	v19 =	vadd.f32 v44, v19;
	v0 =	vadd.f32 v47, v0  }
0x162: {  	v59 =	vld [tilespmem:s14+$0xAF0];
	v61 =	vmul.f32 v26, v25;
	v21 =	vadd.f32 v45, v21;
	v18 =	vadd.f32 v48, v18  }
0x163: {  	v60 =	vld [tilespmem:s14+$0x4AF0];
	v62 =	vmul.f32 v46, v43;
	v19 =	vadd.f32 v50, v19;
	v0 =	vadd.f32 v54, v0  }
0x164: {  	v63 =	vmul.f32 v41, v30;
	v21 =	vadd.f32 v52, v21;
	v18 =	vadd.f32 v55, v18  }
0x165: {  	v19 =	vadd.f32 v57, v19;
	v0 =	vadd.f32 v1, v0;
	v1 =	vmul.f32 v28, v24  }
0x166: {  	v21 =	vadd.f32 v58, v21;
	v18 =	vadd.f32 v61, v18;
	v28 =	vmul.f32 v51, v49  }
0x167: {  	v1 =	vadd.f32 v1, v19;
	v0 =	vadd.f32 v62, v0;
	v19 =	vmul.f32 v56, v53  }
0x168: {  	v20 =	vmul.f32 v60, v59;
	v21 =	vadd.f32 v63, v21;
	v18 =	vadd.f32 v28, v18  }
0x169: {  	v1 =	vadd.f32 v19, v1;
	[tilespmem:$0x8E80] =	vst v0  }
0x16a: {  	v0 =	vadd.f32 v20, v21;
	[tilespmem:$0x8F00] =	vst v18  }
0x16b: {  	[tilespmem:$0x8F80] =	vst v1  }
0x16c: {  	s15 =	sor.u32 s20, s13;
	[tilespmem:$0x9000] =	vst v0  }
0x16d: {  	v0 =	vld [tilespmem:s15+$0xA80]  }
0x16e: {  	s14 =	sor.u32 s9, s13;
	v1 =	vld [tilespmem:s15+$0x4A80]  }
0x16f: {  	v18 =	vld [tilespmem:s14+$0xA80]  }
0x170: {  	s23 =	sor.u32 s10, s13;
	v19 =	vld [tilespmem:s14+$0x4A80]  }
0x171: {  	v20 =	vld [tilespmem:s23+$0xA80]  }
0x172: {  	s13 =	sor.u32 s11, s13;
	v21 =	vld [tilespmem:s23+$0x4A80]  }
0x173: {  	v22 =	vld [tilespmem:s13+$0xA80]  }
0x174: {  	v23 =	vld [tilespmem:s13+$0x4A80]  }
0x175: {  	v24 =	vld [tilespmem:s15+$0xA90]  }
0x176: {  	v25 =	vld [tilespmem:s15+$0x4A90]  }
0x177: {  	v26 =	vld [tilespmem:s14+$0xA90]  }
0x178: {  	v27 =	vld [tilespmem:s14+$0x4A90]  }
0x179: {  	v28 =	vld [tilespmem:s23+$0xA90]  }
0x17a: {  	v29 =	vld [tilespmem:s23+$0x4A90]  }
0x17b: {  	v30 =	vld [tilespmem:s13+$0xA90]  }
0x17c: {  	v31 =	vld [tilespmem:s13+$0x4A90]  }
0x17d: {  	v32 =	vld [tilespmem:s15+$0xAA0]  }
0x17e: {  	v33 =	vld [tilespmem:s15+$0x4AA0]  }
0x17f: {  	v34 =	vld [tilespmem:s14+$0xAA0]  }
0x180: {  	v35 =	vld [tilespmem:s14+$0x4AA0]  }
0x181: {  	v36 =	vld [tilespmem:s23+$0xAA0]  }
0x182: {  	v37 =	vld [tilespmem:s23+$0x4AA0]  }
0x183: {  	v38 =	vld [tilespmem:s13+$0xAA0]  }
0x184: {  	v39 =	vld [tilespmem:s13+$0x4AA0]  }
0x185: {  	v40 =	vld [tilespmem:s15+$0xAB0]  }
0x186: {  	v41 =	vld [tilespmem:s15+$0x4AB0]  }
0x187: {  	v42 =	vld [tilespmem:s14+$0xAB0]  }
0x188: {  	v43 =	vld [tilespmem:s14+$0x4AB0]  }
0x189: {  	v44 =	vld [tilespmem:s23+$0xAB0]  }
0x18a: {  	v45 =	vld [tilespmem:s23+$0x4AB0]  }
0x18b: {  	v46 =	vld [tilespmem:s13+$0xAB0]  }
0x18c: {  	v47 =	vld [tilespmem:s13+$0x4AB0]  }
0x18d: {  	v48 =	vld [tilespmem:s15+$0xAC0]  }
0x18e: {  	v49 =	vld [tilespmem:s15+$0x4AC0]  }
0x18f: {  	v50 =	vld [tilespmem:s14+$0xAC0]  }
0x190: {  	v51 =	vld [tilespmem:s14+$0x4AC0]  }
0x191: {  	v52 =	vld [tilespmem:s23+$0xAC0]  }
0x192: {  	v53 =	vld [tilespmem:s23+$0x4AC0]  }
0x193: {  	v54 =	vld [tilespmem:s13+$0xAC0]  }
0x194: {  	v55 =	vld [tilespmem:s13+$0x4AC0]  }
0x195: {  	v56 =	vld [tilespmem:s15+$0xAD0]  }
0x196: {  	v57 =	vld [tilespmem:s15+$0x4AD0]  }
0x197: {  	v58 =	vld [tilespmem:s14+$0xAD0]  }
0x198: {  	v59 =	vld [tilespmem:s14+$0x4AD0]  }
0x199: {  	v60 =	vld [tilespmem:s23+$0xAD0]  }
0x19a: {  	v61 =	vld [tilespmem:s23+$0x4AD0]  }
0x19b: {  	v62 =	vld [tilespmem:s13+$0xAD0]  }
0x19c: {  	v63 =	vld [tilespmem:s13+$0x4AD0];
	v0 =	vmul.f32 v1, v0;
	v18 =	vmul.f32 v19, v18  }
0x19d: {  	v1 =	vld [tilespmem:s15+$0xAE0];
	v19 =	vmul.f32 v21, v20;
	v21 =	vmul.f32 v25, v24  }
0x19e: {  	v20 =	vld [tilespmem:s15+$0x4AE0];
	v24 =	vmul.f32 v27, v26;
	v22 =	vmul.f32 v23, v22  }
0x19f: {  	v25 =	vld [tilespmem:s14+$0xAE0];
	v29 =	vmul.f32 v29, v28;
	v33 =	vmul.f32 v33, v32  }
0x1a0: {  	v26 =	vld [tilespmem:s14+$0x4AE0];
	v35 =	vmul.f32 v35, v34;
	v37 =	vmul.f32 v37, v36  }
0x1a1: {  	v28 =	vld [tilespmem:s23+$0x4AE0];
	v39 =	vmul.f32 v39, v38;
	v41 =	vmul.f32 v41, v40  }
0x1a2: {  	v27 =	vld [tilespmem:s13+$0x4AE0];
	v43 =	vmul.f32 v43, v42;
	v45 =	vmul.f32 v45, v44  }
0x1a3: {  	v46 =	vmul.f32 v47, v46;
	v47 =	vld [tilespmem:s15+$0x4AF0];
	v49 =	vmul.f32 v49, v48  }
0x1a4: {  	v50 =	vmul.f32 v51, v50;
	v51 =	vld [tilespmem:s14+$0xAF0];
	v52 =	vmul.f32 v53, v52;
	v0 =	vadd.f32 v21, v0  }
0x1a5: {  	v53 =	vld [tilespmem:s14+$0x4AF0];
	v54 =	vmul.f32 v55, v54;
	v18 =	vadd.f32 v24, v18;
	v21 =	vmul.f32 v31, v30  }
0x1a6: {  	v55 =	vld [tilespmem:s23+$0xAF0];
	v57 =	vmul.f32 v57, v56;
	v19 =	vadd.f32 v29, v19;
	v0 =	vadd.f32 v33, v0  }
0x1a7: {  	v58 =	vmul.f32 v59, v58;
	v29 =	vld [tilespmem:s15+$0xAF0];
	v21 =	vadd.f32 v21, v22;
	v18 =	vadd.f32 v35, v18  }
0x1a8: {  	v61 =	vmul.f32 v61, v60;
	v30 =	vld [tilespmem:s13+$0xAE0];
	v19 =	vadd.f32 v37, v19;
	v0 =	vadd.f32 v41, v0  }
0x1a9: {  	v40 =	vmul.f32 v63, v62;
	v24 =	vld [tilespmem:s23+$0xAE0];
	v21 =	vadd.f32 v39, v21;
	v18 =	vadd.f32 v43, v18  }
0x1aa: {  	v59 =	vld [tilespmem:s23+$0x4AF0];
	v1 =	vmul.f32 v20, v1;
	v19 =	vadd.f32 v45, v19;
	v0 =	vadd.f32 v49, v0  }
0x1ab: {  	v42 =	vld [tilespmem:s13+$0x4AF0];
	v43 =	vmul.f32 v26, v25;
	v21 =	vadd.f32 v46, v21;
	v18 =	vadd.f32 v50, v18  }
0x1ac: {  	v41 =	vld [tilespmem:s13+$0xAF0];
	v44 =	vmul.f32 v47, v29;
	v19 =	vadd.f32 v52, v19;
	v0 =	vadd.f32 v57, v0  }
0x1ad: {  	v45 =	vmul.f32 v27, v30;
	v21 =	vadd.f32 v54, v21;
	v18 =	vadd.f32 v58, v18  }
0x1ae: {  	v32 =	vmovc v2;
	v2 =	vld [tilespmem:$0x1FFF0];
	v19 =	vadd.f32 v61, v19;
	v0 =	vadd.f32 v1, v0;
	v1 =	vmul.f32 v28, v24  }
0x1af: {  	v46 =	vmul.f32 v53, v51;
	v21 =	vadd.f32 v40, v21;
	v18 =	vadd.f32 v43, v18  }
0x1b0: {  	v1 =	vadd.f32 v1, v19;
	v0 =	vadd.f32 v44, v0;
	v19 =	vmul.f32 v59, v55  }
0x1b1: {  	v20 =	vmul.f32 v42, v41;
	v21 =	vadd.f32 v45, v21;
	v18 =	vadd.f32 v46, v18  }
0x1b2: {  	v1 =	vadd.f32 v19, v1;
	[tilespmem:$0x9080] =	vst v0  }
0x1b3: {  	v0 =	vadd.f32 v20, v21;
	[tilespmem:$0x9100] =	vst v18  }
0x1b4: {  	[tilespmem:$0x9180] =	vst v1  }
0x1b5: {  	[tilespmem:$0x9200] =	vst v0  }
0x1b6: {  	v0 =	vld.idx.msk [tilespmem:v2+s5+$0x0], $0xffff  }
0x1b7: {  	v1 =	vld.idx.msk [tilespmem:v3+s5+$0x0], $0xffff  }
0x1b8: {  	v18 =	vld.idx.msk [tilespmem:v4+s5+$0x0], $0xffff  }
0x1b9: {  	v19 =	vld.idx.msk [tilespmem:v5+s5+$0x0], $0xffff  }
0x1ba: {  	v47 =	vld.idx.msk [tilespmem:v6+s5+$0x0], $0xffff  }
0x1bb: {  	v48 =	vld.idx.msk [tilespmem:v7+s5+$0x0], $0xffff  }
0x1bc: {  	v49 =	vld.idx.msk [tilespmem:v8+s5+$0x0], $0xffff  }
0x1bd: {  	v50 =	vld.idx.msk [tilespmem:v9+s5+$0x0], $0xffff  }
0x1be: {  	v51 =	vld.idx.msk [tilespmem:v10+s5+$0x0], $0xffff  }
0x1bf: {  	v52 =	vld.idx.msk [tilespmem:v11+s5+$0x0], $0xffff  }
0x1c0: {  	v53 =	vld.idx.msk [tilespmem:v12+s5+$0x0], $0xffff  }
0x1c1: {  	v54 =	vld.idx.msk [tilespmem:v13+s5+$0x0], $0xffff  }
0x1c2: {  	v55 =	vld.idx.msk [tilespmem:v14+s5+$0x0], $0xffff  }
0x1c3: {  	v56 =	vld.idx.msk [tilespmem:v15+s5+$0x0], $0xffff  }
0x1c4: {  	v57 =	vld.idx.msk [tilespmem:v16+s5+$0x0], $0xffff  }
0x1c5: {  	v58 =	vld.idx.msk [tilespmem:v32+s5+$0x0], $0xffff;
	_ =	sdelay $0x1  }
0x1c6: {  	v0 =	vadd.f32 v1, v0;
	v1 =	vadd.f32 v19, v18  }
0x1c7: {  	v18 =	vadd.f32 v48, v47;
	v19 =	vadd.f32 v50, v49  }
0x1c8: {  	v59 =	vadd.f32 v52, v51;
	v60 =	vadd.f32 v54, v53  }
0x1c9: {  	v61 =	vadd.f32 v56, v55;
	v62 =	vadd.f32 v58, v57  }
0x1ca: {  	v0 =	vadd.f32 v1, v0;
	v1 =	vadd.f32 v19, v18  }
0x1cb: {  	s23 =	sshll.u32 s12, $0x4;
	v18 =	vadd.f32 v60, v59;
	v19 =	vadd.f32 v62, v61  }
0x1cc: {  	v63 =	vld.idx.msk [tilespmem:v17+s23+$0x400 ss:$0x1], $0xffff  }
0x1cd: {  	v0 =	vadd.f32 v1, v0;
	v1 =	vadd.f32 v19, v18  }
0x1ce: {  	v18 =	vld.idx.msk [tilespmem:v17+s23+$0x600 ss:$0x1], $0xffff  }
0x1cf: {  	v0 =	vadd.f32 v1, v0  }
0x1d0: {  	v1 =	vld [tilespmem:$0x1FFE0]  }
0x1d1: {  	v0 =	vadd.f32 v0, v63  }
0x1d2: {  	p0 =	seq.s32 s12, $0x3  }
.Ltmp0:
0x1d3: {  	v0 =	vadd.f32 v0, v18;
	(pc) =	sbr.rel @!p0 .LBB2_4-.Ltmp0, $3  }
0x1d4: {  	_ = 	snop  }
0x1d5: {  	v0 =	vadd.f32 v0, v1;
	_ =	sdelay $0x1  }
0x1d6: {  	s12 =	sadd.s32 $0x1, s12;
	[tilespmem:v17+s23+$0x880 ss:$0x1] =	vst.idx.msk $0xffff, v0  }
0x1d7: {  	p0 =	seq.s32 s21, $0x8  }
.Ltmp1:
0x1d8: {  	_ = 	snop;
	(pc) =	sbr.rel @!p0 .LBB2_3-.Ltmp1, $1  }
0x1d9: {  	_ =	sdelay $0x3  }
0x1da: {  	s7 =	rddreg [dreg:$0xf];
	s8 =	simm.s32 $0x880  }
0x1db: {  	[hbm4b:s7+s4] =	stream.linear.scatter [tilespmem:s8], [sflag:$0x6], $0x200, $0x38;
	[tilespmem:$0x9280] =	vst v63  }
0x1dc: {  	_ =	swait.ge [sflag:s22], $0x200  }
0x1dd: {  	s19 =	sadd.s32 $0x1, s19;
	s31 =	rddreg [dreg:$0x10]  }
0x1de: {  	p0 =	sne.s32 s19, s31  }
.Ltmp2:
0x1df: {  	_ = 	snop;
	(pc) =	sbr.rel @p0 .LBB2_1-.Ltmp2, $3  }
0x1e0: {  	_ =	sdelay $0x1  }
0x1e1: {  	[sflag:s22] =	ssyncset.done $0x0  }
0x1e2: {  	[sflag:s22] =	ssyncadd.s32 $0xFFFFFE00  }
0x1e3: {  	_ =	sfence.sel $0x180000  }
0x1e4: {  	[bflag:$0x0] =	sbarrier.arrive $0xFFFF  }
0x1e5: {  	_ =	strace $0x90000047  }
0x1e6: {  	s0 =	stileid.u32;
	[bflag:$0x2] =	sbarrier.arrive $0xFFFF  }
0x1e7: {  	p0 =	sne.s32 s0, $0x0;
	s0 =	rddreg [dreg:$0x6]  }
0x1e8: {  	s0 =	sadd.s32 @!p0 $0x100000, s0  }
0x1e9: {  	[sflag:s0] =	ssyncadd.tile.s32 @!p0 $0x1;
	_ =	shalt  }
.Lfunc_end2:
_tile_overlayer_lowered:
.L_overlay_start_2:
0x1ea: {  	(tag) =	ssettag $0x2  }
0x1eb: {  	s0 =	rddreg [dreg:$0x0];
	s2 =	stileid.u32  }
0x1ec: {  	s1 =	rddreg [dreg:$0x1];
	p0 =	sne.s32 s2, $0x0  }
0x1ed: {  	s3 =	rddreg [dreg:$0x2];
	[bflag:$0x3] =	sbarrier.arrive $0xFFFF;
	s2 =	simm.s32 @!p0 $0x1C06  }
0x1ee: {  	[timem:s3], [sflag:s2] =	dma.local @!p0 [hbm:s0], s1  }
0x1ef: {  	s0 =	simm.s32 @!p0 $0x6  }
0x1f0: {  	_ =	swait.ge @!p0 [sflag:s0], s1  }
0x1f1: {  	s1 =	ssub.s32 @!p0 $0x0, s1;
	[sflag:s0] =	ssyncset.done @!p0 $0x0  }
0x1f2: {  	[sflag:s0] =	ssyncadd.s32 @!p0 s1  }
0x1f3: {  	[bflag:$0x3] =	sbarrier.arrive $0xFFFF  }
0x1f4: {  	_ =	shalt  }

</sc_bundles>
